<compile_context>
chip_gen: v7x
topology: tpu7x:2x2x1
jax: 0.10.2.dev20260603
libtpu: 0.0.44.dev20260713+nightly
codegen_flags: <defaults>
</compile_context>

<pallas_src>
import functools

import jax
import jax.numpy as jnp
from jax import lax
from jax.experimental import pallas as pl
from jax.experimental.pallas import tpu as pltpu
from jax.experimental.pallas import tpu_sc as plsc

N = 10000
F = 128
NCLASS = 2
NC, NS, L = 2, 16, 16
NW = NC * NS
K = 64
SB_CH = 32
BLK_E = SB_CH * K
A_BLK = 10
B_BLK = 0
NV = NS * (A_BLK + B_BLK)
E_PAD = NV * BLK_E
ROWS_PER_TILE = 640
N_PAD = NS * ROWS_PER_TILE
DEG_W = 8
NBUF = 4

_mesh = plsc.VectorSubcoreMesh(
    core_axis_name="c", subcore_axis_name="s", num_cores=NC, num_subcores=NS)


@functools.partial(
    pl.kernel,
    out_type=jax.ShapeDtypeStruct((NC, N_PAD, DEG_W), jnp.float32),
    mesh=_mesh,
    scratch_types=[
        pltpu.VMEM((SB_CH, K), jnp.int32),
        pltpu.VMEM((K, DEG_W), jnp.float32),
        pltpu.VMEM((K, DEG_W), jnp.float32),
        pltpu.VMEM_SHARED((N_PAD, DEG_W), jnp.float32),
        pltpu.SemaphoreType.DMA,
    ],
)
def _deg_kernel(col_hbm, out_hbm, cidx, ones_v, zero_v, deg_sh, sem_s):
    c = lax.axis_index("c")
    s = lax.axis_index("s")

    def fill(i, carry):
        ones_v[i] = jnp.ones((DEG_W,), jnp.float32)
        zero_v[i] = jnp.zeros((DEG_W,), jnp.float32)
        return carry
    lax.fori_loop(0, K, fill, 0)

    base = s * ROWS_PER_TILE
    for p in range(ROWS_PER_TILE // K):
        pltpu.sync_copy(zero_v, deg_sh.at[pl.ds(base + p * K, K)])
    plsc.subcore_barrier()

    nv = jnp.where(c == 0, A_BLK, B_BLK)
    v0 = jnp.where(c == 0, s * A_BLK, NS * A_BLK + s * B_BLK)

    def sblock(p, carry):
        pltpu.sync_copy(col_hbm.at[v0 + p], cidx)

        def scat(q, c2):
            pltpu.async_copy(ones_v, deg_sh.at[cidx.at[q]], sem_s, add=True)
            return c2
        lax.fori_loop(0, SB_CH, scat, 0)

        def drain(q, c2):
            pltpu.make_async_copy(ones_v, deg_sh.at[cidx.at[q]], sem_s).wait()
            return c2
        lax.fori_loop(0, SB_CH, drain, 0)
        return carry
    lax.fori_loop(0, nv, sblock, 0)

    plsc.subcore_barrier()
    pltpu.sync_copy(deg_sh.at[pl.ds(base, ROWS_PER_TILE)],
                    out_hbm.at[c, pl.ds(base, ROWS_PER_TILE)])


@functools.partial(
    pl.kernel,
    out_type=jax.ShapeDtypeStruct((NC, N_PAD, F), jnp.float32),
    mesh=_mesh,
    scratch_types=[
        pltpu.VMEM((SB_CH, K), jnp.int32),
        pltpu.VMEM((SB_CH, K), jnp.int32),
        *[pltpu.VMEM((K, F), jnp.float32) for _ in range(NBUF)],
        pltpu.VMEM_SHARED((N_PAD, F), jnp.float32),
        *[pltpu.SemaphoreType.DMA for _ in range(2 * NBUF)],
    ],
)
def _edge_kernel(row_hbm, col_hbm, g_hbm, out_hbm, ridx, cidx, *rest):
    bufs = rest[:NBUF]
    acc_sh = rest[NBUF]
    gsem = rest[NBUF + 1:NBUF + 1 + NBUF]
    ssem = rest[NBUF + 1 + NBUF:]
    c = lax.axis_index("c")
    s = lax.axis_index("s")

    def zrow(i, carry):
        for kk in range(F // L):
            bufs[0][i, pl.ds(kk * L, L)] = jnp.zeros((L,), jnp.float32)
        return carry
    lax.fori_loop(0, K, zrow, 0)
    base = s * ROWS_PER_TILE
    for p in range(ROWS_PER_TILE // K):
        pltpu.sync_copy(bufs[0], acc_sh.at[pl.ds(base + p * K, K)])
    plsc.subcore_barrier()

    nv = jnp.where(c == 0, A_BLK, B_BLK)
    v0 = jnp.where(c == 0, s * A_BLK, NS * A_BLK + s * B_BLK)

    def sblock(p, carry):
        pltpu.sync_copy(row_hbm.at[v0 + p], ridx)
        pltpu.sync_copy(col_hbm.at[v0 + p], cidx)
        for b in range(NBUF):
            pltpu.async_copy(acc_sh.at[ridx.at[b]], bufs[b], gsem[b])

        def body(i, c2):
            q0 = i * NBUF
            for b in range(NBUF):
                q = q0 + b
                pltpu.make_async_copy(
                    acc_sh.at[ridx.at[q]], bufs[b], gsem[b]).wait()

                @pl.when(q + NBUF < SB_CH)
                def _():
                    pltpu.async_copy(
                        acc_sh.at[ridx.at[q + NBUF]], bufs[b], gsem[b])
            return c2
        lax.fori_loop(0, SB_CH // NBUF, body, 0)
        return carry
    lax.fori_loop(0, nv, sblock, 0)

    plsc.subcore_barrier()
    pltpu.sync_copy(acc_sh.at[pl.ds(base, ROWS_PER_TILE)],
                    out_hbm.at[c, pl.ds(base, ROWS_PER_TILE)])


def _mm_body(x_ref, w_ref, h_ref):
    h_ref[...] = jnp.dot(x_ref[...], w_ref[...],
                         preferred_element_type=jnp.float32)


def _scale_body(h_ref, degp_ref, g_ref):
    deg = degp_ref[0, :, 0:1] + degp_ref[1, :, 0:1] + 1.0
    dis = lax.rsqrt(deg)
    g_ref[pl.ds(0, N), :] = h_ref[...] * dis[0:N]
    g_ref[pl.ds(N, N_PAD - N), :] = jnp.zeros((N_PAD - N, F), jnp.float32)


def _final_body(accp_ref, g_ref, degp_ref, b_ref, gam_ref, bet_ref,
                fcw_ref, fcb_ref, logits_ref, embed_ref):
    deg = degp_ref[0, :, 0:1] + degp_ref[1, :, 0:1] + 1.0
    dis = lax.rsqrt(deg[0:N])
    ssum = accp_ref[0, 0:N, :] + accp_ref[1, 0:N, :] + g_ref[0:N, :]
    out = ssum * dis + b_ref[...]
    mean = jnp.mean(out, axis=0, keepdims=True)
    cent = out - mean
    var = jnp.mean(cent * cent, axis=0, keepdims=True)
    embed = cent * lax.rsqrt(var + 1e-5) * gam_ref[...] + bet_ref[...]
    embed_ref[...] = embed
    logits_ref[...] = jnp.dot(embed[:, 0:F // 2], fcw_ref[...],
                              preferred_element_type=jnp.float32) + fcb_ref[...]


def kernel(x, edge_index, W_gc, b_gc, bn_gamma, bn_beta, fc_W, fc_b):
    E = edge_index.shape[1]
    row = edge_index[0].astype(jnp.int32)
    col = edge_index[1].astype(jnp.int32)
    padv = jnp.full((E_PAD - E,), N, jnp.int32)
    row_t = jnp.concatenate([row, padv]).reshape(NV, SB_CH, K)
    col_t = jnp.concatenate([col, padv]).reshape(NV, SB_CH, K)

    degp = _deg_kernel(col_t)

    h = pl.pallas_call(
        _mm_body,
        out_shape=jax.ShapeDtypeStruct((N, F), jnp.float32),
    )(x, W_gc)

    g_pad = pl.pallas_call(
        _scale_body,
        out_shape=jax.ShapeDtypeStruct((N_PAD, F), jnp.float32),
    )(h, degp)

    accp = _edge_kernel(row_t, col_t, g_pad)

    logits, embed = pl.pallas_call(
        _final_body,
        out_shape=[
            jax.ShapeDtypeStruct((N, NCLASS), jnp.float32),
            jax.ShapeDtypeStruct((N, F), jnp.float32),
        ],
    )(accp, g_pad, degp, b_gc.reshape(1, F), bn_gamma.reshape(1, F),
      bn_beta.reshape(1, F), fc_W, fc_b.reshape(1, NCLASS))
    return (logits, embed)

# --- scband reference (transcript-rebuilt; emitter-appended) ---
"""Pipeline reference for scband-our-8237747274084 (READ-ONLY COPY).

The authoritative reference and input builder live on the scoring server;
editing this copy changes nothing except your own understanding.
"""

import jax, jax.numpy as jnp
import numpy as np

N_NODES = 10000
N_EDGES = 320000
NFEAT = 128
NHID = 128
NCLASS = 2


def setup_inputs(seed: int = 0) -> dict:
    key = jax.random.key(seed)
    k1, k2, k3, k4, k5, k6 = jax.random.split(key, 6)
    x = jax.random.normal(k1, (N_NODES, NFEAT), dtype=jnp.float32)
    edge_index = jax.random.randint(k2, (2, N_EDGES), 0, N_NODES, dtype=jnp.int64)
    # GCNConv weight (glorot) and bias (zeros), as in PyG defaults
    limit = float(np.sqrt(6.0 / (NFEAT + NHID)))
    W_gc = jax.random.uniform(k3, (NFEAT, NHID), minval=-limit, maxval=limit, dtype=jnp.float32)
    b_gc = jnp.zeros((NHID,), dtype=jnp.float32)
    # BatchNorm1d affine params
    bn_gamma = jnp.ones((NHID,), dtype=jnp.float32)
    bn_beta = jnp.zeros((NHID,), dtype=jnp.float32)
    # fc: Linear(nhid//2, nclass), xavier-uniform weight, zero bias
    half = NHID // 2
    limit_fc = float(np.sqrt(6.0 / (half + NCLASS)))
    fc_W = jax.random.uniform(k4, (half, NCLASS), minval=-limit_fc, maxval=limit_fc, dtype=jnp.float32)
    fc_b = jnp.zeros((NCLASS,), dtype=jnp.float32)
    return {
        "x": x,
        "edge_index": edge_index,
        "W_gc": W_gc,
        "b_gc": b_gc,
        "bn_gamma": bn_gamma,
        "bn_beta": bn_beta,
        "fc_W": fc_W,
        "fc_b": fc_b,
    }


def reference(x, edge_index, W_gc, b_gc, bn_gamma, bn_beta, fc_W, fc_b):
    N = x.shape[0]
    # --- GCNConv (PyG semantics: gcn_norm with add_self_loops=True) ---
    loop = jnp.arange(N, dtype=edge_index.dtype)
    row = jnp.concatenate([edge_index[0], loop])  # source
    col = jnp.concatenate([edge_index[1], loop])  # target
    ones = jnp.ones(row.shape[0], dtype=jnp.float32)
    deg = jnp.zeros((N,), dtype=jnp.float32).at[col].add(ones)
    deg_inv_sqrt = jnp.where(deg > 0, deg ** -0.5, 0.0)
    norm = deg_inv_sqrt[row] * deg_inv_sqrt[col]
    h = x @ W_gc
    msg = h[row] * norm[:, None]
    out = jnp.zeros((N, h.shape[1]), dtype=h.dtype).at[col].add(msg)
    out = out + b_gc
    # --- BatchNorm1d (training mode: batch statistics, biased variance) ---
    mean = jnp.mean(out, axis=0)
    var = jnp.mean((out - mean) ** 2, axis=0)
    embed = (out - mean) / jnp.sqrt(var + 1e-5) * bn_gamma + bn_beta
    # --- fc on first half of embed ---
    half = embed.shape[1] // 2
    logits = embed[:, :half] @ fc_W + fc_b
    return (logits, embed)

if __name__ == "__main__":
    import jax
    _d = setup_inputs()
    print(jax.jit(kernel)(*tuple(_d.values())))

</pallas_src>

<mosaic_0001>
#map = affine_map<(d0, d1) -> (0, 0, 0)>
#map1 = affine_map<(d0, d1) -> (0, 0)>
module attributes {stable_mosaic.version = 14 : i64} {
  func.func @_edge_kernel(%arg0: i32, %arg1: i32, %arg2: memref<160x32x64xi32, #tpu.memory_space<hbm>>, %arg3: memref<160x32x64xi32, #tpu.memory_space<hbm>>, %arg4: memref<10240x128xf32, #tpu.memory_space<hbm>>, %arg5: memref<2x10240x128xf32, #tpu.memory_space<hbm>>, %arg6: memref<32x64xi32, #tpu.memory_space<vmem>>, %arg7: memref<32x64xi32, #tpu.memory_space<vmem>>, %arg8: memref<64x128xf32, #tpu.memory_space<vmem>>, %arg9: memref<64x128xf32, #tpu.memory_space<vmem>>, %arg10: memref<64x128xf32, #tpu.memory_space<vmem>>, %arg11: memref<64x128xf32, #tpu.memory_space<vmem>>, %arg12: memref<10240x128xf32, #tpu.memory_space<vmem_shared>>, %arg13: memref<!tpu.dma_semaphore, #tpu.memory_space<semaphore_mem>>, %arg14: memref<!tpu.dma_semaphore, #tpu.memory_space<semaphore_mem>>, %arg15: memref<!tpu.dma_semaphore, #tpu.memory_space<semaphore_mem>>, %arg16: memref<!tpu.dma_semaphore, #tpu.memory_space<semaphore_mem>>, %arg17: memref<!tpu.dma_semaphore, #tpu.memory_space<semaphore_mem>>, %arg18: memref<!tpu.dma_semaphore, #tpu.memory_space<semaphore_mem>>, %arg19: memref<!tpu.dma_semaphore, #tpu.memory_space<semaphore_mem>>, %arg20: memref<!tpu.dma_semaphore, #tpu.memory_space<semaphore_mem>>) attributes {dimension_semantics = [#tpu.dimension_semantics<core_parallel>, #tpu.dimension_semantics<subcore_parallel>], iteration_bounds = array<i64: 2, 16>, scalar_prefetch = 0 : i64, scratch_operands = 15 : i64, tpu.core_type = #tpu.core_type<sc_vector_subcore>, window_params = [{transform_indices = #map}, {transform_indices = #map}, {transform_indices = #map1}, {transform_indices = #map}]} {
    %scan3A = arith.constant 0 : i32
    %scan3A_0 = arith.constant 0 : i32
    %scan3A_1 = arith.constant 64 : i32
    %scan3A_2 = arith.addi %scan3A_0, %scan3A_1 : i32
    %scan3A_3 = arith.constant 1 : i32
    scf.for %scan3A_46 = %scan3A_0 to %scan3A_2 step %scan3A_3  : i32 {
      %broadcast_in_dim3A = arith.constant 0.000000e+00 : f32
      %broadcast_in_dim3A_47 = vector.broadcast %broadcast_in_dim3A : f32 to vector<16xf32>
      %swap3A = arith.index_cast %scan3A_46 : i32 to index
      %swap3A_48 = arith.constant 0 : index
      %swap3A_49 = tpu.vector_load %arg8[%swap3A, %swap3A_48] {strides = array<i32>} : memref<64x128xf32, #tpu.memory_space<vmem>>, vector<1x16xf32>,
      %swap3A_50 = vector.shape_cast %swap3A_49 : vector<1x16xf32> to vector<16xf32>
      %swap3A_51 = vector.shape_cast %broadcast_in_dim3A_47 : vector<16xf32> to vector<1x16xf32>
      tpu.vector_store %arg8[%swap3A, %swap3A_48], %swap3A_51 {strides = array<i32>} : memref<64x128xf32, #tpu.memory_space<vmem>>, vector<1x16xf32>,
      %broadcast_in_dim3A_52 = arith.constant 0.000000e+00 : f32
      %broadcast_in_dim3A_53 = vector.broadcast %broadcast_in_dim3A_52 : f32 to vector<16xf32>
      %swap3A_54 = arith.index_cast %scan3A_46 : i32 to index
      %swap3A_55 = arith.constant 16 : index
      %swap3A_56 = tpu.vector_load %arg8[%swap3A_54, %swap3A_55] {strides = array<i32>} : memref<64x128xf32, #tpu.memory_space<vmem>>, vector<1x16xf32>,
      %swap3A_57 = vector.shape_cast %swap3A_56 : vector<1x16xf32> to vector<16xf32>
      %swap3A_58 = vector.shape_cast %broadcast_in_dim3A_53 : vector<16xf32> to vector<1x16xf32>
      tpu.vector_store %arg8[%swap3A_54, %swap3A_55], %swap3A_58 {strides = array<i32>} : memref<64x128xf32, #tpu.memory_space<vmem>>, vector<1x16xf32>,
      %broadcast_in_dim3A_59 = arith.constant 0.000000e+00 : f32
      %broadcast_in_dim3A_60 = vector.broadcast %broadcast_in_dim3A_59 : f32 to vector<16xf32>
      %swap3A_61 = arith.index_cast %scan3A_46 : i32 to index
      %swap3A_62 = arith.constant 32 : index
      %swap3A_63 = tpu.vector_load %arg8[%swap3A_61, %swap3A_62] {strides = array<i32>} : memref<64x128xf32, #tpu.memory_space<vmem>>, vector<1x16xf32>,
      %swap3A_64 = vector.shape_cast %swap3A_63 : vector<1x16xf32> to vector<16xf32>
      %swap3A_65 = vector.shape_cast %broadcast_in_dim3A_60 : vector<16xf32> to vector<1x16xf32>
      tpu.vector_store %arg8[%swap3A_61, %swap3A_62], %swap3A_65 {strides = array<i32>} : memref<64x128xf32, #tpu.memory_space<vmem>>, vector<1x16xf32>,
      %broadcast_in_dim3A_66 = arith.constant 0.000000e+00 : f32
      %broadcast_in_dim3A_67 = vector.broadcast %broadcast_in_dim3A_66 : f32 to vector<16xf32>
      %swap3A_68 = arith.index_cast %scan3A_46 : i32 to index
      %swap3A_69 = arith.constant 48 : index
      %swap3A_70 = tpu.vector_load %arg8[%swap3A_68, %swap3A_69] {strides = array<i32>} : memref<64x128xf32, #tpu.memory_space<vmem>>, vector<1x16xf32>,
      %swap3A_71 = vector.shape_cast %swap3A_70 : vector<1x16xf32> to vector<16xf32>
      %swap3A_72 = vector.shape_cast %broadcast_in_dim3A_67 : vector<16xf32> to vector<1x16xf32>
      tpu.vector_store %arg8[%swap3A_68, %swap3A_69], %swap3A_72 {strides = array<i32>} : memref<64x128xf32, #tpu.memory_space<vmem>>, vector<1x16xf32>,
      %broadcast_in_dim3A_73 = arith.constant 0.000000e+00 : f32
      %broadcast_in_dim3A_74 = vector.broadcast %broadcast_in_dim3A_73 : f32 to vector<16xf32>
      %swap3A_75 = arith.index_cast %scan3A_46 : i32 to index
      %swap3A_76 = arith.constant 64 : index
      %swap3A_77 = tpu.vector_load %arg8[%swap3A_75, %swap3A_76] {strides = array<i32>} : memref<64x128xf32, #tpu.memory_space<vmem>>, vector<1x16xf32>,
      %swap3A_78 = vector.shape_cast %swap3A_77 : vector<1x16xf32> to vector<16xf32>
      %swap3A_79 = vector.shape_cast %broadcast_in_dim3A_74 : vector<16xf32> to vector<1x16xf32>
      tpu.vector_store %arg8[%swap3A_75, %swap3A_76], %swap3A_79 {strides = array<i32>} : memref<64x128xf32, #tpu.memory_space<vmem>>, vector<1x16xf32>,
      %broadcast_in_dim3A_80 = arith.constant 0.000000e+00 : f32
      %broadcast_in_dim3A_81 = vector.broadcast %broadcast_in_dim3A_80 : f32 to vector<16xf32>
      %swap3A_82 = arith.index_cast %scan3A_46 : i32 to index
      %swap3A_83 = arith.constant 80 : index
      %swap3A_84 = tpu.vector_load %arg8[%swap3A_82, %swap3A_83] {strides = array<i32>} : memref<64x128xf32, #tpu.memory_space<vmem>>, vector<1x16xf32>,
      %swap3A_85 = vector.shape_cast %swap3A_84 : vector<1x16xf32> to vector<16xf32>
      %swap3A_86 = vector.shape_cast %broadcast_in_dim3A_81 : vector<16xf32> to vector<1x16xf32>
      tpu.vector_store %arg8[%swap3A_82, %swap3A_83], %swap3A_86 {strides = array<i32>} : memref<64x128xf32, #tpu.memory_space<vmem>>, vector<1x16xf32>,
      %broadcast_in_dim3A_87 = arith.constant 0.000000e+00 : f32
      %broadcast_in_dim3A_88 = vector.broadcast %broadcast_in_dim3A_87 : f32 to vector<16xf32>
      %swap3A_89 = arith.index_cast %scan3A_46 : i32 to index
      %swap3A_90 = arith.constant 96 : index
      %swap3A_91 = tpu.vector_load %arg8[%swap3A_89, %swap3A_90] {strides = array<i32>} : memref<64x128xf32, #tpu.memory_space<vmem>>, vector<1x16xf32>,
      %swap3A_92 = vector.shape_cast %swap3A_91 : vector<1x16xf32> to vector<16xf32>
      %swap3A_93 = vector.shape_cast %broadcast_in_dim3A_88 : vector<16xf32> to vector<1x16xf32>
      tpu.vector_store %arg8[%swap3A_89, %swap3A_90], %swap3A_93 {strides = array<i32>} : memref<64x128xf32, #tpu.memory_space<vmem>>, vector<1x16xf32>,
      %broadcast_in_dim3A_94 = arith.constant 0.000000e+00 : f32
      %broadcast_in_dim3A_95 = vector.broadcast %broadcast_in_dim3A_94 : f32 to vector<16xf32>
      %swap3A_96 = arith.index_cast %scan3A_46 : i32 to index
      %swap3A_97 = arith.constant 112 : index
      %swap3A_98 = tpu.vector_load %arg8[%swap3A_96, %swap3A_97] {strides = array<i32>} : memref<64x128xf32, #tpu.memory_space<vmem>>, vector<1x16xf32>,
      %swap3A_99 = vector.shape_cast %swap3A_98 : vector<1x16xf32> to vector<16xf32>
      %swap3A_100 = vector.shape_cast %broadcast_in_dim3A_95 : vector<16xf32> to vector<1x16xf32>
      tpu.vector_store %arg8[%swap3A_96, %swap3A_97], %swap3A_100 {strides = array<i32>} : memref<64x128xf32, #tpu.memory_space<vmem>>, vector<1x16xf32>,
    }
    %scan3A_4 = arith.constant 64 : i32
    %mul3A = arith.constant 640 : i32
    %mul3A_5 = arith.muli %arg1, %mul3A : i32
    %add3A = arith.constant 0 : i32
    %add3A_6 = arith.addi %mul3A_5, %add3A : i32
    "tpu.region"() ({
      %run_scoped3A = tpu.sem_alloc : memref<!tpu.dma_semaphore, #tpu.memory_space<semaphore_mem>>
      %dma_start3A = arith.constant 0 : i32
      %dma_start3A_46 = tpu.memref_slice %arg12[%add3A_6, %dma_start3A] : memref<10240x128xf32, #tpu.memory_space<vmem_shared>> -> memref<64x128xf32, #tpu.memory_space<vmem_shared>>
      %dma_start3A_47 = arith.constant 0 : i32
      %dma_start3A_48 = tpu.memref_slice %arg12[%add3A_6, %dma_start3A_47] : memref<10240x128xf32, #tpu.memory_space<vmem_shared>> -> memref<64x128xf32, #tpu.memory_space<vmem_shared>>
      tpu.enqueue_dma source(%arg8 : memref<64x128xf32, #tpu.memory_space<vmem>>) target(%dma_start3A_48 : memref<64x128xf32, #tpu.memory_space<vmem_shared>>) target_semaphore(%run_scoped3A : memref<!tpu.dma_semaphore, #tpu.memory_space<semaphore_mem>>)
      %dma_wait3A = arith.constant 0 : i32
      %dma_wait3A_49 = tpu.memref_slice %arg12[%add3A_6, %dma_wait3A] : memref<10240x128xf32, #tpu.memory_space<vmem_shared>> -> memref<64x128xf32, #tpu.memory_space<vmem_shared>>
      %dma_wait3A_50 = arith.constant 0 : i32
      %dma_wait3A_51 = tpu.memref_slice %arg12[%add3A_6, %dma_wait3A_50] : memref<10240x128xf32, #tpu.memory_space<vmem_shared>> -> memref<64x128xf32, #tpu.memory_space<vmem_shared>>
      tpu.wait_dma2 semaphore(%run_scoped3A : memref<!tpu.dma_semaphore, #tpu.memory_space<semaphore_mem>>) src(%arg8 : memref<64x128xf32, #tpu.memory_space<vmem>>) dst(%dma_wait3A_51 : memref<64x128xf32, #tpu.memory_space<vmem_shared>>)
      tpu.yield
    }) : () -> ()
    %add3A_7 = arith.constant 64 : i32
    %add3A_8 = arith.addi %mul3A_5, %add3A_7 : i32
    "tpu.region"() ({
      %run_scoped3A = tpu.sem_alloc : memref<!tpu.dma_semaphore, #tpu.memory_space<semaphore_mem>>
      %dma_start3A = arith.constant 0 : i32
      %dma_start3A_46 = tpu.memref_slice %arg12[%add3A_8, %dma_start3A] : memref<10240x128xf32, #tpu.memory_space<vmem_shared>> -> memref<64x128xf32, #tpu.memory_space<vmem_shared>>
      %dma_start3A_47 = arith.constant 0 : i32
      %dma_start3A_48 = tpu.memref_slice %arg12[%add3A_8, %dma_start3A_47] : memref<10240x128xf32, #tpu.memory_space<vmem_shared>> -> memref<64x128xf32, #tpu.memory_space<vmem_shared>>
      tpu.enqueue_dma source(%arg8 : memref<64x128xf32, #tpu.memory_space<vmem>>) target(%dma_start3A_48 : memref<64x128xf32, #tpu.memory_space<vmem_shared>>) target_semaphore(%run_scoped3A : memref<!tpu.dma_semaphore, #tpu.memory_space<semaphore_mem>>)
      %dma_wait3A = arith.constant 0 : i32
      %dma_wait3A_49 = tpu.memref_slice %arg12[%add3A_8, %dma_wait3A] : memref<10240x128xf32, #tpu.memory_space<vmem_shared>> -> memref<64x128xf32, #tpu.memory_space<vmem_shared>>
      %dma_wait3A_50 = arith.constant 0 : i32
      %dma_wait3A_51 = tpu.memref_slice %arg12[%add3A_8, %dma_wait3A_50] : memref<10240x128xf32, #tpu.memory_space<vmem_shared>> -> memref<64x128xf32, #tpu.memory_space<vmem_shared>>
      tpu.wait_dma2 semaphore(%run_scoped3A : memref<!tpu.dma_semaphore, #tpu.memory_space<semaphore_mem>>) src(%arg8 : memref<64x128xf32, #tpu.memory_space<vmem>>) dst(%dma_wait3A_51 : memref<64x128xf32, #tpu.memory_space<vmem_shared>>)
      tpu.yield
    }) : () -> ()
    %add3A_9 = arith.constant 128 : i32
    %add3A_10 = arith.addi %mul3A_5, %add3A_9 : i32
    "tpu.region"() ({
      %run_scoped3A = tpu.sem_alloc : memref<!tpu.dma_semaphore, #tpu.memory_space<semaphore_mem>>
      %dma_start3A = arith.constant 0 : i32
      %dma_start3A_46 = tpu.memref_slice %arg12[%add3A_10, %dma_start3A] : memref<10240x128xf32, #tpu.memory_space<vmem_shared>> -> memref<64x128xf32, #tpu.memory_space<vmem_shared>>
      %dma_start3A_47 = arith.constant 0 : i32
      %dma_start3A_48 = tpu.memref_slice %arg12[%add3A_10, %dma_start3A_47] : memref<10240x128xf32, #tpu.memory_space<vmem_shared>> -> memref<64x128xf32, #tpu.memory_space<vmem_shared>>
      tpu.enqueue_dma source(%arg8 : memref<64x128xf32, #tpu.memory_space<vmem>>) target(%dma_start3A_48 : memref<64x128xf32, #tpu.memory_space<vmem_shared>>) target_semaphore(%run_scoped3A : memref<!tpu.dma_semaphore, #tpu.memory_space<semaphore_mem>>)
      %dma_wait3A = arith.constant 0 : i32
      %dma_wait3A_49 = tpu.memref_slice %arg12[%add3A_10, %dma_wait3A] : memref<10240x128xf32, #tpu.memory_space<vmem_shared>> -> memref<64x128xf32, #tpu.memory_space<vmem_shared>>
      %dma_wait3A_50 = arith.constant 0 : i32
      %dma_wait3A_51 = tpu.memref_slice %arg12[%add3A_10, %dma_wait3A_50] : memref<10240x128xf32, #tpu.memory_space<vmem_shared>> -> memref<64x128xf32, #tpu.memory_space<vmem_shared>>
      tpu.wait_dma2 semaphore(%run_scoped3A : memref<!tpu.dma_semaphore, #tpu.memory_space<semaphore_mem>>) src(%arg8 : memref<64x128xf32, #tpu.memory_space<vmem>>) dst(%dma_wait3A_51 : memref<64x128xf32, #tpu.memory_space<vmem_shared>>)
      tpu.yield
    }) : () -> ()
    %add3A_11 = arith.constant 192 : i32
    %add3A_12 = arith.addi %mul3A_5, %add3A_11 : i32
    "tpu.region"() ({
      %run_scoped3A = tpu.sem_alloc : memref<!tpu.dma_semaphore, #tpu.memory_space<semaphore_mem>>
      %dma_start3A = arith.constant 0 : i32
      %dma_start3A_46 = tpu.memref_slice %arg12[%add3A_12, %dma_start3A] : memref<10240x128xf32, #tpu.memory_space<vmem_shared>> -> memref<64x128xf32, #tpu.memory_space<vmem_shared>>
      %dma_start3A_47 = arith.constant 0 : i32
      %dma_start3A_48 = tpu.memref_slice %arg12[%add3A_12, %dma_start3A_47] : memref<10240x128xf32, #tpu.memory_space<vmem_shared>> -> memref<64x128xf32, #tpu.memory_space<vmem_shared>>
      tpu.enqueue_dma source(%arg8 : memref<64x128xf32, #tpu.memory_space<vmem>>) target(%dma_start3A_48 : memref<64x128xf32, #tpu.memory_space<vmem_shared>>) target_semaphore(%run_scoped3A : memref<!tpu.dma_semaphore, #tpu.memory_space<semaphore_mem>>)
      %dma_wait3A = arith.constant 0 : i32
      %dma_wait3A_49 = tpu.memref_slice %arg12[%add3A_12, %dma_wait3A] : memref<10240x128xf32, #tpu.memory_space<vmem_shared>> -> memref<64x128xf32, #tpu.memory_space<vmem_shared>>
      %dma_wait3A_50 = arith.constant 0 : i32
      %dma_wait3A_51 = tpu.memref_slice %arg12[%add3A_12, %dma_wait3A_50] : memref<10240x128xf32, #tpu.memory_space<vmem_shared>> -> memref<64x128xf32, #tpu.memory_space<vmem_shared>>
      tpu.wait_dma2 semaphore(%run_scoped3A : memref<!tpu.dma_semaphore, #tpu.memory_space<semaphore_mem>>) src(%arg8 : memref<64x128xf32, #tpu.memory_space<vmem>>) dst(%dma_wait3A_51 : memref<64x128xf32, #tpu.memory_space<vmem_shared>>)
      tpu.yield
    }) : () -> ()
    %add3A_13 = arith.constant 256 : i32
    %add3A_14 = arith.addi %mul3A_5, %add3A_13 : i32
    "tpu.region"() ({
      %run_scoped3A = tpu.sem_alloc : memref<!tpu.dma_semaphore, #tpu.memory_space<semaphore_mem>>
      %dma_start3A = arith.constant 0 : i32
      %dma_start3A_46 = tpu.memref_slice %arg12[%add3A_14, %dma_start3A] : memref<10240x128xf32, #tpu.memory_space<vmem_shared>> -> memref<64x128xf32, #tpu.memory_space<vmem_shared>>
      %dma_start3A_47 = arith.constant 0 : i32
      %dma_start3A_48 = tpu.memref_slice %arg12[%add3A_14, %dma_start3A_47] : memref<10240x128xf32, #tpu.memory_space<vmem_shared>> -> memref<64x128xf32, #tpu.memory_space<vmem_shared>>
      tpu.enqueue_dma source(%arg8 : memref<64x128xf32, #tpu.memory_space<vmem>>) target(%dma_start3A_48 : memref<64x128xf32, #tpu.memory_space<vmem_shared>>) target_semaphore(%run_scoped3A : memref<!tpu.dma_semaphore, #tpu.memory_space<semaphore_mem>>)
      %dma_wait3A = arith.constant 0 : i32
      %dma_wait3A_49 = tpu.memref_slice %arg12[%add3A_14, %dma_wait3A] : memref<10240x128xf32, #tpu.memory_space<vmem_shared>> -> memref<64x128xf32, #tpu.memory_space<vmem_shared>>
      %dma_wait3A_50 = arith.constant 0 : i32
      %dma_wait3A_51 = tpu.memref_slice %arg12[%add3A_14, %dma_wait3A_50] : memref<10240x128xf32, #tpu.memory_space<vmem_shared>> -> memref<64x128xf32, #tpu.memory_space<vmem_shared>>
      tpu.wait_dma2 semaphore(%run_scoped3A : memref<!tpu.dma_semaphore, #tpu.memory_space<semaphore_mem>>) src(%arg8 : memref<64x128xf32, #tpu.memory_space<vmem>>) dst(%dma_wait3A_51 : memref<64x128xf32, #tpu.memory_space<vmem_shared>>)
      tpu.yield
    }) : () -> ()
    %add3A_15 = arith.constant 320 : i32
    %add3A_16 = arith.addi %mul3A_5, %add3A_15 : i32
    "tpu.region"() ({
      %run_scoped3A = tpu.sem_alloc : memref<!tpu.dma_semaphore, #tpu.memory_space<semaphore_mem>>
      %dma_start3A = arith.constant 0 : i32
      %dma_start3A_46 = tpu.memref_slice %arg12[%add3A_16, %dma_start3A] : memref<10240x128xf32, #tpu.memory_space<vmem_shared>> -> memref<64x128xf32, #tpu.memory_space<vmem_shared>>
      %dma_start3A_47 = arith.constant 0 : i32
      %dma_start3A_48 = tpu.memref_slice %arg12[%add3A_16, %dma_start3A_47] : memref<10240x128xf32, #tpu.memory_space<vmem_shared>> -> memref<64x128xf32, #tpu.memory_space<vmem_shared>>
      tpu.enqueue_dma source(%arg8 : memref<64x128xf32, #tpu.memory_space<vmem>>) target(%dma_start3A_48 : memref<64x128xf32, #tpu.memory_space<vmem_shared>>) target_semaphore(%run_scoped3A : memref<!tpu.dma_semaphore, #tpu.memory_space<semaphore_mem>>)
      %dma_wait3A = arith.constant 0 : i32
      %dma_wait3A_49 = tpu.memref_slice %arg12[%add3A_16, %dma_wait3A] : memref<10240x128xf32, #tpu.memory_space<vmem_shared>> -> memref<64x128xf32, #tpu.memory_space<vmem_shared>>
      %dma_wait3A_50 = arith.constant 0 : i32
      %dma_wait3A_51 = tpu.memref_slice %arg12[%add3A_16, %dma_wait3A_50] : memref<10240x128xf32, #tpu.memory_space<vmem_shared>> -> memref<64x128xf32, #tpu.memory_space<vmem_shared>>
      tpu.wait_dma2 semaphore(%run_scoped3A : memref<!tpu.dma_semaphore, #tpu.memory_space<semaphore_mem>>) src(%arg8 : memref<64x128xf32, #tpu.memory_space<vmem>>) dst(%dma_wait3A_51 : memref<64x128xf32, #tpu.memory_space<vmem_shared>>)
      tpu.yield
    }) : () -> ()
    %add3A_17 = arith.constant 384 : i32
    %add3A_18 = arith.addi %mul3A_5, %add3A_17 : i32
    "tpu.region"() ({
      %run_scoped3A = tpu.sem_alloc : memref<!tpu.dma_semaphore, #tpu.memory_space<semaphore_mem>>
      %dma_start3A = arith.constant 0 : i32
      %dma_start3A_46 = tpu.memref_slice %arg12[%add3A_18, %dma_start3A] : memref<10240x128xf32, #tpu.memory_space<vmem_shared>> -> memref<64x128xf32, #tpu.memory_space<vmem_shared>>
      %dma_start3A_47 = arith.constant 0 : i32
      %dma_start3A_48 = tpu.memref_slice %arg12[%add3A_18, %dma_start3A_47] : memref<10240x128xf32, #tpu.memory_space<vmem_shared>> -> memref<64x128xf32, #tpu.memory_space<vmem_shared>>
      tpu.enqueue_dma source(%arg8 : memref<64x128xf32, #tpu.memory_space<vmem>>) target(%dma_start3A_48 : memref<64x128xf32, #tpu.memory_space<vmem_shared>>) target_semaphore(%run_scoped3A : memref<!tpu.dma_semaphore, #tpu.memory_space<semaphore_mem>>)
      %dma_wait3A = arith.constant 0 : i32
      %dma_wait3A_49 = tpu.memref_slice %arg12[%add3A_18, %dma_wait3A] : memref<10240x128xf32, #tpu.memory_space<vmem_shared>> -> memref<64x128xf32, #tpu.memory_space<vmem_shared>>
      %dma_wait3A_50 = arith.constant 0 : i32
      %dma_wait3A_51 = tpu.memref_slice %arg12[%add3A_18, %dma_wait3A_50] : memref<10240x128xf32, #tpu.memory_space<vmem_shared>> -> memref<64x128xf32, #tpu.memory_space<vmem_shared>>
      tpu.wait_dma2 semaphore(%run_scoped3A : memref<!tpu.dma_semaphore, #tpu.memory_space<semaphore_mem>>) src(%arg8 : memref<64x128xf32, #tpu.memory_space<vmem>>) dst(%dma_wait3A_51 : memref<64x128xf32, #tpu.memory_space<vmem_shared>>)
      tpu.yield
    }) : () -> ()
    %add3A_19 = arith.constant 448 : i32
    %add3A_20 = arith.addi %mul3A_5, %add3A_19 : i32
    "tpu.region"() ({
      %run_scoped3A = tpu.sem_alloc : memref<!tpu.dma_semaphore, #tpu.memory_space<semaphore_mem>>
      %dma_start3A = arith.constant 0 : i32
      %dma_start3A_46 = tpu.memref_slice %arg12[%add3A_20, %dma_start3A] : memref<10240x128xf32, #tpu.memory_space<vmem_shared>> -> memref<64x128xf32, #tpu.memory_space<vmem_shared>>
      %dma_start3A_47 = arith.constant 0 : i32
      %dma_start3A_48 = tpu.memref_slice %arg12[%add3A_20, %dma_start3A_47] : memref<10240x128xf32, #tpu.memory_space<vmem_shared>> -> memref<64x128xf32, #tpu.memory_space<vmem_shared>>
      tpu.enqueue_dma source(%arg8 : memref<64x128xf32, #tpu.memory_space<vmem>>) target(%dma_start3A_48 : memref<64x128xf32, #tpu.memory_space<vmem_shared>>) target_semaphore(%run_scoped3A : memref<!tpu.dma_semaphore, #tpu.memory_space<semaphore_mem>>)
      %dma_wait3A = arith.constant 0 : i32
      %dma_wait3A_49 = tpu.memref_slice %arg12[%add3A_20, %dma_wait3A] : memref<10240x128xf32, #tpu.memory_space<vmem_shared>> -> memref<64x128xf32, #tpu.memory_space<vmem_shared>>
      %dma_wait3A_50 = arith.constant 0 : i32
      %dma_wait3A_51 = tpu.memref_slice %arg12[%add3A_20, %dma_wait3A_50] : memref<10240x128xf32, #tpu.memory_space<vmem_shared>> -> memref<64x128xf32, #tpu.memory_space<vmem_shared>>
      tpu.wait_dma2 semaphore(%run_scoped3A : memref<!tpu.dma_semaphore, #tpu.memory_space<semaphore_mem>>) src(%arg8 : memref<64x128xf32, #tpu.memory_space<vmem>>) dst(%dma_wait3A_51 : memref<64x128xf32, #tpu.memory_space<vmem_shared>>)
      tpu.yield
    }) : () -> ()
    %add3A_21 = arith.constant 512 : i32
    %add3A_22 = arith.addi %mul3A_5, %add3A_21 : i32
    "tpu.region"() ({
      %run_scoped3A = tpu.sem_alloc : memref<!tpu.dma_semaphore, #tpu.memory_space<semaphore_mem>>
      %dma_start3A = arith.constant 0 : i32
      %dma_start3A_46 = tpu.memref_slice %arg12[%add3A_22, %dma_start3A] : memref<10240x128xf32, #tpu.memory_space<vmem_shared>> -> memref<64x128xf32, #tpu.memory_space<vmem_shared>>
      %dma_start3A_47 = arith.constant 0 : i32
      %dma_start3A_48 = tpu.memref_slice %arg12[%add3A_22, %dma_start3A_47] : memref<10240x128xf32, #tpu.memory_space<vmem_shared>> -> memref<64x128xf32, #tpu.memory_space<vmem_shared>>
      tpu.enqueue_dma source(%arg8 : memref<64x128xf32, #tpu.memory_space<vmem>>) target(%dma_start3A_48 : memref<64x128xf32, #tpu.memory_space<vmem_shared>>) target_semaphore(%run_scoped3A : memref<!tpu.dma_semaphore, #tpu.memory_space<semaphore_mem>>)
      %dma_wait3A = arith.constant 0 : i32
      %dma_wait3A_49 = tpu.memref_slice %arg12[%add3A_22, %dma_wait3A] : memref<10240x128xf32, #tpu.memory_space<vmem_shared>> -> memref<64x128xf32, #tpu.memory_space<vmem_shared>>
      %dma_wait3A_50 = arith.constant 0 : i32
      %dma_wait3A_51 = tpu.memref_slice %arg12[%add3A_22, %dma_wait3A_50] : memref<10240x128xf32, #tpu.memory_space<vmem_shared>> -> memref<64x128xf32, #tpu.memory_space<vmem_shared>>
      tpu.wait_dma2 semaphore(%run_scoped3A : memref<!tpu.dma_semaphore, #tpu.memory_space<semaphore_mem>>) src(%arg8 : memref<64x128xf32, #tpu.memory_space<vmem>>) dst(%dma_wait3A_51 : memref<64x128xf32, #tpu.memory_space<vmem_shared>>)
      tpu.yield
    }) : () -> ()
    %add3A_23 = arith.constant 576 : i32
    %add3A_24 = arith.addi %mul3A_5, %add3A_23 : i32
    "tpu.region"() ({
      %run_scoped3A = tpu.sem_alloc : memref<!tpu.dma_semaphore, #tpu.memory_space<semaphore_mem>>
      %dma_start3A = arith.constant 0 : i32
      %dma_start3A_46 = tpu.memref_slice %arg12[%add3A_24, %dma_start3A] : memref<10240x128xf32, #tpu.memory_space<vmem_shared>> -> memref<64x128xf32, #tpu.memory_space<vmem_shared>>
      %dma_start3A_47 = arith.constant 0 : i32
      %dma_start3A_48 = tpu.memref_slice %arg12[%add3A_24, %dma_start3A_47] : memref<10240x128xf32, #tpu.memory_space<vmem_shared>> -> memref<64x128xf32, #tpu.memory_space<vmem_shared>>
      tpu.enqueue_dma source(%arg8 : memref<64x128xf32, #tpu.memory_space<vmem>>) target(%dma_start3A_48 : memref<64x128xf32, #tpu.memory_space<vmem_shared>>) target_semaphore(%run_scoped3A : memref<!tpu.dma_semaphore, #tpu.memory_space<semaphore_mem>>)
      %dma_wait3A = arith.constant 0 : i32
      %dma_wait3A_49 = tpu.memref_slice %arg12[%add3A_24, %dma_wait3A] : memref<10240x128xf32, #tpu.memory_space<vmem_shared>> -> memref<64x128xf32, #tpu.memory_space<vmem_shared>>
      %dma_wait3A_50 = arith.constant 0 : i32
      %dma_wait3A_51 = tpu.memref_slice %arg12[%add3A_24, %dma_wait3A_50] : memref<10240x128xf32, #tpu.memory_space<vmem_shared>> -> memref<64x128xf32, #tpu.memory_space<vmem_shared>>
      tpu.wait_dma2 semaphore(%run_scoped3A : memref<!tpu.dma_semaphore, #tpu.memory_space<semaphore_mem>>) src(%arg8 : memref<64x128xf32, #tpu.memory_space<vmem>>) dst(%dma_wait3A_51 : memref<64x128xf32, #tpu.memory_space<vmem_shared>>)
      tpu.yield
    }) : () -> ()
    %barrier3A = arith.constant 0 : index
    tpu.barrier barrier_id(%barrier3A)
    %eq3A = arith.constant 0 : i32
    %eq3A_25 = arith.cmpi eq, %arg0, %eq3A : i32
    %jit3A = arith.constant 10 : i32
    %jit3A_26 = arith.constant 0 : i32
    %select_n3A = arith.select %eq3A_25, %jit3A, %jit3A_26 : i32
    %eq3A_27 = arith.constant 0 : i32
    %eq3A_28 = arith.cmpi eq, %arg0, %eq3A_27 : i32
    %mul3A_29 = arith.constant 10 : i32
    %mul3A_30 = arith.muli %arg1, %mul3A_29 : i32
    %mul3A_31 = arith.constant 0 : i32
    %mul3A_32 = arith.muli %arg1, %mul3A_31 : i32
    %add3A_33 = arith.constant 160 : i32
    %add3A_34 = arith.addi %add3A_33, %mul3A_32 : i32
    %select_n3A_35 = arith.select %eq3A_28, %mul3A_30, %add3A_34 : i32
    %while3A = arith.constant 0 : i32
    %while3A_36 = arith.constant 0 : i32
    %while3A_37 = arith.subi %select_n3A, %while3A_36 : i32
    %while3A_38 = arith.addi %while3A_36, %while3A_37 : i32
    %while3A_39 = arith.constant 1 : i32
    %while3A_40 = arith.divsi %while3A_37, %while3A_39 : i32
    %while3A_41 = arith.muli %while3A_40, %while3A_39 : i32
    %while3A_42 = arith.addi %while3A_36, %while3A_41 : i32
    %while3A_43 = arith.constant 1 : i32
    scf.for %while3A_46 = %while3A_36 to %while3A_42 step %while3A_43  : i32 {
      %add3A_47 = arith.addi %select_n3A_35, %while3A_46 : i32
      "tpu.region"() ({
        %run_scoped3A = tpu.sem_alloc : memref<!tpu.dma_semaphore, #tpu.memory_space<semaphore_mem>>
        %dma_start3A_82 = arith.constant 0 : i32
        %dma_start3A_83 = arith.constant 0 : i32
        %dma_start3A_84 = tpu.memref_slice %arg2[%add3A_47, %dma_start3A_82, %dma_start3A_83] : memref<160x32x64xi32, #tpu.memory_space<hbm>> -> memref<1x32x64xi32, #tpu.memory_space<hbm>>
        %dma_start3A_85 = tpu.memref_squeeze %dma_start3A_84 : memref<1x32x64xi32, #tpu.memory_space<hbm>> -> memref<32x64xi32, #tpu.memory_space<hbm>>
        %dma_start3A_86 = arith.constant 0 : i32
        %dma_start3A_87 = arith.constant 0 : i32
        %dma_start3A_88 = tpu.memref_slice %arg2[%add3A_47, %dma_start3A_86, %dma_start3A_87] : memref<160x32x64xi32, #tpu.memory_space<hbm>> -> memref<1x32x64xi32, #tpu.memory_space<hbm>>
        %dma_start3A_89 = tpu.memref_squeeze %dma_start3A_88 : memref<1x32x64xi32, #tpu.memory_space<hbm>> -> memref<32x64xi32, #tpu.memory_space<hbm>>
        tpu.enqueue_dma source(%dma_start3A_89 : memref<32x64xi32, #tpu.memory_space<hbm>>) target(%arg6 : memref<32x64xi32, #tpu.memory_space<vmem>>) target_semaphore(%run_scoped3A : memref<!tpu.dma_semaphore, #tpu.memory_space<semaphore_mem>>)
        %dma_wait3A = arith.constant 0 : i32
        %dma_wait3A_90 = arith.constant 0 : i32
        %dma_wait3A_91 = tpu.memref_slice %arg2[%add3A_47, %dma_wait3A, %dma_wait3A_90] : memref<160x32x64xi32, #tpu.memory_space<hbm>> -> memref<1x32x64xi32, #tpu.memory_space<hbm>>
        %dma_wait3A_92 = tpu.memref_squeeze %dma_wait3A_91 : memref<1x32x64xi32, #tpu.memory_space<hbm>> -> memref<32x64xi32, #tpu.memory_space<hbm>>
        %dma_wait3A_93 = arith.constant 0 : i32
        %dma_wait3A_94 = arith.constant 0 : i32
        %dma_wait3A_95 = tpu.memref_slice %arg2[%add3A_47, %dma_wait3A_93, %dma_wait3A_94] : memref<160x32x64xi32, #tpu.memory_space<hbm>> -> memref<1x32x64xi32, #tpu.memory_space<hbm>>
        %dma_wait3A_96 = tpu.memref_squeeze %dma_wait3A_95 : memref<1x32x64xi32, #tpu.memory_space<hbm>> -> memref<32x64xi32, #tpu.memory_space<hbm>>
        tpu.wait_dma2 semaphore(%run_scoped3A : memref<!tpu.dma_semaphore, #tpu.memory_space<semaphore_mem>>) src(%dma_wait3A_96 : memref<32x64xi32, #tpu.memory_space<hbm>>) dst(%arg6 : memref<32x64xi32, #tpu.memory_space<vmem>>)
        tpu.yield
      }) : () -> ()
      %add3A_48 = arith.addi %select_n3A_35, %while3A_46 : i32
      "tpu.region"() ({
        %run_scoped3A = tpu.sem_alloc : memref<!tpu.dma_semaphore, #tpu.memory_space<semaphore_mem>>
        %dma_start3A_82 = arith.constant 0 : i32
        %dma_start3A_83 = arith.constant 0 : i32
        %dma_start3A_84 = tpu.memref_slice %arg3[%add3A_48, %dma_start3A_82, %dma_start3A_83] : memref<160x32x64xi32, #tpu.memory_space<hbm>> -> memref<1x32x64xi32, #tpu.memory_space<hbm>>
        %dma_start3A_85 = tpu.memref_squeeze %dma_start3A_84 : memref<1x32x64xi32, #tpu.memory_space<hbm>> -> memref<32x64xi32, #tpu.memory_space<hbm>>
        %dma_start3A_86 = arith.constant 0 : i32
        %dma_start3A_87 = arith.constant 0 : i32
        %dma_start3A_88 = tpu.memref_slice %arg3[%add3A_48, %dma_start3A_86, %dma_start3A_87] : memref<160x32x64xi32, #tpu.memory_space<hbm>> -> memref<1x32x64xi32, #tpu.memory_space<hbm>>
        %dma_start3A_89 = tpu.memref_squeeze %dma_start3A_88 : memref<1x32x64xi32, #tpu.memory_space<hbm>> -> memref<32x64xi32, #tpu.memory_space<hbm>>
        tpu.enqueue_dma source(%dma_start3A_89 : memref<32x64xi32, #tpu.memory_space<hbm>>) target(%arg7 : memref<32x64xi32, #tpu.memory_space<vmem>>) target_semaphore(%run_scoped3A : memref<!tpu.dma_semaphore, #tpu.memory_space<semaphore_mem>>)
        %dma_wait3A = arith.constant 0 : i32
        %dma_wait3A_90 = arith.constant 0 : i32
        %dma_wait3A_91 = tpu.memref_slice %arg3[%add3A_48, %dma_wait3A, %dma_wait3A_90] : memref<160x32x64xi32, #tpu.memory_space<hbm>> -> memref<1x32x64xi32, #tpu.memory_space<hbm>>
        %dma_wait3A_92 = tpu.memref_squeeze %dma_wait3A_91 : memref<1x32x64xi32, #tpu.memory_space<hbm>> -> memref<32x64xi32, #tpu.memory_space<hbm>>
        %dma_wait3A_93 = arith.constant 0 : i32
        %dma_wait3A_94 = arith.constant 0 : i32
        %dma_wait3A_95 = tpu.memref_slice %arg3[%add3A_48, %dma_wait3A_93, %dma_wait3A_94] : memref<160x32x64xi32, #tpu.memory_space<hbm>> -> memref<1x32x64xi32, #tpu.memory_space<hbm>>
        %dma_wait3A_96 = tpu.memref_squeeze %dma_wait3A_95 : memref<1x32x64xi32, #tpu.memory_space<hbm>> -> memref<32x64xi32, #tpu.memory_space<hbm>>
        tpu.wait_dma2 semaphore(%run_scoped3A : memref<!tpu.dma_semaphore, #tpu.memory_space<semaphore_mem>>) src(%dma_wait3A_96 : memref<32x64xi32, #tpu.memory_space<hbm>>) dst(%arg7 : memref<32x64xi32, #tpu.memory_space<vmem>>)
        tpu.yield
      }) : () -> ()
      %dma_start3A = arith.constant 0 : i32
      %dma_start3A_49 = arith.constant 0 : i32
      %dma_start3A_50 = tpu.memref_slice %arg6[%dma_start3A, %dma_start3A_49] : memref<32x64xi32, #tpu.memory_space<vmem>> -> memref<1x64xi32, #tpu.memory_space<vmem>>
      %dma_start3A_51 = tpu.memref_squeeze %dma_start3A_50 : memref<1x64xi32, #tpu.memory_space<vmem>> -> memref<64xi32, #tpu.memory_space<vmem>>
      %dma_start3A_52 = arith.constant 0 : i32
      %dma_start3A_53 = arith.constant 0 : i32
      %dma_start3A_54 = tpu.memref_slice %arg12[%dma_start3A_52, %dma_start3A_53] : memref<10240x128xf32, #tpu.memory_space<vmem_shared>> -> memref<10240x128xf32, #tpu.memory_space<vmem_shared>>
      tpu.enqueue_indirect_dma source(%dma_start3A_54 : memref<10240x128xf32, #tpu.memory_space<vmem_shared>>) target(%arg8 : memref<64x128xf32, #tpu.memory_space<vmem>>) offsets(%dma_start3A_51 : memref<64xi32, #tpu.memory_space<vmem>>) semaphore(%arg13 : memref<!tpu.dma_semaphore, #tpu.memory_space<semaphore_mem>>)
      %dma_start3A_55 = arith.constant 1 : i32
      %dma_start3A_56 = arith.constant 0 : i32
      %dma_start3A_57 = tpu.memref_slice %arg6[%dma_start3A_55, %dma_start3A_56] : memref<32x64xi32, #tpu.memory_space<vmem>> -> memref<1x64xi32, #tpu.memory_space<vmem>>
      %dma_start3A_58 = tpu.memref_squeeze %dma_start3A_57 : memref<1x64xi32, #tpu.memory_space<vmem>> -> memref<64xi32, #tpu.memory_space<vmem>>
      %dma_start3A_59 = arith.constant 0 : i32
      %dma_start3A_60 = arith.constant 0 : i32
      %dma_start3A_61 = tpu.memref_slice %arg12[%dma_start3A_59, %dma_start3A_60] : memref<10240x128xf32, #tpu.memory_space<vmem_shared>> -> memref<10240x128xf32, #tpu.memory_space<vmem_shared>>
      tpu.enqueue_indirect_dma source(%dma_start3A_61 : memref<10240x128xf32, #tpu.memory_space<vmem_shared>>) target(%arg9 : memref<64x128xf32, #tpu.memory_space<vmem>>) offsets(%dma_start3A_58 : memref<64xi32, #tpu.memory_space<vmem>>) semaphore(%arg14 : memref<!tpu.dma_semaphore, #tpu.memory_space<semaphore_mem>>)
      %dma_start3A_62 = arith.constant 2 : i32
      %dma_start3A_63 = arith.constant 0 : i32
      %dma_start3A_64 = tpu.memref_slice %arg6[%dma_start3A_62, %dma_start3A_63] : memref<32x64xi32, #tpu.memory_space<vmem>> -> memref<1x64xi32, #tpu.memory_space<vmem>>
      %dma_start3A_65 = tpu.memref_squeeze %dma_start3A_64 : memref<1x64xi32, #tpu.memory_space<vmem>> -> memref<64xi32, #tpu.memory_space<vmem>>
      %dma_start3A_66 = arith.constant 0 : i32
      %dma_start3A_67 = arith.constant 0 : i32
      %dma_start3A_68 = tpu.memref_slice %arg12[%dma_start3A_66, %dma_start3A_67] : memref<10240x128xf32, #tpu.memory_space<vmem_shared>> -> memref<10240x128xf32, #tpu.memory_space<vmem_shared>>
      tpu.enqueue_indirect_dma source(%dma_start3A_68 : memref<10240x128xf32, #tpu.memory_space<vmem_shared>>) target(%arg10 : memref<64x128xf32, #tpu.memory_space<vmem>>) offsets(%dma_start3A_65 : memref<64xi32, #tpu.memory_space<vmem>>) semaphore(%arg15 : memref<!tpu.dma_semaphore, #tpu.memory_space<semaphore_mem>>)
      %dma_start3A_69 = arith.constant 3 : i32
      %dma_start3A_70 = arith.constant 0 : i32
      %dma_start3A_71 = tpu.memref_slice %arg6[%dma_start3A_69, %dma_start3A_70] : memref<32x64xi32, #tpu.memory_space<vmem>> -> memref<1x64xi32, #tpu.memory_space<vmem>>
      %dma_start3A_72 = tpu.memref_squeeze %dma_start3A_71 : memref<1x64xi32, #tpu.memory_space<vmem>> -> memref<64xi32, #tpu.memory_space<vmem>>
      %dma_start3A_73 = arith.constant 0 : i32
      %dma_start3A_74 = arith.constant 0 : i32
      %dma_start3A_75 = tpu.memref_slice %arg12[%dma_start3A_73, %dma_start3A_74] : memref<10240x128xf32, #tpu.memory_space<vmem_shared>> -> memref<10240x128xf32, #tpu.memory_space<vmem_shared>>
      tpu.enqueue_indirect_dma source(%dma_start3A_75 : memref<10240x128xf32, #tpu.memory_space<vmem_shared>>) target(%arg11 : memref<64x128xf32, #tpu.memory_space<vmem>>) offsets(%dma_start3A_72 : memref<64xi32, #tpu.memory_space<vmem>>) semaphore(%arg16 : memref<!tpu.dma_semaphore, #tpu.memory_space<semaphore_mem>>)
      %scan3A_76 = arith.constant 0 : i32
      %scan3A_77 = arith.constant 0 : i32
      %scan3A_78 = arith.constant 8 : i32
      %scan3A_79 = arith.addi %scan3A_77, %scan3A_78 : i32
      %scan3A_80 = arith.constant 1 : i32
      scf.for %scan3A_82 = %scan3A_77 to %scan3A_79 step %scan3A_80  : i32 {
        %mul3A_83 = arith.constant 4 : i32
        %mul3A_84 = arith.muli %scan3A_82, %mul3A_83 : i32
        %add3A_85 = arith.constant 0 : i32
        %add3A_86 = arith.addi %mul3A_84, %add3A_85 : i32
        %dma_wait3A = arith.constant 0 : i32
        %dma_wait3A_87 = tpu.memref_slice %arg6[%add3A_86, %dma_wait3A] : memref<32x64xi32, #tpu.memory_space<vmem>> -> memref<1x64xi32, #tpu.memory_space<vmem>>
        %dma_wait3A_88 = tpu.memref_squeeze %dma_wait3A_87 : memref<1x64xi32, #tpu.memory_space<vmem>> -> memref<64xi32, #tpu.memory_space<vmem>>
        %dma_wait3A_89 = arith.constant 0 : i32
        %dma_wait3A_90 = arith.constant 0 : i32
        %dma_wait3A_91 = tpu.memref_slice %arg12[%dma_wait3A_89, %dma_wait3A_90] : memref<10240x128xf32, #tpu.memory_space<vmem_shared>> -> memref<10240x128xf32, #tpu.memory_space<vmem_shared>>
        tpu.wait_indirect_dma semaphore(%arg13 : memref<!tpu.dma_semaphore, #tpu.memory_space<semaphore_mem>>) src(%dma_wait3A_91 : memref<10240x128xf32, #tpu.memory_space<vmem_shared>>) dst(%arg8 : memref<64x128xf32, #tpu.memory_space<vmem>>)
        %add3A_92 = arith.constant 4 : i32
        %add3A_93 = arith.addi %add3A_86, %add3A_92 : i32
        %lt3A = arith.constant 32 : i32
        %lt3A_94 = arith.cmpi slt, %add3A_93, %lt3A : i32
        %convert_element_type3A = arith.extui %lt3A_94 : i1 to i32
        %cond3A = arith.constant 0 : i32
        %cond3A_95 = arith.cmpi ne, %convert_element_type3A, %cond3A : i32
        scf.if %cond3A_95 {
          %add3A_141 = arith.constant 4 : i32
          %add3A_142 = arith.addi %add3A_86, %add3A_141 : i32
          %dma_start3A_143 = arith.constant 0 : i32
          %dma_start3A_144 = tpu.memref_slice %arg6[%add3A_142, %dma_start3A_143] : memref<32x64xi32, #tpu.memory_space<vmem>> -> memref<1x64xi32, #tpu.memory_space<vmem>>
          %dma_start3A_145 = tpu.memref_squeeze %dma_start3A_144 : memref<1x64xi32, #tpu.memory_space<vmem>> -> memref<64xi32, #tpu.memory_space<vmem>>
          %dma_start3A_146 = arith.constant 0 : i32
          %dma_start3A_147 = arith.constant 0 : i32
          %dma_start3A_148 = tpu.memref_slice %arg12[%dma_start3A_146, %dma_start3A_147] : memref<10240x128xf32, #tpu.memory_space<vmem_shared>> -> memref<10240x128xf32, #tpu.memory_space<vmem_shared>>
          tpu.enqueue_indirect_dma source(%dma_start3A_148 : memref<10240x128xf32, #tpu.memory_space<vmem_shared>>) target(%arg8 : memref<64x128xf32, #tpu.memory_space<vmem>>) offsets(%dma_start3A_145 : memref<64xi32, #tpu.memory_space<vmem>>) semaphore(%arg13 : memref<!tpu.dma_semaphore, #tpu.memory_space<semaphore_mem>>)
        } else {
        }
        %add3A_96 = arith.constant 1 : i32
        %add3A_97 = arith.addi %mul3A_84, %add3A_96 : i32
        %dma_wait3A_98 = arith.constant 0 : i32
        %dma_wait3A_99 = tpu.memref_slice %arg6[%add3A_97, %dma_wait3A_98] : memref<32x64xi32, #tpu.memory_space<vmem>> -> memref<1x64xi32, #tpu.memory_space<vmem>>
        %dma_wait3A_100 = tpu.memref_squeeze %dma_wait3A_99 : memref<1x64xi32, #tpu.memory_space<vmem>> -> memref<64xi32, #tpu.memory_space<vmem>>
        %dma_wait3A_101 = arith.constant 0 : i32
        %dma_wait3A_102 = arith.constant 0 : i32
        %dma_wait3A_103 = tpu.memref_slice %arg12[%dma_wait3A_101, %dma_wait3A_102] : memref<10240x128xf32, #tpu.memory_space<vmem_shared>> -> memref<10240x128xf32, #tpu.memory_space<vmem_shared>>
        tpu.wait_indirect_dma semaphore(%arg14 : memref<!tpu.dma_semaphore, #tpu.memory_space<semaphore_mem>>) src(%dma_wait3A_103 : memref<10240x128xf32, #tpu.memory_space<vmem_shared>>) dst(%arg9 : memref<64x128xf32, #tpu.memory_space<vmem>>)
        %add3A_104 = arith.constant 4 : i32
        %add3A_105 = arith.addi %add3A_97, %add3A_104 : i32
        %lt3A_106 = arith.constant 32 : i32
        %lt3A_107 = arith.cmpi slt, %add3A_105, %lt3A_106 : i32
        %convert_element_type3A_108 = arith.extui %lt3A_107 : i1 to i32
        %cond3A_109 = arith.constant 0 : i32
        %cond3A_110 = arith.cmpi ne, %convert_element_type3A_108, %cond3A_109 : i32
        scf.if %cond3A_110 {
          %add3A_141 = arith.constant 4 : i32
          %add3A_142 = arith.addi %add3A_97, %add3A_141 : i32
          %dma_start3A_143 = arith.constant 0 : i32
          %dma_start3A_144 = tpu.memref_slice %arg6[%add3A_142, %dma_start3A_143] : memref<32x64xi32, #tpu.memory_space<vmem>> -> memref<1x64xi32, #tpu.memory_space<vmem>>
          %dma_start3A_145 = tpu.memref_squeeze %dma_start3A_144 : memref<1x64xi32, #tpu.memory_space<vmem>> -> memref<64xi32, #tpu.memory_space<vmem>>
          %dma_start3A_146 = arith.constant 0 : i32
          %dma_start3A_147 = arith.constant 0 : i32
          %dma_start3A_148 = tpu.memref_slice %arg12[%dma_start3A_146, %dma_start3A_147] : memref<10240x128xf32, #tpu.memory_space<vmem_shared>> -> memref<10240x128xf32, #tpu.memory_space<vmem_shared>>
          tpu.enqueue_indirect_dma source(%dma_start3A_148 : memref<10240x128xf32, #tpu.memory_space<vmem_shared>>) target(%arg9 : memref<64x128xf32, #tpu.memory_space<vmem>>) offsets(%dma_start3A_145 : memref<64xi32, #tpu.memory_space<vmem>>) semaphore(%arg14 : memref<!tpu.dma_semaphore, #tpu.memory_space<semaphore_mem>>)
        } else {
        }
        %add3A_111 = arith.constant 2 : i32
        %add3A_112 = arith.addi %mul3A_84, %add3A_111 : i32
        %dma_wait3A_113 = arith.constant 0 : i32
        %dma_wait3A_114 = tpu.memref_slice %arg6[%add3A_112, %dma_wait3A_113] : memref<32x64xi32, #tpu.memory_space<vmem>> -> memref<1x64xi32, #tpu.memory_space<vmem>>
        %dma_wait3A_115 = tpu.memref_squeeze %dma_wait3A_114 : memref<1x64xi32, #tpu.memory_space<vmem>> -> memref<64xi32, #tpu.memory_space<vmem>>
        %dma_wait3A_116 = arith.constant 0 : i32
        %dma_wait3A_117 = arith.constant 0 : i32
        %dma_wait3A_118 = tpu.memref_slice %arg12[%dma_wait3A_116, %dma_wait3A_117] : memref<10240x128xf32, #tpu.memory_space<vmem_shared>> -> memref<10240x128xf32, #tpu.memory_space<vmem_shared>>
        tpu.wait_indirect_dma semaphore(%arg15 : memref<!tpu.dma_semaphore, #tpu.memory_space<semaphore_mem>>) src(%dma_wait3A_118 : memref<10240x128xf32, #tpu.memory_space<vmem_shared>>) dst(%arg10 : memref<64x128xf32, #tpu.memory_space<vmem>>)
        %add3A_119 = arith.constant 4 : i32
        %add3A_120 = arith.addi %add3A_112, %add3A_119 : i32
        %lt3A_121 = arith.constant 32 : i32
        %lt3A_122 = arith.cmpi slt, %add3A_120, %lt3A_121 : i32
        %convert_element_type3A_123 = arith.extui %lt3A_122 : i1 to i32
        %cond3A_124 = arith.constant 0 : i32
        %cond3A_125 = arith.cmpi ne, %convert_element_type3A_123, %cond3A_124 : i32
        scf.if %cond3A_125 {
          %add3A_141 = arith.constant 4 : i32
          %add3A_142 = arith.addi %add3A_112, %add3A_141 : i32
          %dma_start3A_143 = arith.constant 0 : i32
          %dma_start3A_144 = tpu.memref_slice %arg6[%add3A_142, %dma_start3A_143] : memref<32x64xi32, #tpu.memory_space<vmem>> -> memref<1x64xi32, #tpu.memory_space<vmem>>
          %dma_start3A_145 = tpu.memref_squeeze %dma_start3A_144 : memref<1x64xi32, #tpu.memory_space<vmem>> -> memref<64xi32, #tpu.memory_space<vmem>>
          %dma_start3A_146 = arith.constant 0 : i32
          %dma_start3A_147 = arith.constant 0 : i32
          %dma_start3A_148 = tpu.memref_slice %arg12[%dma_start3A_146, %dma_start3A_147] : memref<10240x128xf32, #tpu.memory_space<vmem_shared>> -> memref<10240x128xf32, #tpu.memory_space<vmem_shared>>
          tpu.enqueue_indirect_dma source(%dma_start3A_148 : memref<10240x128xf32, #tpu.memory_space<vmem_shared>>) target(%arg10 : memref<64x128xf32, #tpu.memory_space<vmem>>) offsets(%dma_start3A_145 : memref<64xi32, #tpu.memory_space<vmem>>) semaphore(%arg15 : memref<!tpu.dma_semaphore, #tpu.memory_space<semaphore_mem>>)
        } else {
        }
        %add3A_126 = arith.constant 3 : i32
        %add3A_127 = arith.addi %mul3A_84, %add3A_126 : i32
        %dma_wait3A_128 = arith.constant 0 : i32
        %dma_wait3A_129 = tpu.memref_slice %arg6[%add3A_127, %dma_wait3A_128] : memref<32x64xi32, #tpu.memory_space<vmem>> -> memref<1x64xi32, #tpu.memory_space<vmem>>
        %dma_wait3A_130 = tpu.memref_squeeze %dma_wait3A_129 : memref<1x64xi32, #tpu.memory_space<vmem>> -> memref<64xi32, #tpu.memory_space<vmem>>
        %dma_wait3A_131 = arith.constant 0 : i32
        %dma_wait3A_132 = arith.constant 0 : i32
        %dma_wait3A_133 = tpu.memref_slice %arg12[%dma_wait3A_131, %dma_wait3A_132] : memref<10240x128xf32, #tpu.memory_space<vmem_shared>> -> memref<10240x128xf32, #tpu.memory_space<vmem_shared>>
        tpu.wait_indirect_dma semaphore(%arg16 : memref<!tpu.dma_semaphore, #tpu.memory_space<semaphore_mem>>) src(%dma_wait3A_133 : memref<10240x128xf32, #tpu.memory_space<vmem_shared>>) dst(%arg11 : memref<64x128xf32, #tpu.memory_space<vmem>>)
        %add3A_134 = arith.constant 4 : i32
        %add3A_135 = arith.addi %add3A_127, %add3A_134 : i32
        %lt3A_136 = arith.constant 32 : i32
        %lt3A_137 = arith.cmpi slt, %add3A_135, %lt3A_136 : i32
        %convert_element_type3A_138 = arith.extui %lt3A_137 : i1 to i32
        %cond3A_139 = arith.constant 0 : i32
        %cond3A_140 = arith.cmpi ne, %convert_element_type3A_138, %cond3A_139 : i32
        scf.if %cond3A_140 {
          %add3A_141 = arith.constant 4 : i32
          %add3A_142 = arith.addi %add3A_127, %add3A_141 : i32
          %dma_start3A_143 = arith.constant 0 : i32
          %dma_start3A_144 = tpu.memref_slice %arg6[%add3A_142, %dma_start3A_143] : memref<32x64xi32, #tpu.memory_space<vmem>> -> memref<1x64xi32, #tpu.memory_space<vmem>>
          %dma_start3A_145 = tpu.memref_squeeze %dma_start3A_144 : memref<1x64xi32, #tpu.memory_space<vmem>> -> memref<64xi32, #tpu.memory_space<vmem>>
          %dma_start3A_146 = arith.constant 0 : i32
          %dma_start3A_147 = arith.constant 0 : i32
          %dma_start3A_148 = tpu.memref_slice %arg12[%dma_start3A_146, %dma_start3A_147] : memref<10240x128xf32, #tpu.memory_space<vmem_shared>> -> memref<10240x128xf32, #tpu.memory_space<vmem_shared>>
          tpu.enqueue_indirect_dma source(%dma_start3A_148 : memref<10240x128xf32, #tpu.memory_space<vmem_shared>>) target(%arg11 : memref<64x128xf32, #tpu.memory_space<vmem>>) offsets(%dma_start3A_145 : memref<64xi32, #tpu.memory_space<vmem>>) semaphore(%arg16 : memref<!tpu.dma_semaphore, #tpu.memory_space<semaphore_mem>>)
        } else {
        }
      }
      %scan3A_81 = arith.constant 8 : i32
    }
    %while3A_44 = arith.constant 1 : i32
    scf.for %while3A_46 = %while3A_42 to %while3A_38 step %while3A_44  : i32 {
      %add3A_47 = arith.addi %select_n3A_35, %while3A_46 : i32
      "tpu.region"() ({
        %run_scoped3A = tpu.sem_alloc : memref<!tpu.dma_semaphore, #tpu.memory_space<semaphore_mem>>
        %dma_start3A_82 = arith.constant 0 : i32
        %dma_start3A_83 = arith.constant 0 : i32
        %dma_start3A_84 = tpu.memref_slice %arg2[%add3A_47, %dma_start3A_82, %dma_start3A_83] : memref<160x32x64xi32, #tpu.memory_space<hbm>> -> memref<1x32x64xi32, #tpu.memory_space<hbm>>
        %dma_start3A_85 = tpu.memref_squeeze %dma_start3A_84 : memref<1x32x64xi32, #tpu.memory_space<hbm>> -> memref<32x64xi32, #tpu.memory_space<hbm>>
        %dma_start3A_86 = arith.constant 0 : i32
        %dma_start3A_87 = arith.constant 0 : i32
        %dma_start3A_88 = tpu.memref_slice %arg2[%add3A_47, %dma_start3A_86, %dma_start3A_87] : memref<160x32x64xi32, #tpu.memory_space<hbm>> -> memref<1x32x64xi32, #tpu.memory_space<hbm>>
        %dma_start3A_89 = tpu.memref_squeeze %dma_start3A_88 : memref<1x32x64xi32, #tpu.memory_space<hbm>> -> memref<32x64xi32, #tpu.memory_space<hbm>>
        tpu.enqueue_dma source(%dma_start3A_89 : memref<32x64xi32, #tpu.memory_space<hbm>>) target(%arg6 : memref<32x64xi32, #tpu.memory_space<vmem>>) target_semaphore(%run_scoped3A : memref<!tpu.dma_semaphore, #tpu.memory_space<semaphore_mem>>)
        %dma_wait3A = arith.constant 0 : i32
        %dma_wait3A_90 = arith.constant 0 : i32
        %dma_wait3A_91 = tpu.memref_slice %arg2[%add3A_47, %dma_wait3A, %dma_wait3A_90] : memref<160x32x64xi32, #tpu.memory_space<hbm>> -> memref<1x32x64xi32, #tpu.memory_space<hbm>>
        %dma_wait3A_92 = tpu.memref_squeeze %dma_wait3A_91 : memref<1x32x64xi32, #tpu.memory_space<hbm>> -> memref<32x64xi32, #tpu.memory_space<hbm>>
        %dma_wait3A_93 = arith.constant 0 : i32
        %dma_wait3A_94 = arith.constant 0 : i32
        %dma_wait3A_95 = tpu.memref_slice %arg2[%add3A_47, %dma_wait3A_93, %dma_wait3A_94] : memref<160x32x64xi32, #tpu.memory_space<hbm>> -> memref<1x32x64xi32, #tpu.memory_space<hbm>>
        %dma_wait3A_96 = tpu.memref_squeeze %dma_wait3A_95 : memref<1x32x64xi32, #tpu.memory_space<hbm>> -> memref<32x64xi32, #tpu.memory_space<hbm>>
        tpu.wait_dma2 semaphore(%run_scoped3A : memref<!tpu.dma_semaphore, #tpu.memory_space<semaphore_mem>>) src(%dma_wait3A_96 : memref<32x64xi32, #tpu.memory_space<hbm>>) dst(%arg6 : memref<32x64xi32, #tpu.memory_space<vmem>>)
        tpu.yield
      }) : () -> ()
      %add3A_48 = arith.addi %select_n3A_35, %while3A_46 : i32
      "tpu.region"() ({
        %run_scoped3A = tpu.sem_alloc : memref<!tpu.dma_semaphore, #tpu.memory_space<semaphore_mem>>
        %dma_start3A_82 = arith.constant 0 : i32
        %dma_start3A_83 = arith.constant 0 : i32
        %dma_start3A_84 = tpu.memref_slice %arg3[%add3A_48, %dma_start3A_82, %dma_start3A_83] : memref<160x32x64xi32, #tpu.memory_space<hbm>> -> memref<1x32x64xi32, #tpu.memory_space<hbm>>
        %dma_start3A_85 = tpu.memref_squeeze %dma_start3A_84 : memref<1x32x64xi32, #tpu.memory_space<hbm>> -> memref<32x64xi32, #tpu.memory_space<hbm>>
        %dma_start3A_86 = arith.constant 0 : i32
        %dma_start3A_87 = arith.constant 0 : i32
        %dma_start3A_88 = tpu.memref_slice %arg3[%add3A_48, %dma_start3A_86, %dma_start3A_87] : memref<160x32x64xi32, #tpu.memory_space<hbm>> -> memref<1x32x64xi32, #tpu.memory_space<hbm>>
        %dma_start3A_89 = tpu.memref_squeeze %dma_start3A_88 : memref<1x32x64xi32, #tpu.memory_space<hbm>> -> memref<32x64xi32, #tpu.memory_space<hbm>>
        tpu.enqueue_dma source(%dma_start3A_89 : memref<32x64xi32, #tpu.memory_space<hbm>>) target(%arg7 : memref<32x64xi32, #tpu.memory_space<vmem>>) target_semaphore(%run_scoped3A : memref<!tpu.dma_semaphore, #tpu.memory_space<semaphore_mem>>)
        %dma_wait3A = arith.constant 0 : i32
        %dma_wait3A_90 = arith.constant 0 : i32
        %dma_wait3A_91 = tpu.memref_slice %arg3[%add3A_48, %dma_wait3A, %dma_wait3A_90] : memref<160x32x64xi32, #tpu.memory_space<hbm>> -> memref<1x32x64xi32, #tpu.memory_space<hbm>>
        %dma_wait3A_92 = tpu.memref_squeeze %dma_wait3A_91 : memref<1x32x64xi32, #tpu.memory_space<hbm>> -> memref<32x64xi32, #tpu.memory_space<hbm>>
        %dma_wait3A_93 = arith.constant 0 : i32
        %dma_wait3A_94 = arith.constant 0 : i32
        %dma_wait3A_95 = tpu.memref_slice %arg3[%add3A_48, %dma_wait3A_93, %dma_wait3A_94] : memref<160x32x64xi32, #tpu.memory_space<hbm>> -> memref<1x32x64xi32, #tpu.memory_space<hbm>>
        %dma_wait3A_96 = tpu.memref_squeeze %dma_wait3A_95 : memref<1x32x64xi32, #tpu.memory_space<hbm>> -> memref<32x64xi32, #tpu.memory_space<hbm>>
        tpu.wait_dma2 semaphore(%run_scoped3A : memref<!tpu.dma_semaphore, #tpu.memory_space<semaphore_mem>>) src(%dma_wait3A_96 : memref<32x64xi32, #tpu.memory_space<hbm>>) dst(%arg7 : memref<32x64xi32, #tpu.memory_space<vmem>>)
        tpu.yield
      }) : () -> ()
      %dma_start3A = arith.constant 0 : i32
      %dma_start3A_49 = arith.constant 0 : i32
      %dma_start3A_50 = tpu.memref_slice %arg6[%dma_start3A, %dma_start3A_49] : memref<32x64xi32, #tpu.memory_space<vmem>> -> memref<1x64xi32, #tpu.memory_space<vmem>>
      %dma_start3A_51 = tpu.memref_squeeze %dma_start3A_50 : memref<1x64xi32, #tpu.memory_space<vmem>> -> memref<64xi32, #tpu.memory_space<vmem>>
      %dma_start3A_52 = arith.constant 0 : i32
      %dma_start3A_53 = arith.constant 0 : i32
      %dma_start3A_54 = tpu.memref_slice %arg12[%dma_start3A_52, %dma_start3A_53] : memref<10240x128xf32, #tpu.memory_space<vmem_shared>> -> memref<10240x128xf32, #tpu.memory_space<vmem_shared>>
      tpu.enqueue_indirect_dma source(%dma_start3A_54 : memref<10240x128xf32, #tpu.memory_space<vmem_shared>>) target(%arg8 : memref<64x128xf32, #tpu.memory_space<vmem>>) offsets(%dma_start3A_51 : memref<64xi32, #tpu.memory_space<vmem>>) semaphore(%arg13 : memref<!tpu.dma_semaphore, #tpu.memory_space<semaphore_mem>>)
      %dma_start3A_55 = arith.constant 1 : i32
      %dma_start3A_56 = arith.constant 0 : i32
      %dma_start3A_57 = tpu.memref_slice %arg6[%dma_start3A_55, %dma_start3A_56] : memref<32x64xi32, #tpu.memory_space<vmem>> -> memref<1x64xi32, #tpu.memory_space<vmem>>
      %dma_start3A_58 = tpu.memref_squeeze %dma_start3A_57 : memref<1x64xi32, #tpu.memory_space<vmem>> -> memref<64xi32, #tpu.memory_space<vmem>>
      %dma_start3A_59 = arith.constant 0 : i32
      %dma_start3A_60 = arith.constant 0 : i32
      %dma_start3A_61 = tpu.memref_slice %arg12[%dma_start3A_59, %dma_start3A_60] : memref<10240x128xf32, #tpu.memory_space<vmem_shared>> -> memref<10240x128xf32, #tpu.memory_space<vmem_shared>>
      tpu.enqueue_indirect_dma source(%dma_start3A_61 : memref<10240x128xf32, #tpu.memory_space<vmem_shared>>) target(%arg9 : memref<64x128xf32, #tpu.memory_space<vmem>>) offsets(%dma_start3A_58 : memref<64xi32, #tpu.memory_space<vmem>>) semaphore(%arg14 : memref<!tpu.dma_semaphore, #tpu.memory_space<semaphore_mem>>)
      %dma_start3A_62 = arith.constant 2 : i32
      %dma_start3A_63 = arith.constant 0 : i32
      %dma_start3A_64 = tpu.memref_slice %arg6[%dma_start3A_62, %dma_start3A_63] : memref<32x64xi32, #tpu.memory_space<vmem>> -> memref<1x64xi32, #tpu.memory_space<vmem>>
      %dma_start3A_65 = tpu.memref_squeeze %dma_start3A_64 : memref<1x64xi32, #tpu.memory_space<vmem>> -> memref<64xi32, #tpu.memory_space<vmem>>
      %dma_start3A_66 = arith.constant 0 : i32
      %dma_start3A_67 = arith.constant 0 : i32
      %dma_start3A_68 = tpu.memref_slice %arg12[%dma_start3A_66, %dma_start3A_67] : memref<10240x128xf32, #tpu.memory_space<vmem_shared>> -> memref<10240x128xf32, #tpu.memory_space<vmem_shared>>
      tpu.enqueue_indirect_dma source(%dma_start3A_68 : memref<10240x128xf32, #tpu.memory_space<vmem_shared>>) target(%arg10 : memref<64x128xf32, #tpu.memory_space<vmem>>) offsets(%dma_start3A_65 : memref<64xi32, #tpu.memory_space<vmem>>) semaphore(%arg15 : memref<!tpu.dma_semaphore, #tpu.memory_space<semaphore_mem>>)
      %dma_start3A_69 = arith.constant 3 : i32
      %dma_start3A_70 = arith.constant 0 : i32
      %dma_start3A_71 = tpu.memref_slice %arg6[%dma_start3A_69, %dma_start3A_70] : memref<32x64xi32, #tpu.memory_space<vmem>> -> memref<1x64xi32, #tpu.memory_space<vmem>>
      %dma_start3A_72 = tpu.memref_squeeze %dma_start3A_71 : memref<1x64xi32, #tpu.memory_space<vmem>> -> memref<64xi32, #tpu.memory_space<vmem>>
      %dma_start3A_73 = arith.constant 0 : i32
      %dma_start3A_74 = arith.constant 0 : i32
      %dma_start3A_75 = tpu.memref_slice %arg12[%dma_start3A_73, %dma_start3A_74] : memref<10240x128xf32, #tpu.memory_space<vmem_shared>> -> memref<10240x128xf32, #tpu.memory_space<vmem_shared>>
      tpu.enqueue_indirect_dma source(%dma_start3A_75 : memref<10240x128xf32, #tpu.memory_space<vmem_shared>>) target(%arg11 : memref<64x128xf32, #tpu.memory_space<vmem>>) offsets(%dma_start3A_72 : memref<64xi32, #tpu.memory_space<vmem>>) semaphore(%arg16 : memref<!tpu.dma_semaphore, #tpu.memory_space<semaphore_mem>>)
      %scan3A_76 = arith.constant 0 : i32
      %scan3A_77 = arith.constant 0 : i32
      %scan3A_78 = arith.constant 8 : i32
      %scan3A_79 = arith.addi %scan3A_77, %scan3A_78 : i32
      %scan3A_80 = arith.constant 1 : i32
      scf.for %scan3A_82 = %scan3A_77 to %scan3A_79 step %scan3A_80  : i32 {
        %mul3A_83 = arith.constant 4 : i32
        %mul3A_84 = arith.muli %scan3A_82, %mul3A_83 : i32
        %add3A_85 = arith.constant 0 : i32
        %add3A_86 = arith.addi %mul3A_84, %add3A_85 : i32
        %dma_wait3A = arith.constant 0 : i32
        %dma_wait3A_87 = tpu.memref_slice %arg6[%add3A_86, %dma_wait3A] : memref<32x64xi32, #tpu.memory_space<vmem>> -> memref<1x64xi32, #tpu.memory_space<vmem>>
        %dma_wait3A_88 = tpu.memref_squeeze %dma_wait3A_87 : memref<1x64xi32, #tpu.memory_space<vmem>> -> memref<64xi32, #tpu.memory_space<vmem>>
        %dma_wait3A_89 = arith.constant 0 : i32
        %dma_wait3A_90 = arith.constant 0 : i32
        %dma_wait3A_91 = tpu.memref_slice %arg12[%dma_wait3A_89, %dma_wait3A_90] : memref<10240x128xf32, #tpu.memory_space<vmem_shared>> -> memref<10240x128xf32, #tpu.memory_space<vmem_shared>>
        tpu.wait_indirect_dma semaphore(%arg13 : memref<!tpu.dma_semaphore, #tpu.memory_space<semaphore_mem>>) src(%dma_wait3A_91 : memref<10240x128xf32, #tpu.memory_space<vmem_shared>>) dst(%arg8 : memref<64x128xf32, #tpu.memory_space<vmem>>)
        %add3A_92 = arith.constant 4 : i32
        %add3A_93 = arith.addi %add3A_86, %add3A_92 : i32
        %lt3A = arith.constant 32 : i32
        %lt3A_94 = arith.cmpi slt, %add3A_93, %lt3A : i32
        %convert_element_type3A = arith.extui %lt3A_94 : i1 to i32
        %cond3A = arith.constant 0 : i32
        %cond3A_95 = arith.cmpi ne, %convert_element_type3A, %cond3A : i32
        scf.if %cond3A_95 {
          %add3A_141 = arith.constant 4 : i32
          %add3A_142 = arith.addi %add3A_86, %add3A_141 : i32
          %dma_start3A_143 = arith.constant 0 : i32
          %dma_start3A_144 = tpu.memref_slice %arg6[%add3A_142, %dma_start3A_143] : memref<32x64xi32, #tpu.memory_space<vmem>> -> memref<1x64xi32, #tpu.memory_space<vmem>>
          %dma_start3A_145 = tpu.memref_squeeze %dma_start3A_144 : memref<1x64xi32, #tpu.memory_space<vmem>> -> memref<64xi32, #tpu.memory_space<vmem>>
          %dma_start3A_146 = arith.constant 0 : i32
          %dma_start3A_147 = arith.constant 0 : i32
          %dma_start3A_148 = tpu.memref_slice %arg12[%dma_start3A_146, %dma_start3A_147] : memref<10240x128xf32, #tpu.memory_space<vmem_shared>> -> memref<10240x128xf32, #tpu.memory_space<vmem_shared>>
          tpu.enqueue_indirect_dma source(%dma_start3A_148 : memref<10240x128xf32, #tpu.memory_space<vmem_shared>>) target(%arg8 : memref<64x128xf32, #tpu.memory_space<vmem>>) offsets(%dma_start3A_145 : memref<64xi32, #tpu.memory_space<vmem>>) semaphore(%arg13 : memref<!tpu.dma_semaphore, #tpu.memory_space<semaphore_mem>>)
        } else {
        }
        %add3A_96 = arith.constant 1 : i32
        %add3A_97 = arith.addi %mul3A_84, %add3A_96 : i32
        %dma_wait3A_98 = arith.constant 0 : i32
        %dma_wait3A_99 = tpu.memref_slice %arg6[%add3A_97, %dma_wait3A_98] : memref<32x64xi32, #tpu.memory_space<vmem>> -> memref<1x64xi32, #tpu.memory_space<vmem>>
        %dma_wait3A_100 = tpu.memref_squeeze %dma_wait3A_99 : memref<1x64xi32, #tpu.memory_space<vmem>> -> memref<64xi32, #tpu.memory_space<vmem>>
        %dma_wait3A_101 = arith.constant 0 : i32
        %dma_wait3A_102 = arith.constant 0 : i32
        %dma_wait3A_103 = tpu.memref_slice %arg12[%dma_wait3A_101, %dma_wait3A_102] : memref<10240x128xf32, #tpu.memory_space<vmem_shared>> -> memref<10240x128xf32, #tpu.memory_space<vmem_shared>>
        tpu.wait_indirect_dma semaphore(%arg14 : memref<!tpu.dma_semaphore, #tpu.memory_space<semaphore_mem>>) src(%dma_wait3A_103 : memref<10240x128xf32, #tpu.memory_space<vmem_shared>>) dst(%arg9 : memref<64x128xf32, #tpu.memory_space<vmem>>)
        %add3A_104 = arith.constant 4 : i32
        %add3A_105 = arith.addi %add3A_97, %add3A_104 : i32
        %lt3A_106 = arith.constant 32 : i32
        %lt3A_107 = arith.cmpi slt, %add3A_105, %lt3A_106 : i32
        %convert_element_type3A_108 = arith.extui %lt3A_107 : i1 to i32
        %cond3A_109 = arith.constant 0 : i32
        %cond3A_110 = arith.cmpi ne, %convert_element_type3A_108, %cond3A_109 : i32
        scf.if %cond3A_110 {
          %add3A_141 = arith.constant 4 : i32
          %add3A_142 = arith.addi %add3A_97, %add3A_141 : i32
          %dma_start3A_143 = arith.constant 0 : i32
          %dma_start3A_144 = tpu.memref_slice %arg6[%add3A_142, %dma_start3A_143] : memref<32x64xi32, #tpu.memory_space<vmem>> -> memref<1x64xi32, #tpu.memory_space<vmem>>
          %dma_start3A_145 = tpu.memref_squeeze %dma_start3A_144 : memref<1x64xi32, #tpu.memory_space<vmem>> -> memref<64xi32, #tpu.memory_space<vmem>>
          %dma_start3A_146 = arith.constant 0 : i32
          %dma_start3A_147 = arith.constant 0 : i32
          %dma_start3A_148 = tpu.memref_slice %arg12[%dma_start3A_146, %dma_start3A_147] : memref<10240x128xf32, #tpu.memory_space<vmem_shared>> -> memref<10240x128xf32, #tpu.memory_space<vmem_shared>>
          tpu.enqueue_indirect_dma source(%dma_start3A_148 : memref<10240x128xf32, #tpu.memory_space<vmem_shared>>) target(%arg9 : memref<64x128xf32, #tpu.memory_space<vmem>>) offsets(%dma_start3A_145 : memref<64xi32, #tpu.memory_space<vmem>>) semaphore(%arg14 : memref<!tpu.dma_semaphore, #tpu.memory_space<semaphore_mem>>)
        } else {
        }
        %add3A_111 = arith.constant 2 : i32
        %add3A_112 = arith.addi %mul3A_84, %add3A_111 : i32
        %dma_wait3A_113 = arith.constant 0 : i32
        %dma_wait3A_114 = tpu.memref_slice %arg6[%add3A_112, %dma_wait3A_113] : memref<32x64xi32, #tpu.memory_space<vmem>> -> memref<1x64xi32, #tpu.memory_space<vmem>>
        %dma_wait3A_115 = tpu.memref_squeeze %dma_wait3A_114 : memref<1x64xi32, #tpu.memory_space<vmem>> -> memref<64xi32, #tpu.memory_space<vmem>>
        %dma_wait3A_116 = arith.constant 0 : i32
        %dma_wait3A_117 = arith.constant 0 : i32
        %dma_wait3A_118 = tpu.memref_slice %arg12[%dma_wait3A_116, %dma_wait3A_117] : memref<10240x128xf32, #tpu.memory_space<vmem_shared>> -> memref<10240x128xf32, #tpu.memory_space<vmem_shared>>
        tpu.wait_indirect_dma semaphore(%arg15 : memref<!tpu.dma_semaphore, #tpu.memory_space<semaphore_mem>>) src(%dma_wait3A_118 : memref<10240x128xf32, #tpu.memory_space<vmem_shared>>) dst(%arg10 : memref<64x128xf32, #tpu.memory_space<vmem>>)
        %add3A_119 = arith.constant 4 : i32
        %add3A_120 = arith.addi %add3A_112, %add3A_119 : i32
        %lt3A_121 = arith.constant 32 : i32
        %lt3A_122 = arith.cmpi slt, %add3A_120, %lt3A_121 : i32
        %convert_element_type3A_123 = arith.extui %lt3A_122 : i1 to i32
        %cond3A_124 = arith.constant 0 : i32
        %cond3A_125 = arith.cmpi ne, %convert_element_type3A_123, %cond3A_124 : i32
        scf.if %cond3A_125 {
          %add3A_141 = arith.constant 4 : i32
          %add3A_142 = arith.addi %add3A_112, %add3A_141 : i32
          %dma_start3A_143 = arith.constant 0 : i32
          %dma_start3A_144 = tpu.memref_slice %arg6[%add3A_142, %dma_start3A_143] : memref<32x64xi32, #tpu.memory_space<vmem>> -> memref<1x64xi32, #tpu.memory_space<vmem>>
          %dma_start3A_145 = tpu.memref_squeeze %dma_start3A_144 : memref<1x64xi32, #tpu.memory_space<vmem>> -> memref<64xi32, #tpu.memory_space<vmem>>
          %dma_start3A_146 = arith.constant 0 : i32
          %dma_start3A_147 = arith.constant 0 : i32
          %dma_start3A_148 = tpu.memref_slice %arg12[%dma_start3A_146, %dma_start3A_147] : memref<10240x128xf32, #tpu.memory_space<vmem_shared>> -> memref<10240x128xf32, #tpu.memory_space<vmem_shared>>
          tpu.enqueue_indirect_dma source(%dma_start3A_148 : memref<10240x128xf32, #tpu.memory_space<vmem_shared>>) target(%arg10 : memref<64x128xf32, #tpu.memory_space<vmem>>) offsets(%dma_start3A_145 : memref<64xi32, #tpu.memory_space<vmem>>) semaphore(%arg15 : memref<!tpu.dma_semaphore, #tpu.memory_space<semaphore_mem>>)
        } else {
        }
        %add3A_126 = arith.constant 3 : i32
        %add3A_127 = arith.addi %mul3A_84, %add3A_126 : i32
        %dma_wait3A_128 = arith.constant 0 : i32
        %dma_wait3A_129 = tpu.memref_slice %arg6[%add3A_127, %dma_wait3A_128] : memref<32x64xi32, #tpu.memory_space<vmem>> -> memref<1x64xi32, #tpu.memory_space<vmem>>
        %dma_wait3A_130 = tpu.memref_squeeze %dma_wait3A_129 : memref<1x64xi32, #tpu.memory_space<vmem>> -> memref<64xi32, #tpu.memory_space<vmem>>
        %dma_wait3A_131 = arith.constant 0 : i32
        %dma_wait3A_132 = arith.constant 0 : i32
        %dma_wait3A_133 = tpu.memref_slice %arg12[%dma_wait3A_131, %dma_wait3A_132] : memref<10240x128xf32, #tpu.memory_space<vmem_shared>> -> memref<10240x128xf32, #tpu.memory_space<vmem_shared>>
        tpu.wait_indirect_dma semaphore(%arg16 : memref<!tpu.dma_semaphore, #tpu.memory_space<semaphore_mem>>) src(%dma_wait3A_133 : memref<10240x128xf32, #tpu.memory_space<vmem_shared>>) dst(%arg11 : memref<64x128xf32, #tpu.memory_space<vmem>>)
        %add3A_134 = arith.constant 4 : i32
        %add3A_135 = arith.addi %add3A_127, %add3A_134 : i32
        %lt3A_136 = arith.constant 32 : i32
        %lt3A_137 = arith.cmpi slt, %add3A_135, %lt3A_136 : i32
        %convert_element_type3A_138 = arith.extui %lt3A_137 : i1 to i32
        %cond3A_139 = arith.constant 0 : i32
        %cond3A_140 = arith.cmpi ne, %convert_element_type3A_138, %cond3A_139 : i32
        scf.if %cond3A_140 {
          %add3A_141 = arith.constant 4 : i32
          %add3A_142 = arith.addi %add3A_127, %add3A_141 : i32
          %dma_start3A_143 = arith.constant 0 : i32
          %dma_start3A_144 = tpu.memref_slice %arg6[%add3A_142, %dma_start3A_143] : memref<32x64xi32, #tpu.memory_space<vmem>> -> memref<1x64xi32, #tpu.memory_space<vmem>>
          %dma_start3A_145 = tpu.memref_squeeze %dma_start3A_144 : memref<1x64xi32, #tpu.memory_space<vmem>> -> memref<64xi32, #tpu.memory_space<vmem>>
          %dma_start3A_146 = arith.constant 0 : i32
          %dma_start3A_147 = arith.constant 0 : i32
          %dma_start3A_148 = tpu.memref_slice %arg12[%dma_start3A_146, %dma_start3A_147] : memref<10240x128xf32, #tpu.memory_space<vmem_shared>> -> memref<10240x128xf32, #tpu.memory_space<vmem_shared>>
          tpu.enqueue_indirect_dma source(%dma_start3A_148 : memref<10240x128xf32, #tpu.memory_space<vmem_shared>>) target(%arg11 : memref<64x128xf32, #tpu.memory_space<vmem>>) offsets(%dma_start3A_145 : memref<64xi32, #tpu.memory_space<vmem>>) semaphore(%arg16 : memref<!tpu.dma_semaphore, #tpu.memory_space<semaphore_mem>>)
        } else {
        }
      }
      %scan3A_81 = arith.constant 8 : i32
    }
    %barrier3A_45 = arith.constant 0 : index
    tpu.barrier barrier_id(%barrier3A_45)
    "tpu.region"() ({
      %run_scoped3A = tpu.sem_alloc : memref<!tpu.dma_semaphore, #tpu.memory_space<semaphore_mem>>
      %dma_start3A = arith.constant 0 : i32
      %dma_start3A_46 = tpu.memref_slice %arg5[%arg0, %mul3A_5, %dma_start3A] : memref<2x10240x128xf32, #tpu.memory_space<hbm>> -> memref<1x640x128xf32, #tpu.memory_space<hbm>>
      %dma_start3A_47 = tpu.memref_squeeze %dma_start3A_46 : memref<1x640x128xf32, #tpu.memory_space<hbm>> -> memref<640x128xf32, #tpu.memory_space<hbm>>
      %dma_start3A_48 = arith.constant 0 : i32
      %dma_start3A_49 = tpu.memref_slice %arg12[%mul3A_5, %dma_start3A_48] : memref<10240x128xf32, #tpu.memory_space<vmem_shared>> -> memref<640x128xf32, #tpu.memory_space<vmem_shared>>
      tpu.enqueue_dma source(%dma_start3A_49 : memref<640x128xf32, #tpu.memory_space<vmem_shared>>) target(%dma_start3A_47 : memref<640x128xf32, #tpu.memory_space<hbm>>) target_semaphore(%run_scoped3A : memref<!tpu.dma_semaphore, #tpu.memory_space<semaphore_mem>>)
      %dma_wait3A = arith.constant 0 : i32
      %dma_wait3A_50 = tpu.memref_slice %arg5[%arg0, %mul3A_5, %dma_wait3A] : memref<2x10240x128xf32, #tpu.memory_space<hbm>> -> memref<1x640x128xf32, #tpu.memory_space<hbm>>
      %dma_wait3A_51 = tpu.memref_squeeze %dma_wait3A_50 : memref<1x640x128xf32, #tpu.memory_space<hbm>> -> memref<640x128xf32, #tpu.memory_space<hbm>>
      %dma_wait3A_52 = arith.constant 0 : i32
      %dma_wait3A_53 = tpu.memref_slice %arg12[%mul3A_5, %dma_wait3A_52] : memref<10240x128xf32, #tpu.memory_space<vmem_shared>> -> memref<640x128xf32, #tpu.memory_space<vmem_shared>>
      tpu.wait_dma2 semaphore(%run_scoped3A : memref<!tpu.dma_semaphore, #tpu.memory_space<semaphore_mem>>) src(%dma_wait3A_53 : memref<640x128xf32, #tpu.memory_space<vmem_shared>>) dst(%dma_wait3A_51 : memref<640x128xf32, #tpu.memory_space<hbm>>)
      tpu.yield
    }) : () -> ()
    return
  }
}

#map = affine_map<(d0, d1) -> (0, 0, 0)>
module attributes {stable_mosaic.version = 14 : i64} {
  func.func @_deg_kernel(%arg0: i32, %arg1: i32, %arg2: memref<160x32x64xi32, #tpu.memory_space<hbm>>, %arg3: memref<2x10240x8xf32, #tpu.memory_space<hbm>>, %arg4: memref<32x64xi32, #tpu.memory_space<vmem>>, %arg5: memref<64x8xf32, #tpu.memory_space<vmem>>, %arg6: memref<64x8xf32, #tpu.memory_space<vmem>>, %arg7: memref<10240x8xf32, #tpu.memory_space<vmem_shared>>, %arg8: memref<!tpu.dma_semaphore, #tpu.memory_space<semaphore_mem>>) attributes {dimension_semantics = [#tpu.dimension_semantics<core_parallel>, #tpu.dimension_semantics<subcore_parallel>], iteration_bounds = array<i64: 2, 16>, scalar_prefetch = 0 : i64, scratch_operands = 5 : i64, tpu.core_type = #tpu.core_type<sc_vector_subcore>, window_params = [{transform_indices = #map}, {transform_indices = #map}]} {
    %scan3A = arith.constant 0 : i32
    %scan3A_0 = arith.constant 0 : i32
    %scan3A_1 = arith.constant 64 : i32
    %scan3A_2 = arith.addi %scan3A_0, %scan3A_1 : i32
    %scan3A_3 = arith.constant 1 : i32
    scf.for %scan3A_46 = %scan3A_0 to %scan3A_2 step %scan3A_3  : i32 {
      %broadcast_in_dim3A = arith.constant 1.000000e+00 : f32
      %broadcast_in_dim3A_47 = vector.broadcast %broadcast_in_dim3A : f32 to vector<8xf32>
      %swap3A = arith.index_cast %scan3A_46 : i32 to index
      %swap3A_48 = arith.constant 0 : index
      %swap3A_49 = tpu.vector_load %arg5[%swap3A, %swap3A_48] {strides = array<i32>} : memref<64x8xf32, #tpu.memory_space<vmem>>, vector<1x8xf32>,
      %swap3A_50 = vector.shape_cast %swap3A_49 : vector<1x8xf32> to vector<8xf32>
      %swap3A_51 = vector.shape_cast %broadcast_in_dim3A_47 : vector<8xf32> to vector<1x8xf32>
      tpu.vector_store %arg5[%swap3A, %swap3A_48], %swap3A_51 {strides = array<i32>} : memref<64x8xf32, #tpu.memory_space<vmem>>, vector<1x8xf32>,
      %broadcast_in_dim3A_52 = arith.constant 0.000000e+00 : f32
      %broadcast_in_dim3A_53 = vector.broadcast %broadcast_in_dim3A_52 : f32 to vector<8xf32>
      %swap3A_54 = arith.index_cast %scan3A_46 : i32 to index
      %swap3A_55 = arith.constant 0 : index
      %swap3A_56 = tpu.vector_load %arg6[%swap3A_54, %swap3A_55] {strides = array<i32>} : memref<64x8xf32, #tpu.memory_space<vmem>>, vector<1x8xf32>,
      %swap3A_57 = vector.shape_cast %swap3A_56 : vector<1x8xf32> to vector<8xf32>
      %swap3A_58 = vector.shape_cast %broadcast_in_dim3A_53 : vector<8xf32> to vector<1x8xf32>
      tpu.vector_store %arg6[%swap3A_54, %swap3A_55], %swap3A_58 {strides = array<i32>} : memref<64x8xf32, #tpu.memory_space<vmem>>, vector<1x8xf32>,
    }
    %scan3A_4 = arith.constant 64 : i32
    %mul3A = arith.constant 640 : i32
    %mul3A_5 = arith.muli %arg1, %mul3A : i32
    %add3A = arith.constant 0 : i32
    %add3A_6 = arith.addi %mul3A_5, %add3A : i32
    "tpu.region"() ({
      %run_scoped3A = tpu.sem_alloc : memref<!tpu.dma_semaphore, #tpu.memory_space<semaphore_mem>>
      %dma_start3A = arith.constant 0 : i32
      %dma_start3A_46 = tpu.memref_slice %arg7[%add3A_6, %dma_start3A] : memref<10240x8xf32, #tpu.memory_space<vmem_shared>> -> memref<64x8xf32, #tpu.memory_space<vmem_shared>>
      %dma_start3A_47 = arith.constant 0 : i32
      %dma_start3A_48 = tpu.memref_slice %arg7[%add3A_6, %dma_start3A_47] : memref<10240x8xf32, #tpu.memory_space<vmem_shared>> -> memref<64x8xf32, #tpu.memory_space<vmem_shared>>
      tpu.enqueue_dma source(%arg6 : memref<64x8xf32, #tpu.memory_space<vmem>>) target(%dma_start3A_48 : memref<64x8xf32, #tpu.memory_space<vmem_shared>>) target_semaphore(%run_scoped3A : memref<!tpu.dma_semaphore, #tpu.memory_space<semaphore_mem>>)
      %dma_wait3A = arith.constant 0 : i32
      %dma_wait3A_49 = tpu.memref_slice %arg7[%add3A_6, %dma_wait3A] : memref<10240x8xf32, #tpu.memory_space<vmem_shared>> -> memref<64x8xf32, #tpu.memory_space<vmem_shared>>
      %dma_wait3A_50 = arith.constant 0 : i32
      %dma_wait3A_51 = tpu.memref_slice %arg7[%add3A_6, %dma_wait3A_50] : memref<10240x8xf32, #tpu.memory_space<vmem_shared>> -> memref<64x8xf32, #tpu.memory_space<vmem_shared>>
      tpu.wait_dma2 semaphore(%run_scoped3A : memref<!tpu.dma_semaphore, #tpu.memory_space<semaphore_mem>>) src(%arg6 : memref<64x8xf32, #tpu.memory_space<vmem>>) dst(%dma_wait3A_51 : memref<64x8xf32, #tpu.memory_space<vmem_shared>>)
      tpu.yield
    }) : () -> ()
    %add3A_7 = arith.constant 64 : i32
    %add3A_8 = arith.addi %mul3A_5, %add3A_7 : i32
    "tpu.region"() ({
      %run_scoped3A = tpu.sem_alloc : memref<!tpu.dma_semaphore, #tpu.memory_space<semaphore_mem>>
      %dma_start3A = arith.constant 0 : i32
      %dma_start3A_46 = tpu.memref_slice %arg7[%add3A_8, %dma_start3A] : memref<10240x8xf32, #tpu.memory_space<vmem_shared>> -> memref<64x8xf32, #tpu.memory_space<vmem_shared>>
      %dma_start3A_47 = arith.constant 0 : i32
      %dma_start3A_48 = tpu.memref_slice %arg7[%add3A_8, %dma_start3A_47] : memref<10240x8xf32, #tpu.memory_space<vmem_shared>> -> memref<64x8xf32, #tpu.memory_space<vmem_shared>>
      tpu.enqueue_dma source(%arg6 : memref<64x8xf32, #tpu.memory_space<vmem>>) target(%dma_start3A_48 : memref<64x8xf32, #tpu.memory_space<vmem_shared>>) target_semaphore(%run_scoped3A : memref<!tpu.dma_semaphore, #tpu.memory_space<semaphore_mem>>)
      %dma_wait3A = arith.constant 0 : i32
      %dma_wait3A_49 = tpu.memref_slice %arg7[%add3A_8, %dma_wait3A] : memref<10240x8xf32, #tpu.memory_space<vmem_shared>> -> memref<64x8xf32, #tpu.memory_space<vmem_shared>>
      %dma_wait3A_50 = arith.constant 0 : i32
      %dma_wait3A_51 = tpu.memref_slice %arg7[%add3A_8, %dma_wait3A_50] : memref<10240x8xf32, #tpu.memory_space<vmem_shared>> -> memref<64x8xf32, #tpu.memory_space<vmem_shared>>
      tpu.wait_dma2 semaphore(%run_scoped3A : memref<!tpu.dma_semaphore, #tpu.memory_space<semaphore_mem>>) src(%arg6 : memref<64x8xf32, #tpu.memory_space<vmem>>) dst(%dma_wait3A_51 : memref<64x8xf32, #tpu.memory_space<vmem_shared>>)
      tpu.yield
    }) : () -> ()
    %add3A_9 = arith.constant 128 : i32
    %add3A_10 = arith.addi %mul3A_5, %add3A_9 : i32
    "tpu.region"() ({
      %run_scoped3A = tpu.sem_alloc : memref<!tpu.dma_semaphore, #tpu.memory_space<semaphore_mem>>
      %dma_start3A = arith.constant 0 : i32
      %dma_start3A_46 = tpu.memref_slice %arg7[%add3A_10, %dma_start3A] : memref<10240x8xf32, #tpu.memory_space<vmem_shared>> -> memref<64x8xf32, #tpu.memory_space<vmem_shared>>
      %dma_start3A_47 = arith.constant 0 : i32
      %dma_start3A_48 = tpu.memref_slice %arg7[%add3A_10, %dma_start3A_47] : memref<10240x8xf32, #tpu.memory_space<vmem_shared>> -> memref<64x8xf32, #tpu.memory_space<vmem_shared>>
      tpu.enqueue_dma source(%arg6 : memref<64x8xf32, #tpu.memory_space<vmem>>) target(%dma_start3A_48 : memref<64x8xf32, #tpu.memory_space<vmem_shared>>) target_semaphore(%run_scoped3A : memref<!tpu.dma_semaphore, #tpu.memory_space<semaphore_mem>>)
      %dma_wait3A = arith.constant 0 : i32
      %dma_wait3A_49 = tpu.memref_slice %arg7[%add3A_10, %dma_wait3A] : memref<10240x8xf32, #tpu.memory_space<vmem_shared>> -> memref<64x8xf32, #tpu.memory_space<vmem_shared>>
      %dma_wait3A_50 = arith.constant 0 : i32
      %dma_wait3A_51 = tpu.memref_slice %arg7[%add3A_10, %dma_wait3A_50] : memref<10240x8xf32, #tpu.memory_space<vmem_shared>> -> memref<64x8xf32, #tpu.memory_space<vmem_shared>>
      tpu.wait_dma2 semaphore(%run_scoped3A : memref<!tpu.dma_semaphore, #tpu.memory_space<semaphore_mem>>) src(%arg6 : memref<64x8xf32, #tpu.memory_space<vmem>>) dst(%dma_wait3A_51 : memref<64x8xf32, #tpu.memory_space<vmem_shared>>)
      tpu.yield
    }) : () -> ()
    %add3A_11 = arith.constant 192 : i32
    %add3A_12 = arith.addi %mul3A_5, %add3A_11 : i32
    "tpu.region"() ({
      %run_scoped3A = tpu.sem_alloc : memref<!tpu.dma_semaphore, #tpu.memory_space<semaphore_mem>>
      %dma_start3A = arith.constant 0 : i32
      %dma_start3A_46 = tpu.memref_slice %arg7[%add3A_12, %dma_start3A] : memref<10240x8xf32, #tpu.memory_space<vmem_shared>> -> memref<64x8xf32, #tpu.memory_space<vmem_shared>>
      %dma_start3A_47 = arith.constant 0 : i32
      %dma_start3A_48 = tpu.memref_slice %arg7[%add3A_12, %dma_start3A_47] : memref<10240x8xf32, #tpu.memory_space<vmem_shared>> -> memref<64x8xf32, #tpu.memory_space<vmem_shared>>
      tpu.enqueue_dma source(%arg6 : memref<64x8xf32, #tpu.memory_space<vmem>>) target(%dma_start3A_48 : memref<64x8xf32, #tpu.memory_space<vmem_shared>>) target_semaphore(%run_scoped3A : memref<!tpu.dma_semaphore, #tpu.memory_space<semaphore_mem>>)
      %dma_wait3A = arith.constant 0 : i32
      %dma_wait3A_49 = tpu.memref_slice %arg7[%add3A_12, %dma_wait3A] : memref<10240x8xf32, #tpu.memory_space<vmem_shared>> -> memref<64x8xf32, #tpu.memory_space<vmem_shared>>
      %dma_wait3A_50 = arith.constant 0 : i32
      %dma_wait3A_51 = tpu.memref_slice %arg7[%add3A_12, %dma_wait3A_50] : memref<10240x8xf32, #tpu.memory_space<vmem_shared>> -> memref<64x8xf32, #tpu.memory_space<vmem_shared>>
      tpu.wait_dma2 semaphore(%run_scoped3A : memref<!tpu.dma_semaphore, #tpu.memory_space<semaphore_mem>>) src(%arg6 : memref<64x8xf32, #tpu.memory_space<vmem>>) dst(%dma_wait3A_51 : memref<64x8xf32, #tpu.memory_space<vmem_shared>>)
      tpu.yield
    }) : () -> ()
    %add3A_13 = arith.constant 256 : i32
    %add3A_14 = arith.addi %mul3A_5, %add3A_13 : i32
    "tpu.region"() ({
      %run_scoped3A = tpu.sem_alloc : memref<!tpu.dma_semaphore, #tpu.memory_space<semaphore_mem>>
      %dma_start3A = arith.constant 0 : i32
      %dma_start3A_46 = tpu.memref_slice %arg7[%add3A_14, %dma_start3A] : memref<10240x8xf32, #tpu.memory_space<vmem_shared>> -> memref<64x8xf32, #tpu.memory_space<vmem_shared>>
      %dma_start3A_47 = arith.constant 0 : i32
      %dma_start3A_48 = tpu.memref_slice %arg7[%add3A_14, %dma_start3A_47] : memref<10240x8xf32, #tpu.memory_space<vmem_shared>> -> memref<64x8xf32, #tpu.memory_space<vmem_shared>>
      tpu.enqueue_dma source(%arg6 : memref<64x8xf32, #tpu.memory_space<vmem>>) target(%dma_start3A_48 : memref<64x8xf32, #tpu.memory_space<vmem_shared>>) target_semaphore(%run_scoped3A : memref<!tpu.dma_semaphore, #tpu.memory_space<semaphore_mem>>)
      %dma_wait3A = arith.constant 0 : i32
      %dma_wait3A_49 = tpu.memref_slice %arg7[%add3A_14, %dma_wait3A] : memref<10240x8xf32, #tpu.memory_space<vmem_shared>> -> memref<64x8xf32, #tpu.memory_space<vmem_shared>>
      %dma_wait3A_50 = arith.constant 0 : i32
      %dma_wait3A_51 = tpu.memref_slice %arg7[%add3A_14, %dma_wait3A_50] : memref<10240x8xf32, #tpu.memory_space<vmem_shared>> -> memref<64x8xf32, #tpu.memory_space<vmem_shared>>
      tpu.wait_dma2 semaphore(%run_scoped3A : memref<!tpu.dma_semaphore, #tpu.memory_space<semaphore_mem>>) src(%arg6 : memref<64x8xf32, #tpu.memory_space<vmem>>) dst(%dma_wait3A_51 : memref<64x8xf32, #tpu.memory_space<vmem_shared>>)
      tpu.yield
    }) : () -> ()
    %add3A_15 = arith.constant 320 : i32
    %add3A_16 = arith.addi %mul3A_5, %add3A_15 : i32
    "tpu.region"() ({
      %run_scoped3A = tpu.sem_alloc : memref<!tpu.dma_semaphore, #tpu.memory_space<semaphore_mem>>
      %dma_start3A = arith.constant 0 : i32
      %dma_start3A_46 = tpu.memref_slice %arg7[%add3A_16, %dma_start3A] : memref<10240x8xf32, #tpu.memory_space<vmem_shared>> -> memref<64x8xf32, #tpu.memory_space<vmem_shared>>
      %dma_start3A_47 = arith.constant 0 : i32
      %dma_start3A_48 = tpu.memref_slice %arg7[%add3A_16, %dma_start3A_47] : memref<10240x8xf32, #tpu.memory_space<vmem_shared>> -> memref<64x8xf32, #tpu.memory_space<vmem_shared>>
      tpu.enqueue_dma source(%arg6 : memref<64x8xf32, #tpu.memory_space<vmem>>) target(%dma_start3A_48 : memref<64x8xf32, #tpu.memory_space<vmem_shared>>) target_semaphore(%run_scoped3A : memref<!tpu.dma_semaphore, #tpu.memory_space<semaphore_mem>>)
      %dma_wait3A = arith.constant 0 : i32
      %dma_wait3A_49 = tpu.memref_slice %arg7[%add3A_16, %dma_wait3A] : memref<10240x8xf32, #tpu.memory_space<vmem_shared>> -> memref<64x8xf32, #tpu.memory_space<vmem_shared>>
      %dma_wait3A_50 = arith.constant 0 : i32
      %dma_wait3A_51 = tpu.memref_slice %arg7[%add3A_16, %dma_wait3A_50] : memref<10240x8xf32, #tpu.memory_space<vmem_shared>> -> memref<64x8xf32, #tpu.memory_space<vmem_shared>>
      tpu.wait_dma2 semaphore(%run_scoped3A : memref<!tpu.dma_semaphore, #tpu.memory_space<semaphore_mem>>) src(%arg6 : memref<64x8xf32, #tpu.memory_space<vmem>>) dst(%dma_wait3A_51 : memref<64x8xf32, #tpu.memory_space<vmem_shared>>)
      tpu.yield
    }) : () -> ()
    %add3A_17 = arith.constant 384 : i32
    %add3A_18 = arith.addi %mul3A_5, %add3A_17 : i32
    "tpu.region"() ({
      %run_scoped3A = tpu.sem_alloc : memref<!tpu.dma_semaphore, #tpu.memory_space<semaphore_mem>>
      %dma_start3A = arith.constant 0 : i32
      %dma_start3A_46 = tpu.memref_slice %arg7[%add3A_18, %dma_start3A] : memref<10240x8xf32, #tpu.memory_space<vmem_shared>> -> memref<64x8xf32, #tpu.memory_space<vmem_shared>>
      %dma_start3A_47 = arith.constant 0 : i32
      %dma_start3A_48 = tpu.memref_slice %arg7[%add3A_18, %dma_start3A_47] : memref<10240x8xf32, #tpu.memory_space<vmem_shared>> -> memref<64x8xf32, #tpu.memory_space<vmem_shared>>
      tpu.enqueue_dma source(%arg6 : memref<64x8xf32, #tpu.memory_space<vmem>>) target(%dma_start3A_48 : memref<64x8xf32, #tpu.memory_space<vmem_shared>>) target_semaphore(%run_scoped3A : memref<!tpu.dma_semaphore, #tpu.memory_space<semaphore_mem>>)
      %dma_wait3A = arith.constant 0 : i32
      %dma_wait3A_49 = tpu.memref_slice %arg7[%add3A_18, %dma_wait3A] : memref<10240x8xf32, #tpu.memory_space<vmem_shared>> -> memref<64x8xf32, #tpu.memory_space<vmem_shared>>
      %dma_wait3A_50 = arith.constant 0 : i32
      %dma_wait3A_51 = tpu.memref_slice %arg7[%add3A_18, %dma_wait3A_50] : memref<10240x8xf32, #tpu.memory_space<vmem_shared>> -> memref<64x8xf32, #tpu.memory_space<vmem_shared>>
      tpu.wait_dma2 semaphore(%run_scoped3A : memref<!tpu.dma_semaphore, #tpu.memory_space<semaphore_mem>>) src(%arg6 : memref<64x8xf32, #tpu.memory_space<vmem>>) dst(%dma_wait3A_51 : memref<64x8xf32, #tpu.memory_space<vmem_shared>>)
      tpu.yield
    }) : () -> ()
    %add3A_19 = arith.constant 448 : i32
    %add3A_20 = arith.addi %mul3A_5, %add3A_19 : i32
    "tpu.region"() ({
      %run_scoped3A = tpu.sem_alloc : memref<!tpu.dma_semaphore, #tpu.memory_space<semaphore_mem>>
      %dma_start3A = arith.constant 0 : i32
      %dma_start3A_46 = tpu.memref_slice %arg7[%add3A_20, %dma_start3A] : memref<10240x8xf32, #tpu.memory_space<vmem_shared>> -> memref<64x8xf32, #tpu.memory_space<vmem_shared>>
      %dma_start3A_47 = arith.constant 0 : i32
      %dma_start3A_48 = tpu.memref_slice %arg7[%add3A_20, %dma_start3A_47] : memref<10240x8xf32, #tpu.memory_space<vmem_shared>> -> memref<64x8xf32, #tpu.memory_space<vmem_shared>>
      tpu.enqueue_dma source(%arg6 : memref<64x8xf32, #tpu.memory_space<vmem>>) target(%dma_start3A_48 : memref<64x8xf32, #tpu.memory_space<vmem_shared>>) target_semaphore(%run_scoped3A : memref<!tpu.dma_semaphore, #tpu.memory_space<semaphore_mem>>)
      %dma_wait3A = arith.constant 0 : i32
      %dma_wait3A_49 = tpu.memref_slice %arg7[%add3A_20, %dma_wait3A] : memref<10240x8xf32, #tpu.memory_space<vmem_shared>> -> memref<64x8xf32, #tpu.memory_space<vmem_shared>>
      %dma_wait3A_50 = arith.constant 0 : i32
      %dma_wait3A_51 = tpu.memref_slice %arg7[%add3A_20, %dma_wait3A_50] : memref<10240x8xf32, #tpu.memory_space<vmem_shared>> -> memref<64x8xf32, #tpu.memory_space<vmem_shared>>
      tpu.wait_dma2 semaphore(%run_scoped3A : memref<!tpu.dma_semaphore, #tpu.memory_space<semaphore_mem>>) src(%arg6 : memref<64x8xf32, #tpu.memory_space<vmem>>) dst(%dma_wait3A_51 : memref<64x8xf32, #tpu.memory_space<vmem_shared>>)
      tpu.yield
    }) : () -> ()
    %add3A_21 = arith.constant 512 : i32
    %add3A_22 = arith.addi %mul3A_5, %add3A_21 : i32
    "tpu.region"() ({
      %run_scoped3A = tpu.sem_alloc : memref<!tpu.dma_semaphore, #tpu.memory_space<semaphore_mem>>
      %dma_start3A = arith.constant 0 : i32
      %dma_start3A_46 = tpu.memref_slice %arg7[%add3A_22, %dma_start3A] : memref<10240x8xf32, #tpu.memory_space<vmem_shared>> -> memref<64x8xf32, #tpu.memory_space<vmem_shared>>
      %dma_start3A_47 = arith.constant 0 : i32
      %dma_start3A_48 = tpu.memref_slice %arg7[%add3A_22, %dma_start3A_47] : memref<10240x8xf32, #tpu.memory_space<vmem_shared>> -> memref<64x8xf32, #tpu.memory_space<vmem_shared>>
      tpu.enqueue_dma source(%arg6 : memref<64x8xf32, #tpu.memory_space<vmem>>) target(%dma_start3A_48 : memref<64x8xf32, #tpu.memory_space<vmem_shared>>) target_semaphore(%run_scoped3A : memref<!tpu.dma_semaphore, #tpu.memory_space<semaphore_mem>>)
      %dma_wait3A = arith.constant 0 : i32
      %dma_wait3A_49 = tpu.memref_slice %arg7[%add3A_22, %dma_wait3A] : memref<10240x8xf32, #tpu.memory_space<vmem_shared>> -> memref<64x8xf32, #tpu.memory_space<vmem_shared>>
      %dma_wait3A_50 = arith.constant 0 : i32
      %dma_wait3A_51 = tpu.memref_slice %arg7[%add3A_22, %dma_wait3A_50] : memref<10240x8xf32, #tpu.memory_space<vmem_shared>> -> memref<64x8xf32, #tpu.memory_space<vmem_shared>>
      tpu.wait_dma2 semaphore(%run_scoped3A : memref<!tpu.dma_semaphore, #tpu.memory_space<semaphore_mem>>) src(%arg6 : memref<64x8xf32, #tpu.memory_space<vmem>>) dst(%dma_wait3A_51 : memref<64x8xf32, #tpu.memory_space<vmem_shared>>)
      tpu.yield
    }) : () -> ()
    %add3A_23 = arith.constant 576 : i32
    %add3A_24 = arith.addi %mul3A_5, %add3A_23 : i32
    "tpu.region"() ({
      %run_scoped3A = tpu.sem_alloc : memref<!tpu.dma_semaphore, #tpu.memory_space<semaphore_mem>>
      %dma_start3A = arith.constant 0 : i32
      %dma_start3A_46 = tpu.memref_slice %arg7[%add3A_24, %dma_start3A] : memref<10240x8xf32, #tpu.memory_space<vmem_shared>> -> memref<64x8xf32, #tpu.memory_space<vmem_shared>>
      %dma_start3A_47 = arith.constant 0 : i32
      %dma_start3A_48 = tpu.memref_slice %arg7[%add3A_24, %dma_start3A_47] : memref<10240x8xf32, #tpu.memory_space<vmem_shared>> -> memref<64x8xf32, #tpu.memory_space<vmem_shared>>
      tpu.enqueue_dma source(%arg6 : memref<64x8xf32, #tpu.memory_space<vmem>>) target(%dma_start3A_48 : memref<64x8xf32, #tpu.memory_space<vmem_shared>>) target_semaphore(%run_scoped3A : memref<!tpu.dma_semaphore, #tpu.memory_space<semaphore_mem>>)
      %dma_wait3A = arith.constant 0 : i32
      %dma_wait3A_49 = tpu.memref_slice %arg7[%add3A_24, %dma_wait3A] : memref<10240x8xf32, #tpu.memory_space<vmem_shared>> -> memref<64x8xf32, #tpu.memory_space<vmem_shared>>
      %dma_wait3A_50 = arith.constant 0 : i32
      %dma_wait3A_51 = tpu.memref_slice %arg7[%add3A_24, %dma_wait3A_50] : memref<10240x8xf32, #tpu.memory_space<vmem_shared>> -> memref<64x8xf32, #tpu.memory_space<vmem_shared>>
      tpu.wait_dma2 semaphore(%run_scoped3A : memref<!tpu.dma_semaphore, #tpu.memory_space<semaphore_mem>>) src(%arg6 : memref<64x8xf32, #tpu.memory_space<vmem>>) dst(%dma_wait3A_51 : memref<64x8xf32, #tpu.memory_space<vmem_shared>>)
      tpu.yield
    }) : () -> ()
    %barrier3A = arith.constant 0 : index
    tpu.barrier barrier_id(%barrier3A)
    %eq3A = arith.constant 0 : i32
    %eq3A_25 = arith.cmpi eq, %arg0, %eq3A : i32
    %jit3A = arith.constant 10 : i32
    %jit3A_26 = arith.constant 0 : i32
    %select_n3A = arith.select %eq3A_25, %jit3A, %jit3A_26 : i32
    %eq3A_27 = arith.constant 0 : i32
    %eq3A_28 = arith.cmpi eq, %arg0, %eq3A_27 : i32
    %mul3A_29 = arith.constant 10 : i32
    %mul3A_30 = arith.muli %arg1, %mul3A_29 : i32
    %mul3A_31 = arith.constant 0 : i32
    %mul3A_32 = arith.muli %arg1, %mul3A_31 : i32
    %add3A_33 = arith.constant 160 : i32
    %add3A_34 = arith.addi %add3A_33, %mul3A_32 : i32
    %select_n3A_35 = arith.select %eq3A_28, %mul3A_30, %add3A_34 : i32
    %while3A = arith.constant 0 : i32
    %while3A_36 = arith.constant 0 : i32
    %while3A_37 = arith.subi %select_n3A, %while3A_36 : i32
    %while3A_38 = arith.addi %while3A_36, %while3A_37 : i32
    %while3A_39 = arith.constant 1 : i32
    %while3A_40 = arith.divsi %while3A_37, %while3A_39 : i32
    %while3A_41 = arith.muli %while3A_40, %while3A_39 : i32
    %while3A_42 = arith.addi %while3A_36, %while3A_41 : i32
    %while3A_43 = arith.constant 1 : i32
    scf.for %while3A_46 = %while3A_36 to %while3A_42 step %while3A_43  : i32 {
      %add3A_47 = arith.addi %select_n3A_35, %while3A_46 : i32
      "tpu.region"() ({
        %run_scoped3A = tpu.sem_alloc : memref<!tpu.dma_semaphore, #tpu.memory_space<semaphore_mem>>
        %dma_start3A = arith.constant 0 : i32
        %dma_start3A_60 = arith.constant 0 : i32
        %dma_start3A_61 = tpu.memref_slice %arg2[%add3A_47, %dma_start3A, %dma_start3A_60] : memref<160x32x64xi32, #tpu.memory_space<hbm>> -> memref<1x32x64xi32, #tpu.memory_space<hbm>>
        %dma_start3A_62 = tpu.memref_squeeze %dma_start3A_61 : memref<1x32x64xi32, #tpu.memory_space<hbm>> -> memref<32x64xi32, #tpu.memory_space<hbm>>
        %dma_start3A_63 = arith.constant 0 : i32
        %dma_start3A_64 = arith.constant 0 : i32
        %dma_start3A_65 = tpu.memref_slice %arg2[%add3A_47, %dma_start3A_63, %dma_start3A_64] : memref<160x32x64xi32, #tpu.memory_space<hbm>> -> memref<1x32x64xi32, #tpu.memory_space<hbm>>
        %dma_start3A_66 = tpu.memref_squeeze %dma_start3A_65 : memref<1x32x64xi32, #tpu.memory_space<hbm>> -> memref<32x64xi32, #tpu.memory_space<hbm>>
        tpu.enqueue_dma source(%dma_start3A_66 : memref<32x64xi32, #tpu.memory_space<hbm>>) target(%arg4 : memref<32x64xi32, #tpu.memory_space<vmem>>) target_semaphore(%run_scoped3A : memref<!tpu.dma_semaphore, #tpu.memory_space<semaphore_mem>>)
        %dma_wait3A = arith.constant 0 : i32
        %dma_wait3A_67 = arith.constant 0 : i32
        %dma_wait3A_68 = tpu.memref_slice %arg2[%add3A_47, %dma_wait3A, %dma_wait3A_67] : memref<160x32x64xi32, #tpu.memory_space<hbm>> -> memref<1x32x64xi32, #tpu.memory_space<hbm>>
        %dma_wait3A_69 = tpu.memref_squeeze %dma_wait3A_68 : memref<1x32x64xi32, #tpu.memory_space<hbm>> -> memref<32x64xi32, #tpu.memory_space<hbm>>
        %dma_wait3A_70 = arith.constant 0 : i32
        %dma_wait3A_71 = arith.constant 0 : i32
        %dma_wait3A_72 = tpu.memref_slice %arg2[%add3A_47, %dma_wait3A_70, %dma_wait3A_71] : memref<160x32x64xi32, #tpu.memory_space<hbm>> -> memref<1x32x64xi32, #tpu.memory_space<hbm>>
        %dma_wait3A_73 = tpu.memref_squeeze %dma_wait3A_72 : memref<1x32x64xi32, #tpu.memory_space<hbm>> -> memref<32x64xi32, #tpu.memory_space<hbm>>
        tpu.wait_dma2 semaphore(%run_scoped3A : memref<!tpu.dma_semaphore, #tpu.memory_space<semaphore_mem>>) src(%dma_wait3A_73 : memref<32x64xi32, #tpu.memory_space<hbm>>) dst(%arg4 : memref<32x64xi32, #tpu.memory_space<vmem>>)
        tpu.yield
      }) : () -> ()
      %scan3A_48 = arith.constant 0 : i32
      %scan3A_49 = arith.constant 0 : i32
      %scan3A_50 = arith.constant 32 : i32
      %scan3A_51 = arith.addi %scan3A_49, %scan3A_50 : i32
      %scan3A_52 = arith.constant 1 : i32
      scf.for %scan3A_60 = %scan3A_49 to %scan3A_51 step %scan3A_52  : i32 {
        %dma_start3A = arith.constant 0 : i32
        %dma_start3A_61 = tpu.memref_slice %arg4[%scan3A_60, %dma_start3A] : memref<32x64xi32, #tpu.memory_space<vmem>> -> memref<1x64xi32, #tpu.memory_space<vmem>>
        %dma_start3A_62 = tpu.memref_squeeze %dma_start3A_61 : memref<1x64xi32, #tpu.memory_space<vmem>> -> memref<64xi32, #tpu.memory_space<vmem>>
        %dma_start3A_63 = arith.constant 0 : i32
        %dma_start3A_64 = arith.constant 0 : i32
        %dma_start3A_65 = tpu.memref_slice %arg7[%dma_start3A_63, %dma_start3A_64] : memref<10240x8xf32, #tpu.memory_space<vmem_shared>> -> memref<10240x8xf32, #tpu.memory_space<vmem_shared>>
        tpu.enqueue_indirect_dma source(%arg5 : memref<64x8xf32, #tpu.memory_space<vmem>>) target(%dma_start3A_65 : memref<10240x8xf32, #tpu.memory_space<vmem_shared>>) offsets(%dma_start3A_62 : memref<64xi32, #tpu.memory_space<vmem>>) semaphore(%arg8 : memref<!tpu.dma_semaphore, #tpu.memory_space<semaphore_mem>>) {add = true}
      }
      %scan3A_53 = arith.constant 32 : i32
      %scan3A_54 = arith.constant 0 : i32
      %scan3A_55 = arith.constant 0 : i32
      %scan3A_56 = arith.constant 32 : i32
      %scan3A_57 = arith.addi %scan3A_55, %scan3A_56 : i32
      %scan3A_58 = arith.constant 1 : i32
      scf.for %scan3A_60 = %scan3A_55 to %scan3A_57 step %scan3A_58  : i32 {
        %dma_wait3A = arith.constant 0 : i32
        %dma_wait3A_61 = tpu.memref_slice %arg4[%scan3A_60, %dma_wait3A] : memref<32x64xi32, #tpu.memory_space<vmem>> -> memref<1x64xi32, #tpu.memory_space<vmem>>
        %dma_wait3A_62 = tpu.memref_squeeze %dma_wait3A_61 : memref<1x64xi32, #tpu.memory_space<vmem>> -> memref<64xi32, #tpu.memory_space<vmem>>
        %dma_wait3A_63 = arith.constant 0 : i32
        %dma_wait3A_64 = arith.constant 0 : i32
        %dma_wait3A_65 = tpu.memref_slice %arg7[%dma_wait3A_63, %dma_wait3A_64] : memref<10240x8xf32, #tpu.memory_space<vmem_shared>> -> memref<10240x8xf32, #tpu.memory_space<vmem_shared>>
        tpu.wait_indirect_dma semaphore(%arg8 : memref<!tpu.dma_semaphore, #tpu.memory_space<semaphore_mem>>) src(%arg5 : memref<64x8xf32, #tpu.memory_space<vmem>>) dst(%dma_wait3A_65 : memref<10240x8xf32, #tpu.memory_space<vmem_shared>>)
      }
      %scan3A_59 = arith.constant 32 : i32
    }
    %while3A_44 = arith.constant 1 : i32
    scf.for %while3A_46 = %while3A_42 to %while3A_38 step %while3A_44  : i32 {
      %add3A_47 = arith.addi %select_n3A_35, %while3A_46 : i32
      "tpu.region"() ({
        %run_scoped3A = tpu.sem_alloc : memref<!tpu.dma_semaphore, #tpu.memory_space<semaphore_mem>>
        %dma_start3A = arith.constant 0 : i32
        %dma_start3A_60 = arith.constant 0 : i32
        %dma_start3A_61 = tpu.memref_slice %arg2[%add3A_47, %dma_start3A, %dma_start3A_60] : memref<160x32x64xi32, #tpu.memory_space<hbm>> -> memref<1x32x64xi32, #tpu.memory_space<hbm>>
        %dma_start3A_62 = tpu.memref_squeeze %dma_start3A_61 : memref<1x32x64xi32, #tpu.memory_space<hbm>> -> memref<32x64xi32, #tpu.memory_space<hbm>>
        %dma_start3A_63 = arith.constant 0 : i32
        %dma_start3A_64 = arith.constant 0 : i32
        %dma_start3A_65 = tpu.memref_slice %arg2[%add3A_47, %dma_start3A_63, %dma_start3A_64] : memref<160x32x64xi32, #tpu.memory_space<hbm>> -> memref<1x32x64xi32, #tpu.memory_space<hbm>>
        %dma_start3A_66 = tpu.memref_squeeze %dma_start3A_65 : memref<1x32x64xi32, #tpu.memory_space<hbm>> -> memref<32x64xi32, #tpu.memory_space<hbm>>
        tpu.enqueue_dma source(%dma_start3A_66 : memref<32x64xi32, #tpu.memory_space<hbm>>) target(%arg4 : memref<32x64xi32, #tpu.memory_space<vmem>>) target_semaphore(%run_scoped3A : memref<!tpu.dma_semaphore, #tpu.memory_space<semaphore_mem>>)
        %dma_wait3A = arith.constant 0 : i32
        %dma_wait3A_67 = arith.constant 0 : i32
        %dma_wait3A_68 = tpu.memref_slice %arg2[%add3A_47, %dma_wait3A, %dma_wait3A_67] : memref<160x32x64xi32, #tpu.memory_space<hbm>> -> memref<1x32x64xi32, #tpu.memory_space<hbm>>
        %dma_wait3A_69 = tpu.memref_squeeze %dma_wait3A_68 : memref<1x32x64xi32, #tpu.memory_space<hbm>> -> memref<32x64xi32, #tpu.memory_space<hbm>>
        %dma_wait3A_70 = arith.constant 0 : i32
        %dma_wait3A_71 = arith.constant 0 : i32
        %dma_wait3A_72 = tpu.memref_slice %arg2[%add3A_47, %dma_wait3A_70, %dma_wait3A_71] : memref<160x32x64xi32, #tpu.memory_space<hbm>> -> memref<1x32x64xi32, #tpu.memory_space<hbm>>
        %dma_wait3A_73 = tpu.memref_squeeze %dma_wait3A_72 : memref<1x32x64xi32, #tpu.memory_space<hbm>> -> memref<32x64xi32, #tpu.memory_space<hbm>>
        tpu.wait_dma2 semaphore(%run_scoped3A : memref<!tpu.dma_semaphore, #tpu.memory_space<semaphore_mem>>) src(%dma_wait3A_73 : memref<32x64xi32, #tpu.memory_space<hbm>>) dst(%arg4 : memref<32x64xi32, #tpu.memory_space<vmem>>)
        tpu.yield
      }) : () -> ()
      %scan3A_48 = arith.constant 0 : i32
      %scan3A_49 = arith.constant 0 : i32
      %scan3A_50 = arith.constant 32 : i32
      %scan3A_51 = arith.addi %scan3A_49, %scan3A_50 : i32
      %scan3A_52 = arith.constant 1 : i32
      scf.for %scan3A_60 = %scan3A_49 to %scan3A_51 step %scan3A_52  : i32 {
        %dma_start3A = arith.constant 0 : i32
        %dma_start3A_61 = tpu.memref_slice %arg4[%scan3A_60, %dma_start3A] : memref<32x64xi32, #tpu.memory_space<vmem>> -> memref<1x64xi32, #tpu.memory_space<vmem>>
        %dma_start3A_62 = tpu.memref_squeeze %dma_start3A_61 : memref<1x64xi32, #tpu.memory_space<vmem>> -> memref<64xi32, #tpu.memory_space<vmem>>
        %dma_start3A_63 = arith.constant 0 : i32
        %dma_start3A_64 = arith.constant 0 : i32
        %dma_start3A_65 = tpu.memref_slice %arg7[%dma_start3A_63, %dma_start3A_64] : memref<10240x8xf32, #tpu.memory_space<vmem_shared>> -> memref<10240x8xf32, #tpu.memory_space<vmem_shared>>
        tpu.enqueue_indirect_dma source(%arg5 : memref<64x8xf32, #tpu.memory_space<vmem>>) target(%dma_start3A_65 : memref<10240x8xf32, #tpu.memory_space<vmem_shared>>) offsets(%dma_start3A_62 : memref<64xi32, #tpu.memory_space<vmem>>) semaphore(%arg8 : memref<!tpu.dma_semaphore, #tpu.memory_space<semaphore_mem>>) {add = true}
      }
      %scan3A_53 = arith.constant 32 : i32
      %scan3A_54 = arith.constant 0 : i32
      %scan3A_55 = arith.constant 0 : i32
      %scan3A_56 = arith.constant 32 : i32
      %scan3A_57 = arith.addi %scan3A_55, %scan3A_56 : i32
      %scan3A_58 = arith.constant 1 : i32
      scf.for %scan3A_60 = %scan3A_55 to %scan3A_57 step %scan3A_58  : i32 {
        %dma_wait3A = arith.constant 0 : i32
        %dma_wait3A_61 = tpu.memref_slice %arg4[%scan3A_60, %dma_wait3A] : memref<32x64xi32, #tpu.memory_space<vmem>> -> memref<1x64xi32, #tpu.memory_space<vmem>>
        %dma_wait3A_62 = tpu.memref_squeeze %dma_wait3A_61 : memref<1x64xi32, #tpu.memory_space<vmem>> -> memref<64xi32, #tpu.memory_space<vmem>>
        %dma_wait3A_63 = arith.constant 0 : i32
        %dma_wait3A_64 = arith.constant 0 : i32
        %dma_wait3A_65 = tpu.memref_slice %arg7[%dma_wait3A_63, %dma_wait3A_64] : memref<10240x8xf32, #tpu.memory_space<vmem_shared>> -> memref<10240x8xf32, #tpu.memory_space<vmem_shared>>
        tpu.wait_indirect_dma semaphore(%arg8 : memref<!tpu.dma_semaphore, #tpu.memory_space<semaphore_mem>>) src(%arg5 : memref<64x8xf32, #tpu.memory_space<vmem>>) dst(%dma_wait3A_65 : memref<10240x8xf32, #tpu.memory_space<vmem_shared>>)
      }
      %scan3A_59 = arith.constant 32 : i32
    }
    %barrier3A_45 = arith.constant 0 : index
    tpu.barrier barrier_id(%barrier3A_45)
    "tpu.region"() ({
      %run_scoped3A = tpu.sem_alloc : memref<!tpu.dma_semaphore, #tpu.memory_space<semaphore_mem>>
      %dma_start3A = arith.constant 0 : i32
      %dma_start3A_46 = tpu.memref_slice %arg3[%arg0, %mul3A_5, %dma_start3A] : memref<2x10240x8xf32, #tpu.memory_space<hbm>> -> memref<1x640x8xf32, #tpu.memory_space<hbm>>
      %dma_start3A_47 = tpu.memref_squeeze %dma_start3A_46 : memref<1x640x8xf32, #tpu.memory_space<hbm>> -> memref<640x8xf32, #tpu.memory_space<hbm>>
      %dma_start3A_48 = arith.constant 0 : i32
      %dma_start3A_49 = tpu.memref_slice %arg7[%mul3A_5, %dma_start3A_48] : memref<10240x8xf32, #tpu.memory_space<vmem_shared>> -> memref<640x8xf32, #tpu.memory_space<vmem_shared>>
      tpu.enqueue_dma source(%dma_start3A_49 : memref<640x8xf32, #tpu.memory_space<vmem_shared>>) target(%dma_start3A_47 : memref<640x8xf32, #tpu.memory_space<hbm>>) target_semaphore(%run_scoped3A : memref<!tpu.dma_semaphore, #tpu.memory_space<semaphore_mem>>)
      %dma_wait3A = arith.constant 0 : i32
      %dma_wait3A_50 = tpu.memref_slice %arg3[%arg0, %mul3A_5, %dma_wait3A] : memref<2x10240x8xf32, #tpu.memory_space<hbm>> -> memref<1x640x8xf32, #tpu.memory_space<hbm>>
      %dma_wait3A_51 = tpu.memref_squeeze %dma_wait3A_50 : memref<1x640x8xf32, #tpu.memory_space<hbm>> -> memref<640x8xf32, #tpu.memory_space<hbm>>
      %dma_wait3A_52 = arith.constant 0 : i32
      %dma_wait3A_53 = tpu.memref_slice %arg7[%mul3A_5, %dma_wait3A_52] : memref<10240x8xf32, #tpu.memory_space<vmem_shared>> -> memref<640x8xf32, #tpu.memory_space<vmem_shared>>
      tpu.wait_dma2 semaphore(%run_scoped3A : memref<!tpu.dma_semaphore, #tpu.memory_space<semaphore_mem>>) src(%dma_wait3A_53 : memref<640x8xf32, #tpu.memory_space<vmem_shared>>) dst(%dma_wait3A_51 : memref<640x8xf32, #tpu.memory_space<hbm>>)
      tpu.yield
    }) : () -> ()
    return
  }
}

module attributes {stable_mosaic.version = 14 : i64} {
  func.func @_mm_body(%arg0: memref<10000x128xf32, #tpu.memory_space<vmem>>, %arg1: memref<128x128xf32, #tpu.memory_space<vmem>>, %arg2: memref<10000x128xf32, #tpu.memory_space<vmem>>) attributes {dimension_semantics = [], scalar_prefetch = 0 : i64, scratch_operands = 0 : i64, tpu.core_type = #tpu.core_type<tc>} {
    %get3A = arith.constant 0 : index
    %get3A_0 = arith.constant 0 : index
    %get3A_1 = vector.load %arg0[%get3A, %get3A_0] : memref<10000x128xf32, #tpu.memory_space<vmem>>, vector<10000x128xf32>
    %get3A_2 = arith.constant 0 : index
    %get3A_3 = arith.constant 0 : index
    %get3A_4 = vector.load %arg1[%get3A_2, %get3A_3] : memref<128x128xf32, #tpu.memory_space<vmem>>, vector<128x128xf32>
    %dot_general3A = arith.constant dense<0.000000e+00> : vector<10000x128xf32>
    %dot_general3A_5 = tpu.matmul %get3A_1, %get3A_4, %dot_general3A {dimension_numbers = #tpu.dot_dimension_numbers<[1], [0], [0], [1], [0, 0, 1, 1], [], []>, transpose_lhs_hint = false} : vector<10000x128xf32>, vector<128x128xf32>, vector<10000x128xf32> -> vector<10000x128xf32>
    %swap3A = arith.constant 0 : index
    %swap3A_6 = arith.constant 0 : index
    %swap3A_7 = vector.load %arg2[%swap3A, %swap3A_6] : memref<10000x128xf32, #tpu.memory_space<vmem>>, vector<10000x128xf32>
    tpu.vector_store %arg2[%swap3A, %swap3A_6], %dot_general3A_5 {strides = array<i32>} : memref<10000x128xf32, #tpu.memory_space<vmem>>, vector<10000x128xf32>,
    return
  }
}

module attributes {stable_mosaic.version = 14 : i64} {
  func.func @_scale_body(%arg0: memref<10000x128xf32, #tpu.memory_space<vmem>>, %arg1: memref<2x10240x8xf32, #tpu.memory_space<vmem>>, %arg2: memref<10240x128xf32, #tpu.memory_space<vmem>>) attributes {dimension_semantics = [], scalar_prefetch = 0 : i64, scratch_operands = 0 : i64, tpu.core_type = #tpu.core_type<tc>} {
    %get3A = arith.constant 0 : index
    %get3A_0 = arith.constant 0 : index
    %get3A_1 = arith.constant 0 : index
    %get3A_2 = vector.load %arg1[%get3A, %get3A_0, %get3A_1] : memref<2x10240x8xf32, #tpu.memory_space<vmem>>, vector<1x10240x1xf32>
    %get3A_3 = vector.shape_cast %get3A_2 : vector<1x10240x1xf32> to vector<10240x1xf32>
    %get3A_4 = arith.constant 1 : index
    %get3A_5 = arith.constant 0 : index
    %get3A_6 = arith.constant 0 : index
    %get3A_7 = vector.load %arg1[%get3A_4, %get3A_5, %get3A_6] : memref<2x10240x8xf32, #tpu.memory_space<vmem>>, vector<1x10240x1xf32>
    %get3A_8 = vector.shape_cast %get3A_7 : vector<1x10240x1xf32> to vector<10240x1xf32>
    %add3A = arith.addf %get3A_3, %get3A_8 : vector<10240x1xf32>
    %add3A_9 = arith.constant 1.000000e+00 : f32
    %add3A_10 = vector.broadcast %add3A_9 : f32 to vector<10240x1xf32>
    %add3A_11 = arith.addf %add3A, %add3A_10 : vector<10240x1xf32>
    %rsqrt3A = math.rsqrt %add3A_11 : vector<10240x1xf32>
    %get3A_12 = arith.constant 0 : index
    %get3A_13 = arith.constant 0 : index
    %get3A_14 = vector.load %arg0[%get3A_12, %get3A_13] : memref<10000x128xf32, #tpu.memory_space<vmem>>, vector<10000x128xf32>
    %slice3A = vector.extract_strided_slice %rsqrt3A {offsets = [0, 0], sizes = [10000, 1], strides = [1, 1]} : vector<10240x1xf32> to vector<10000x1xf32>
    %mul3A = vector.broadcast %slice3A : vector<10000x1xf32> to vector<10000x128xf32>
    %mul3A_15 = arith.mulf %get3A_14, %mul3A : vector<10000x128xf32>
    %swap3A = arith.constant 0 : index
    %swap3A_16 = arith.constant 0 : index
    %swap3A_17 = vector.load %arg2[%swap3A, %swap3A_16] : memref<10240x128xf32, #tpu.memory_space<vmem>>, vector<10000x128xf32>
    tpu.vector_store %arg2[%swap3A, %swap3A_16], %mul3A_15 {strides = array<i32>} : memref<10240x128xf32, #tpu.memory_space<vmem>>, vector<10000x128xf32>,
    %broadcast_in_dim3A = arith.constant 0.000000e+00 : f32
    %broadcast_in_dim3A_18 = vector.broadcast %broadcast_in_dim3A : f32 to vector<240x128xf32>
    %swap3A_19 = arith.constant 10000 : index
    %swap3A_20 = arith.constant 0 : index
    %swap3A_21 = vector.load %arg2[%swap3A_19, %swap3A_20] : memref<10240x128xf32, #tpu.memory_space<vmem>>, vector<240x128xf32>
    tpu.vector_store %arg2[%swap3A_19, %swap3A_20], %broadcast_in_dim3A_18 {strides = array<i32>} : memref<10240x128xf32, #tpu.memory_space<vmem>>, vector<240x128xf32>,
    return
  }
}

module attributes {stable_mosaic.version = 14 : i64} {
  func.func @_final_body(%arg0: memref<2x10240x128xf32, #tpu.memory_space<vmem>>, %arg1: memref<10240x128xf32, #tpu.memory_space<vmem>>, %arg2: memref<2x10240x8xf32, #tpu.memory_space<vmem>>, %arg3: memref<1x128xf32, #tpu.memory_space<vmem>>, %arg4: memref<1x128xf32, #tpu.memory_space<vmem>>, %arg5: memref<1x128xf32, #tpu.memory_space<vmem>>, %arg6: memref<64x2xf32, #tpu.memory_space<vmem>>, %arg7: memref<1x2xf32, #tpu.memory_space<vmem>>, %arg8: memref<10000x2xf32, #tpu.memory_space<vmem>>, %arg9: memref<10000x128xf32, #tpu.memory_space<vmem>>) attributes {dimension_semantics = [], scalar_prefetch = 0 : i64, scratch_operands = 0 : i64, tpu.core_type = #tpu.core_type<tc>} {
    %get3A = arith.constant 0 : index
    %get3A_0 = arith.constant 0 : index
    %get3A_1 = arith.constant 0 : index
    %get3A_2 = vector.load %arg2[%get3A, %get3A_0, %get3A_1] : memref<2x10240x8xf32, #tpu.memory_space<vmem>>, vector<1x10240x1xf32>
    %get3A_3 = vector.shape_cast %get3A_2 : vector<1x10240x1xf32> to vector<10240x1xf32>
    %get3A_4 = arith.constant 1 : index
    %get3A_5 = arith.constant 0 : index
    %get3A_6 = arith.constant 0 : index
    %get3A_7 = vector.load %arg2[%get3A_4, %get3A_5, %get3A_6] : memref<2x10240x8xf32, #tpu.memory_space<vmem>>, vector<1x10240x1xf32>
    %get3A_8 = vector.shape_cast %get3A_7 : vector<1x10240x1xf32> to vector<10240x1xf32>
    %add3A = arith.addf %get3A_3, %get3A_8 : vector<10240x1xf32>
    %add3A_9 = arith.constant 1.000000e+00 : f32
    %add3A_10 = vector.broadcast %add3A_9 : f32 to vector<10240x1xf32>
    %add3A_11 = arith.addf %add3A, %add3A_10 : vector<10240x1xf32>
    %slice3A = vector.extract_strided_slice %add3A_11 {offsets = [0, 0], sizes = [10000, 1], strides = [1, 1]} : vector<10240x1xf32> to vector<10000x1xf32>
    %rsqrt3A = math.rsqrt %slice3A : vector<10000x1xf32>
    %get3A_12 = arith.constant 0 : index
    %get3A_13 = arith.constant 0 : index
    %get3A_14 = arith.constant 0 : index
    %get3A_15 = vector.load %arg0[%get3A_12, %get3A_13, %get3A_14] : memref<2x10240x128xf32, #tpu.memory_space<vmem>>, vector<1x10000x128xf32>
    %get3A_16 = vector.shape_cast %get3A_15 : vector<1x10000x128xf32> to vector<10000x128xf32>
    %get3A_17 = arith.constant 1 : index
    %get3A_18 = arith.constant 0 : index
    %get3A_19 = arith.constant 0 : index
    %get3A_20 = vector.load %arg0[%get3A_17, %get3A_18, %get3A_19] : memref<2x10240x128xf32, #tpu.memory_space<vmem>>, vector<1x10000x128xf32>
    %get3A_21 = vector.shape_cast %get3A_20 : vector<1x10000x128xf32> to vector<10000x128xf32>
    %add3A_22 = arith.addf %get3A_16, %get3A_21 : vector<10000x128xf32>
    %get3A_23 = arith.constant 0 : index
    %get3A_24 = arith.constant 0 : index
    %get3A_25 = vector.load %arg1[%get3A_23, %get3A_24] : memref<10240x128xf32, #tpu.memory_space<vmem>>, vector<10000x128xf32>
    %add3A_26 = arith.addf %add3A_22, %get3A_25 : vector<10000x128xf32>
    %mul3A = vector.broadcast %rsqrt3A : vector<10000x1xf32> to vector<10000x128xf32>
    %mul3A_27 = arith.mulf %add3A_26, %mul3A : vector<10000x128xf32>
    %get3A_28 = arith.constant 0 : index
    %get3A_29 = arith.constant 0 : index
    %get3A_30 = vector.load %arg3[%get3A_28, %get3A_29] : memref<1x128xf32, #tpu.memory_space<vmem>>, vector<1x128xf32>
    %add3A_31 = vector.broadcast %get3A_30 : vector<1x128xf32> to vector<10000x128xf32>
    %add3A_32 = arith.addf %mul3A_27, %add3A_31 : vector<10000x128xf32>
    %reduce_sum3A = arith.constant dense<0.000000e+00> : vector<128xf32>
    %reduce_sum3A_33 = vector.multi_reduction <add>, %add3A_32, %reduce_sum3A [0] : vector<10000x128xf32> to vector<128xf32>
    %broadcast_in_dim3A = vector.shape_cast %reduce_sum3A_33 : vector<128xf32> to vector<1x128xf32>
    %div3A = arith.constant 1.000000e+04 : f32
    %div3A_34 = vector.broadcast %div3A : f32 to vector<1x128xf32>
    %div3A_35 = arith.divf %broadcast_in_dim3A, %div3A_34 : vector<1x128xf32>
    %sub3A = vector.broadcast %div3A_35 : vector<1x128xf32> to vector<10000x128xf32>
    %sub3A_36 = arith.subf %add3A_32, %sub3A : vector<10000x128xf32>
    %mul3A_37 = arith.mulf %sub3A_36, %sub3A_36 : vector<10000x128xf32>
    %reduce_sum3A_38 = arith.constant dense<0.000000e+00> : vector<128xf32>
    %reduce_sum3A_39 = vector.multi_reduction <add>, %mul3A_37, %reduce_sum3A_38 [0] : vector<10000x128xf32> to vector<128xf32>
    %broadcast_in_dim3A_40 = vector.shape_cast %reduce_sum3A_39 : vector<128xf32> to vector<1x128xf32>
    %div3A_41 = arith.constant 1.000000e+04 : f32
    %div3A_42 = vector.broadcast %div3A_41 : f32 to vector<1x128xf32>
    %div3A_43 = arith.divf %broadcast_in_dim3A_40, %div3A_42 : vector<1x128xf32>
    %add3A_44 = arith.constant 9.99999974E-6 : f32
    %add3A_45 = vector.broadcast %add3A_44 : f32 to vector<1x128xf32>
    %add3A_46 = arith.addf %div3A_43, %add3A_45 : vector<1x128xf32>
    %rsqrt3A_47 = math.rsqrt %add3A_46 : vector<1x128xf32>
    %mul3A_48 = vector.broadcast %rsqrt3A_47 : vector<1x128xf32> to vector<10000x128xf32>
    %mul3A_49 = arith.mulf %sub3A_36, %mul3A_48 : vector<10000x128xf32>
    %get3A_50 = arith.constant 0 : index
    %get3A_51 = arith.constant 0 : index
    %get3A_52 = vector.load %arg4[%get3A_50, %get3A_51] : memref<1x128xf32, #tpu.memory_space<vmem>>, vector<1x128xf32>
    %mul3A_53 = vector.broadcast %get3A_52 : vector<1x128xf32> to vector<10000x128xf32>
    %mul3A_54 = arith.mulf %mul3A_49, %mul3A_53 : vector<10000x128xf32>
    %get3A_55 = arith.constant 0 : index
    %get3A_56 = arith.constant 0 : index
    %get3A_57 = vector.load %arg5[%get3A_55, %get3A_56] : memref<1x128xf32, #tpu.memory_space<vmem>>, vector<1x128xf32>
    %add3A_58 = vector.broadcast %get3A_57 : vector<1x128xf32> to vector<10000x128xf32>
    %add3A_59 = arith.addf %mul3A_54, %add3A_58 : vector<10000x128xf32>
    %swap3A = arith.constant 0 : index
    %swap3A_60 = arith.constant 0 : index
    %swap3A_61 = vector.load %arg9[%swap3A, %swap3A_60] : memref<10000x128xf32, #tpu.memory_space<vmem>>, vector<10000x128xf32>
    tpu.vector_store %arg9[%swap3A, %swap3A_60], %add3A_59 {strides = array<i32>} : memref<10000x128xf32, #tpu.memory_space<vmem>>, vector<10000x128xf32>,
    %slice3A_62 = vector.extract_strided_slice %add3A_59 {offsets = [0, 0], sizes = [10000, 64], strides = [1, 1]} : vector<10000x128xf32> to vector<10000x64xf32>
    %get3A_63 = arith.constant 0 : index
    %get3A_64 = arith.constant 0 : index
    %get3A_65 = vector.load %arg6[%get3A_63, %get3A_64] : memref<64x2xf32, #tpu.memory_space<vmem>>, vector<64x2xf32>
    %dot_general3A = arith.constant dense<0.000000e+00> : vector<10000x2xf32>
    %dot_general3A_66 = tpu.matmul %slice3A_62, %get3A_65, %dot_general3A {dimension_numbers = #tpu.dot_dimension_numbers<[1], [0], [0], [1], [0, 0, 1, 1], [], []>, transpose_lhs_hint = false} : vector<10000x64xf32>, vector<64x2xf32>, vector<10000x2xf32> -> vector<10000x2xf32>
    %get3A_67 = arith.constant 0 : index
    %get3A_68 = arith.constant 0 : index
    %get3A_69 = vector.load %arg7[%get3A_67, %get3A_68] : memref<1x2xf32, #tpu.memory_space<vmem>>, vector<1x2xf32>
    %add3A_70 = vector.broadcast %get3A_69 : vector<1x2xf32> to vector<10000x2xf32>
    %add3A_71 = arith.addf %dot_general3A_66, %add3A_70 : vector<10000x2xf32>
    %swap3A_72 = arith.constant 0 : index
    %swap3A_73 = arith.constant 0 : index
    %swap3A_74 = vector.load %arg8[%swap3A_72, %swap3A_73] : memref<10000x2xf32, #tpu.memory_space<vmem>>, vector<10000x2xf32>
    tpu.vector_store %arg8[%swap3A_72, %swap3A_73], %add3A_71 {strides = array<i32>} : memref<10000x2xf32, #tpu.memory_space<vmem>>, vector<10000x2xf32>,
    return
  }
}

</mosaic_0001>

<sc_bundles>
// kernel: kernel.10.cloned.1.call-start
scs
__scs_entry_jumppad:
0x0: {  	(pc) =	sbr.rel $0x88, $3  }
0x1: {  	(tag) =	ssettag $0x0;
	lr =	simm.s32 $0x1  }
0x2: {  	[smem:$0x3F99] =	sst lr;
	_ =	strace $0xD0000000  }
0x3: {  	_ = 	snop  }
0x4: {  	_ = 	snop  }
0x5: {  	_ = 	snop  }
0x6: {  	_ = 	snop  }
0x7: {  	_ = 	snop  }
__scs_overlays_trampoline_lowered:
0x8: {  	[smem:$0x3FA8] =	sst s0  }
0x9: {  	[smem:$0x3FA9] =	sst s1  }
0xa: {  	[smem:$0x3FAA] =	sst s2  }
0xb: {  	[smem:$0x3FAB] =	sst s3  }
0xc: {  	[smem:$0x3FAC] =	sst s4  }
0xd: {  	[smem:$0x3FAD] =	sst s5  }
0xe: {  	[smem:$0x3FAE] =	sst s6  }
0xf: {  	[smem:$0x3FAF] =	sst s7  }
0x10: {  	[smem:$0x3FB0] =	sst s8  }
0x11: {  	[smem:$0x3FB1] =	sst s9;
	s0 =	simm.s32 @!p0 $0x0  }
0x12: {  	s1 =	sld [smem:$0x3F97];
	s0 =	simm.s32 @p0 $0x1  }
0x13: {  	[smem:$0x3FB2] =	sst s0;
	s0 =	simm.s32 @!p1 $0x0  }
0x14: {  	s2 =	sld [smem:$0x3F96];
	s0 =	simm.s32 @p1 $0x1  }
0x15: {  	[smem:$0x3FB3] =	sst s0;
	s0 =	simm.s32 @!p2 $0x0  }
0x16: {  	s3 =	sld [smem:$0x3FDB];
	s0 =	simm.s32 @p2 $0x1  }
0x17: {  	s4 =	simm.s32 $0x1BF5;
	[smem:$0x3FB5] =	sst s0  }
0x18: {  	s0 =	sld [smem:$0x3F98];
	_ =	swait.ge [sflag:s4], $0x0  }
0x19: {  	s7 =	sld [smem:$0x3F99]  }
0x1a: {  	s8 =	sadd.s32 $0xFFFFE003, lr  }
0x1b: {  	s9 =	sadd.s32 $0xFFFFFEF7, lr;
	s5 =	simm.s32 $0xFFFFFFFF;
	p2 =	slt.u32 s8, $0xFFFFF086  }
0x1c: {  	p1 =	slt.u32 s9, $0xF7A;
	s5 =	simm.s32 @!p2 $0x0  }
0x1d: {  	s5 =	simm.s32 @p1 $0x1;
	p0 =	seq.s32 s7, s2  }
0x1e: {  	s7 =	smul.u32 @!p0 $0xF7A, s2;
	p2 =	seq.s32 @!p0 s5, $0x0  }
0x1f: {  	s9 =	smul.u32 $0xF7A, s1;
	s8 =	simm.s32 @!p0 $0x1BF5;
	p2 =	por !p2, p0  }
0x20: {  	[sflag:s8] =	ssyncset.s32 @!p0 $0xFFFFF086;
	s6 =	sadd.s32 @!p0 s3, s7;
	s7 =	simm.s32 @!p0 $0x108  }
0x21: {  	s3 =	sadd.s32 s3, s9;
	s6 =	sadd.s32 @!p0 $0x88, s6;
	s7 =	simm.s32 @p2 $0x1082  }
0x22: {  	[simem:s7], [sflag:s8] =	dma.local @!p0 [hbm:s6], $0xF7A  }
0x23: {  	s9 =	sor.u32 $0xD0000000, s2;
	s6 =	simm.s32 $0x108;
	_ =	swait.ge @!p0 [sflag:s8], $0x0  }
0x24: {  	s3 =	sadd.s32 $0x88, s3;
	s6 =	simm.s32 @!p1 $0x1082;
	[sflag:s4] =	ssyncset.s32 $0xFFFFF086  }
0x25: {  	[simem:s6], [sflag:s4] =	dma.local [hbm:s3], $0xF7A  }
0x26: {  	[smem:$0x3F99] =	sst s1;
	(tag) =	ssettag s2;
	_ =	strace s9  }
0x27: {  	s1 =	sld [smem:$0x3FA9]  }
0x28: {  	s2 =	sld [smem:$0x3FAA]  }
0x29: {  	s4 =	sld [smem:$0x3FAC]  }
0x2a: {  	p0 =	seq.s32 s5, $0x0;
	s5 =	sld [smem:$0x3FAD]  }
0x2b: {  	s6 =	sld [smem:$0x3FAE]  }
0x2c: {  	s7 =	sld [smem:$0x3FAF]  }
0x2d: {  	s3 =	simm.s32 $0x108;
	s8 =	sld [smem:$0x3FB0]  }
0x2e: {  	s3 =	simm.s32 @!p0 $0x1082;
	s9 =	sld [smem:$0x3FB1]  }
0x2f: {  	lr =	sadd.s32 s0, s3;
	s0 =	sld [smem:$0x3FA8]  }
0x30: {  	s3 =	sld [smem:$0x3FAB]  }
0x31: {  	[smem:$0x3FB4] =	sst s10  }
0x32: {  	s10 =	sld [smem:$0x3FB2];
	_ =	sdelay $0x3  }
0x33: {  	p0 =	seq.s32 s10, $0x1;
	s10 =	sld [smem:$0x3FB4];
	_ =	sdelay $0x3  }
0x34: {  	[smem:$0x3FB4] =	sst s10  }
0x35: {  	s10 =	sld [smem:$0x3FB3];
	_ =	sdelay $0x3  }
0x36: {  	p1 =	seq.s32 s10, $0x1;
	s10 =	sld [smem:$0x3FB4];
	_ =	sdelay $0x3  }
0x37: {  	[smem:$0x3FB4] =	sst s10  }
0x38: {  	s10 =	sld [smem:$0x3FB5]  }
0x39: {  	_ = 	snop;
	(pc) =	sbr.ind lr, $3  }
0x3a: {  	_ = 	snop  }
0x3b: {  	_ = 	snop  }
0x3c: {  	p2 =	seq.s32 s10, $0x1;
	s10 =	sld [smem:$0x3FB4]  }
0x3d: {  	_ =	shalt  }
0x3e: {  	_ =	shalt  }
0x3f: {  	_ =	shalt  }
0x40: {  	_ =	shalt  }
0x41: {  	_ =	shalt  }
0x42: {  	_ =	shalt  }
0x43: {  	_ =	shalt  }
0x44: {  	_ =	shalt  }
0x45: {  	_ =	shalt  }
0x46: {  	_ =	shalt  }
0x47: {  	_ =	shalt  }
0x48: {  	_ =	shalt  }
0x49: {  	_ =	shalt  }
0x4a: {  	_ =	shalt  }
0x4b: {  	_ =	shalt  }
0x4c: {  	_ =	shalt  }
0x4d: {  	_ =	shalt  }
0x4e: {  	_ =	shalt  }
0x4f: {  	_ =	shalt  }
0x50: {  	_ =	shalt  }
0x51: {  	_ =	shalt  }
0x52: {  	_ =	shalt  }
0x53: {  	_ =	shalt  }
0x54: {  	_ =	shalt  }
0x55: {  	_ =	shalt  }
0x56: {  	_ =	shalt  }
0x57: {  	_ =	shalt  }
0x58: {  	_ =	shalt  }
0x59: {  	_ =	shalt  }
0x5a: {  	_ =	shalt  }
0x5b: {  	_ =	shalt  }
0x5c: {  	_ =	shalt  }
0x5d: {  	_ =	shalt  }
0x5e: {  	_ =	shalt  }
0x5f: {  	_ =	shalt  }
0x60: {  	_ =	shalt  }
0x61: {  	_ =	shalt  }
0x62: {  	_ =	shalt  }
0x63: {  	_ =	shalt  }
0x64: {  	_ =	shalt  }
0x65: {  	_ =	shalt  }
0x66: {  	_ =	shalt  }
0x67: {  	_ =	shalt  }
0x68: {  	_ =	shalt  }
0x69: {  	_ =	shalt  }
0x6a: {  	_ =	shalt  }
0x6b: {  	_ =	shalt  }
0x6c: {  	_ =	shalt  }
0x6d: {  	_ =	shalt  }
0x6e: {  	_ =	shalt  }
0x6f: {  	_ =	shalt  }
0x70: {  	_ =	shalt  }
0x71: {  	_ =	shalt  }
0x72: {  	_ =	shalt  }
0x73: {  	_ =	shalt  }
0x74: {  	_ =	shalt  }
0x75: {  	_ =	shalt  }
0x76: {  	_ =	shalt  }
0x77: {  	_ =	shalt  }
0x78: {  	_ =	shalt  }
0x79: {  	_ =	shalt  }
0x7a: {  	_ =	shalt  }
0x7b: {  	_ =	shalt  }
0x7c: {  	_ =	shalt  }
0x7d: {  	_ =	shalt  }
0x7e: {  	_ =	shalt  }
0x7f: {  	_ =	shalt  }
0x80: {  	_ =	shalt  }
0x81: {  	_ =	shalt  }
0x82: {  	_ =	shalt  }
0x83: {  	_ =	shalt  }
0x84: {  	_ =	shalt  }
0x85: {  	_ =	shalt  }
0x86: {  	_ =	shalt  }
0x87: {  	_ =	shalt  }
.Lfunc_end0:
.L_simem_size_0:
called_computation.1_lowered:
.L_overlay_start_0:
0x88: {  	s2 =	sld [smem:$0x3FD9]  }
0x89: {  	s3 =	sld [smem:$0x3FFE];
	_ =	sdelay $0x1  }
0x8a: {  	s1 =	srdreg.scid  }
0x8b: {  	s0 =	sand.u32 $0x1, s1  }
0x8c: {  	s14 =	sshll.u32 s0, $0xA;
	s2 =	sadd.s32 s3, s2  }
0x8d: {  	s2 =	sadd.s32 s2, s14  }
0x8e: {  	[smem:$0x3FC0] =	sst s2  }
0x8f: {  	_ = 	snop  }
0x90: {  	s2 =	sld [smem:$0x3FD0];
	_ =	sdelay $0x2  }
0x91: {  	s15 =	simm.s32 $0xA;
	s4 =	simm.s32 $0x10  }
0x92: {  	[smem:s4], [sflag:s15] =	dma.local [hbm:s2], $0x1  }
0x93: {  	_ =	swait.eq [sflag:s15], $0x1  }
0x94: {  	[sflag:s15] =	ssyncset.done $0x0  }
0x95: {  	[sflag:s15] =	ssyncadd.s32 $0xFFFFFFFF  }
0x96: {  	s16 =	sld [smem:$0x11];
	(tm) =	ssettm $0x1  }
0x97: {  	s17 =	sld [smem:$0x3FFB];
	_ =	sdelay $0x3  }
0x98: {  	_ =	strace s17  }
0x99: {  	s3 =	sld [smem:$0x3FFC];
	_ =	sdelay $0x3  }
0x9a: {  	_ =	strace s3  }
0x9b: {  	s3 =	sld [smem:$0x3FFD];
	_ =	sdelay $0x3  }
0x9c: {  	_ =	strace s3  }
0x9d: {  	_ =	strace $0x8FFFFFFF  }
0x9e: {  	s18 =	sld [smem:$0x3FDB];
	_ =	sdelay $0x1  }
0x9f: {  	s19 =	simm.s32 $_scs_section_size  }
0xa0: {  	s5 =	simm.s32 $_size__tile_overlayer_lowered;
	s6 =	simm.s32 $_tile_overlayer_lowered  }
0xa1: {  	s22 =	simm.s32 $0x1BFF;
	s21 =	sshll.u32 s6, $0x1;
	s3 =	sadd.s32 s19, s18  }
0xa2: {  	s7 =	simm.s32 $0x0;
	s20 =	sshll.u32 s5, $0x1;
	s5 =	sadd.s32 s21, s3  }
0xa3: {  	[timem:s7], [sflag:s22] =	dma.local [hbm:s5], s20  }
0xa4: {  	_ =	swait.ge [sflag:s22], s20  }
0xa5: {  	s4 =	ssub.s32 $0x0, s20;
	[sflag:s22] =	ssyncset.done $0x0  }
0xa6: {  	[sflag:s22] =	ssyncadd.s32 s4;
	_ =	sdelay $0x1  }
0xa7: {  	s23 =	simm.s32 $0x1B8B  }
0xa8: {  	_ =	swait.ge [sflag:s23], $0x1  }
0xa9: {  	[sflag:s23] =	ssyncset.done $0x0  }
0xaa: {  	s25 =	simm.s32 $0x1B8E;
	s24 =	sld [smem:$0x3FFE];
	[sflag:s23] =	ssyncadd.s32 $0xFFFFFFFF  }
0xab: {  	s26 =	simm.s32 $execute0_lowered;
	[smem:$0x3FD2] =	sst s25  }
0xac: {  	s5 =	sshll.u32 s26, $0x1;
	_ =	strace $0x80000049;
	[dreg:$0x1] =	wrdreg $0xFFFFFFFF  }
0xad: {  	s28 =	simm.s32 $_size_execute0_lowered;
	s3 =	sadd.s32 s3, s5;
	[dreg:$0x0] =	wrdreg $0x0  }
0xae: {  	s5 =	sshll.u32 s28, $0x1;
	[dreg:$0x2] =	wrdreg s3  }
0xaf: {  	[dreg:$0x3] =	wrdreg s5  }
0xb0: {  	[dreg:$0x4] =	wrdreg $0xC0  }
0xb1: {  	_ =	task [dreg:s7], $0x5FFFF  }
0xb2: {  	[dreg:$0x1] =	wrdreg $0xFFFFFFFF  }
0xb3: {  	[dreg:$0x0] =	wrdreg $0x60  }
0xb4: {  	[dreg:$0x2] =	wrdreg s16  }
0xb5: {  	[dreg:$0x3] =	wrdreg s24  }
0xb6: {  	[dreg:$0x4] =	wrdreg $0xA0000  }
0xb7: {  	[dreg:$0x5] =	wrdreg $0x9  }
0xb8: {  	_ =	task.clear_ibuf [dreg:s7], $0x6FFFF;
	_ =	strace $0x90000049  }
0xb9: {  	s29 =	simm.s32 $0x9;
	_ =	strace $0x8000004B  }
0xba: {  	_ =	swait.ge [sflag:s29], $0x1  }
0xbb: {  	[sflag:s29] =	ssyncadd.s32 $0xFFFFFFFF  }
0xbc: {  	_ =	strace $0x9000004B  }
0xbd: {  	_ =	sfence  }
0xbe: {  	s30 =	sld [smem:$0x0];
	_ =	sdelay $0x2  }
0xbf: {  	s31 =	sshll.u32 s1, $0xD;
	s1 =	sshrl.u32 s1, $0x2  }
0xc0: {  	s3 =	sand.u32 $0x4000, s31;
	s1 =	sadd.s32 s1, s30  }
0xc1: {  	s0 =	sor.u32 s3, s0;
	s1 =	sshll.u32 s1, $0x11  }
0xc2: {  	s0 =	sor.u32 s1, s0  }
0xc3: {  	s0 =	sadd.s32 $0x8F2B, s0  }
0xc4: {  	[sflag:s0] =	ssyncadd.remote.s32 $0x1  }
0xc5: {  	_ =	sfence.sel $0xFFFF  }
0xc6: {  	[dreg:$0x0] =	wrdreg $0xFFFFFFFF;
	(pc) =	sbr.abs _section_cstart, $3  }
0xc7: {  	[dreg:$0x1] =	wrdreg $0xFFFFFFFF  }
0xc8: {  	_ =	task.clear_ibuf [dreg:s7], $0x2FFFF;
	_ =	strace $0x9FFFFFFF  }
0xc9: {  	(tm) =	ssettm $0x7FFFFFFF  }
tec
execute0_lowered:
.L_overlay_start_1:
0x0: {  	(tag) =	ssettag $0x1  }
0x1: {  	s0 =	rddreg [dreg:$0x0]  }
0x2: {  	s26 =	stileid.u32;
	s4 =	rddreg [dreg:$0x1]  }
0x3: {  	s1 =	srdreg.scid;
	s2 =	rddreg [dreg:$0x2]  }
0x4: {  	s3 =	simm.s32 $0x0;
	s16 =	simm.s32 $0x1000;
	s18 =	simm.s32 $0x80  }
0x5: {  	s20 =	simm.s32 $0x100;
	s22 =	simm.s32 $0x180;
	s24 =	simm.s32 $0x200  }
0x6: {  	s28 =	simm.s32 $0x900;
	s29 =	simm.s32 $0x980;
	[smem:$0x7FF] =	sst s3  }
0x7: {  	s5 =	smul.u32 $0x1400, s26;
	_ =	strace $0x8000004A;
	[dreg:$0x6] =	wrdreg s16  }
0x8: {  	s30 =	simm.s32 $0xA00;
	s7 =	smul.u32 $0x14000, s26;
	[dreg:$0x7] =	wrdreg s18  }
0x9: {  	s1 =	sand.u32 $0x1, s1;
	s8 =	smul.u32 $0x50000, s26;
	[dreg:$0x8] =	wrdreg s20  }
0xa: {  	s31 =	simm.s32 $0xA80;
	s6 =	smul.u32 $0x140000, s1;
	[dreg:$0x9] =	wrdreg s22  }
0xb: {  	[dreg:$0xa] =	wrdreg s24;
	s9 =	sadd.s32 s5, s4;
	s0 =	sadd.s32 s5, s0  }
0xc: {  	s8 =	sshrl.u32 s8, $0x2;
	s13 =	sadd.s32 $0x1E00, s9;
	[dreg:$0x5] =	wrdreg s0  }
0xd: {  	s25 =	ssub.s32 $0x2, s1;
	s8 =	sadd.s32 s8, s2;
	[dreg:$0x4] =	wrdreg s13  }
0xe: {  	s6 =	sadd.s32 s7, s6;
	s7 =	simm.s32 $0x380;
	[dreg:$0x17] =	wrdreg s8  }
0xf: {  	p0 =	sne.s32 s1, $0x0;
	s9 =	simm.s32 $0x480;
	[dreg:$0xd] =	wrdreg s7  }
0x10: {  	s16 =	simm.s32 $0x2000;
	s11 =	sadd.s32 $0x4000, s8;
	[dreg:$0xf] =	wrdreg s9  }
0x11: {  	s18 =	simm.s32 $0x40;
	s12 =	sadd.s32 $0x6000, s8;
	[dreg:$0x19] =	wrdreg s11  }
0x12: {  	s20 =	simm.s32 $0x6000;
	s14 =	sadd.s32 $0x8000, s8;
	[dreg:$0x1a] =	wrdreg s12  }
0x13: {  	s22 =	simm.s32 $0x1;
	s15 =	sadd.s32 $0xA000, s8;
	[dreg:$0x1b] =	wrdreg s14  }
0x14: {  	s24 =	simm.s32 $0x3;
	s17 =	sadd.s32 $0xC000, s8;
	[dreg:$0x1c] =	wrdreg s15  }
0x15: {  	s1 =	simm.s32 $0xB00;
	s19 =	sadd.s32 $0xE000, s8;
	[dreg:$0x1d] =	wrdreg s17  }
0x16: {  	s10 =	sshrl.u32 s25, $0x1;
	s21 =	sadd.s32 $0x10000, s8;
	[dreg:$0x1e] =	wrdreg s19  }
0x17: {  	s6 =	sshrl.u32 s6, $0x3;
	s23 =	sadd.s32 $0x12000, s8;
	[dreg:$0x1f] =	wrdreg s21  }
0x18: {  	s13 =	simm.s32 $0x680;
	s4 =	sadd.s32 s6, s4;
	[smem:$0x7FB] =	sst s23  }
0x19: {  	s6 =	ssub.s32 s25, s10;
	s10 =	sadd.s32 $0x2000, s8;
	[dreg:$0x13] =	wrdreg s13  }
0x1a: {  	s0 =	simm.s32 $0xB80;
	s25 =	simm.s32 $0x280;
	[dreg:$0x18] =	wrdreg s10  }
0x1b: {  	s7 =	simm.s32 $0xD00;
	s8 =	simm.s32 $0x400;
	[dreg:$0xb] =	wrdreg s25  }
0x1c: {  	s9 =	simm.s32 $0xE00;
	s11 =	simm.s32 $0x580;
	[dreg:$0xe] =	wrdreg s8  }
0x1d: {  	s17 =	simm.s32 $0x5;
	s12 =	simm.s32 $0x600;
	[dreg:$0x11] =	wrdreg s11  }
0x1e: {  	s19 =	simm.s32 $0x4000;
	s14 =	simm.s32 $0x700;
	[dreg:$0x12] =	wrdreg s12  }
0x1f: {  	s21 =	simm.s32 $0x8000;
	s15 =	simm.s32 $0x780;
	[dreg:$0x14] =	wrdreg s14  }
0x20: {  	s23 =	simm.s32 $0x2;
	s4 =	sadd.s32 $0x8DE00, s4;
	[dreg:$0x15] =	wrdreg s15  }
0x21: {  	s13 =	simm.s32 $0x0;
	s5 =	smax.u32 s6, $0x1;
	[smem:$0x7FC] =	sst s4  }
.Ltmp0:
0x22: {  	s6 =	simm.s32 $0x300;
	[smem:$0x7FD] =	sst s5;
	(pc) =	sbr.rel .LBB2_1-.Ltmp0, $4  }
0x23: {  	s10 =	simm.s32 $0x500;
	s25 =	simm.s32 $0x800;
	[dreg:$0xc] =	wrdreg s6  }
0x24: {  	s8 =	simm.s32 $0xD80;
	s11 =	simm.s32 $0xF00;
	[dreg:$0x10] =	wrdreg s10  }
0x25: {  	s12 =	simm.s32 $0xF80;
	[dreg:$0x16] =	wrdreg s25;
	s25 =	simm.s32 $0x4  }
0x26: {  	v0 =	vimm.f32 $0.0e+00;
	s5 =	simm.s32 $0xC00;
	s6 =	simm.s32 $0xC80;
	s10 =	simm.s32 $0xE80  }
.LBB2_6:
0x27: {  	[sflag:s25] =	ssyncadd.s32 $0xFFFFE000;
	s4 =	sadd.s32 s14, s4  }
0x28: {  	[tilespmem:s3], [sflag:$0x5] =	stream.linear.gather [hbm4b:s4+s3], $0x1000, $0x38;
	[tilespmem:$0x1E000] =	vst v63  }
0x29: {  	_ =	swait.ge [sflag:s17], $0x1000  }
0x2a: {  	s15 =	rddreg [dreg:$0x4];
	[sflag:s17] =	ssyncset.done $0x0  }
0x2b: {  	s13 =	rddreg [dreg:$0x6];
	s4 =	sadd.s32 s14, s15;
	[sflag:s17] =	ssyncadd.s32 $0xFFFFF000  }
0x2c: {  	[tilespmem:s13], [sflag:$0x5] =	stream.linear.gather [hbm4b:s4+s3], $0x1000, $0x38;
	[tilespmem:$0x1E000] =	vst v63  }
0x2d: {  	_ =	swait.ge [sflag:s17], $0x1000  }
0x2e: {  	[sflag:s17] =	ssyncset.done $0x0  }
0x2f: {  	[sflag:s17] =	ssyncadd.s32 $0xFFFFF000  }
0x30: {  	[tilespmem:s16], [sflag:$0x1] =	stream.indirect.gather [spmem:s2], $0x80, s3, s18, $0xb8;
	[tilespmem:$0x1E000] =	vst v63  }
0x31: {  	s14 =	rddreg [dreg:$0x7]  }
0x32: {  	[tilespmem:s19], [sflag:$0x2] =	stream.indirect.gather [spmem:s2], $0x80, s14, s18, $0xb8;
	[tilespmem:$0x1E000] =	vst v63  }
0x33: {  	s15 =	rddreg [dreg:$0x8]  }
0x34: {  	[tilespmem:s20], [sflag:$0x3] =	stream.indirect.gather [spmem:s2], $0x80, s15, s18, $0xb8;
	[tilespmem:$0x1E000] =	vst v63  }
0x35: {  	s14 =	rddreg [dreg:$0x9]  }
0x36: {  	[tilespmem:s21], [sflag:$0x4] =	stream.indirect.gather [spmem:s2], $0x80, s14, s18, $0xb8;
	[tilespmem:$0x1E000] =	vst v63  }
0x37: {  	_ =	swait.ge [sflag:s22], $0x2000  }
0x38: {  	[sflag:s22] =	ssyncset.done $0x0  }
0x39: {  	s15 =	rddreg [dreg:$0xa];
	[sflag:s22] =	ssyncadd.s32 $0xFFFFE000  }
0x3a: {  	[tilespmem:s16], [sflag:$0x1] =	stream.indirect.gather [spmem:s2], $0x80, s15, s18, $0xb8;
	[tilespmem:$0x1E000] =	vst v63  }
0x3b: {  	_ =	swait.ge [sflag:s23], $0x2000  }
0x3c: {  	[sflag:s23] =	ssyncset.done $0x0  }
0x3d: {  	s13 =	rddreg [dreg:$0xb];
	[sflag:s23] =	ssyncadd.s32 $0xFFFFE000  }
0x3e: {  	[tilespmem:s19], [sflag:$0x2] =	stream.indirect.gather [spmem:s2], $0x80, s13, s18, $0xb8;
	[tilespmem:$0x1E000] =	vst v63  }
0x3f: {  	_ =	swait.ge [sflag:s24], $0x2000  }
0x40: {  	[sflag:s24] =	ssyncset.done $0x0  }
0x41: {  	s14 =	rddreg [dreg:$0xc];
	[sflag:s24] =	ssyncadd.s32 $0xFFFFE000  }
0x42: {  	[tilespmem:s20], [sflag:$0x3] =	stream.indirect.gather [spmem:s2], $0x80, s14, s18, $0xb8;
	[tilespmem:$0x1E000] =	vst v63  }
0x43: {  	_ =	swait.ge [sflag:s25], $0x2000  }
0x44: {  	[sflag:s25] =	ssyncset.done $0x0  }
0x45: {  	s15 =	rddreg [dreg:$0xd];
	[sflag:s25] =	ssyncadd.s32 $0xFFFFE000  }
0x46: {  	[tilespmem:s21], [sflag:$0x4] =	stream.indirect.gather [spmem:s2], $0x80, s15, s18, $0xb8;
	[tilespmem:$0x1E000] =	vst v63  }
0x47: {  	_ =	swait.ge [sflag:s22], $0x2000  }
0x48: {  	[sflag:s22] =	ssyncset.done $0x0  }
0x49: {  	s13 =	rddreg [dreg:$0xe];
	[sflag:s22] =	ssyncadd.s32 $0xFFFFE000  }
0x4a: {  	[tilespmem:s16], [sflag:$0x1] =	stream.indirect.gather [spmem:s2], $0x80, s13, s18, $0xb8;
	[tilespmem:$0x1E000] =	vst v63  }
0x4b: {  	_ =	swait.ge [sflag:s23], $0x2000  }
0x4c: {  	[sflag:s23] =	ssyncset.done $0x0  }
0x4d: {  	s14 =	rddreg [dreg:$0xf];
	[sflag:s23] =	ssyncadd.s32 $0xFFFFE000  }
0x4e: {  	[tilespmem:s19], [sflag:$0x2] =	stream.indirect.gather [spmem:s2], $0x80, s14, s18, $0xb8;
	[tilespmem:$0x1E000] =	vst v63  }
0x4f: {  	_ =	swait.ge [sflag:s24], $0x2000  }
0x50: {  	[sflag:s24] =	ssyncset.done $0x0  }
0x51: {  	s15 =	rddreg [dreg:$0x10];
	[sflag:s24] =	ssyncadd.s32 $0xFFFFE000  }
0x52: {  	[tilespmem:s20], [sflag:$0x3] =	stream.indirect.gather [spmem:s2], $0x80, s15, s18, $0xb8;
	[tilespmem:$0x1E000] =	vst v63  }
0x53: {  	_ =	swait.ge [sflag:s25], $0x2000  }
0x54: {  	[sflag:s25] =	ssyncset.done $0x0  }
0x55: {  	s13 =	rddreg [dreg:$0x11];
	[sflag:s25] =	ssyncadd.s32 $0xFFFFE000  }
0x56: {  	[tilespmem:s21], [sflag:$0x4] =	stream.indirect.gather [spmem:s2], $0x80, s13, s18, $0xb8;
	[tilespmem:$0x1E000] =	vst v63  }
0x57: {  	_ =	swait.ge [sflag:s22], $0x2000  }
0x58: {  	[sflag:s22] =	ssyncset.done $0x0  }
0x59: {  	s14 =	rddreg [dreg:$0x12];
	[sflag:s22] =	ssyncadd.s32 $0xFFFFE000  }
0x5a: {  	[tilespmem:s16], [sflag:$0x1] =	stream.indirect.gather [spmem:s2], $0x80, s14, s18, $0xb8;
	[tilespmem:$0x1E000] =	vst v63  }
0x5b: {  	_ =	swait.ge [sflag:s23], $0x2000  }
0x5c: {  	[sflag:s23] =	ssyncset.done $0x0  }
0x5d: {  	s15 =	rddreg [dreg:$0x13];
	[sflag:s23] =	ssyncadd.s32 $0xFFFFE000  }
0x5e: {  	[tilespmem:s19], [sflag:$0x2] =	stream.indirect.gather [spmem:s2], $0x80, s15, s18, $0xb8;
	[tilespmem:$0x1E000] =	vst v63  }
0x5f: {  	_ =	swait.ge [sflag:s24], $0x2000  }
0x60: {  	[sflag:s24] =	ssyncset.done $0x0  }
0x61: {  	s13 =	rddreg [dreg:$0x14];
	[sflag:s24] =	ssyncadd.s32 $0xFFFFE000  }
0x62: {  	[tilespmem:s20], [sflag:$0x3] =	stream.indirect.gather [spmem:s2], $0x80, s13, s18, $0xb8;
	[tilespmem:$0x1E000] =	vst v63  }
0x63: {  	_ =	swait.ge [sflag:s25], $0x2000  }
0x64: {  	[sflag:s25] =	ssyncset.done $0x0  }
0x65: {  	s14 =	rddreg [dreg:$0x15];
	[sflag:s25] =	ssyncadd.s32 $0xFFFFE000  }
0x66: {  	[tilespmem:s21], [sflag:$0x4] =	stream.indirect.gather [spmem:s2], $0x80, s14, s18, $0xb8;
	[tilespmem:$0x1E000] =	vst v63  }
0x67: {  	_ =	swait.ge [sflag:s22], $0x2000  }
0x68: {  	[sflag:s22] =	ssyncset.done $0x0  }
0x69: {  	s15 =	rddreg [dreg:$0x16];
	[sflag:s22] =	ssyncadd.s32 $0xFFFFE000  }
0x6a: {  	[tilespmem:s16], [sflag:$0x1] =	stream.indirect.gather [spmem:s2], $0x80, s15, s18, $0xb8;
	[tilespmem:$0x1E000] =	vst v63  }
0x6b: {  	_ =	swait.ge [sflag:s23], $0x2000  }
0x6c: {  	[sflag:s23] =	ssyncset.done $0x0  }
0x6d: {  	[sflag:s23] =	ssyncadd.s32 $0xFFFFE000  }
0x6e: {  	[tilespmem:s19], [sflag:$0x2] =	stream.indirect.gather [spmem:s2], $0x80, s26, s18, $0xb8;
	[tilespmem:$0x1E000] =	vst v63  }
0x6f: {  	_ =	swait.ge [sflag:s24], $0x2000  }
0x70: {  	[sflag:s24] =	ssyncset.done $0x0  }
0x71: {  	[sflag:s24] =	ssyncadd.s32 $0xFFFFE000  }
0x72: {  	[tilespmem:s20], [sflag:$0x3] =	stream.indirect.gather [spmem:s2], $0x80, s28, s18, $0xb8;
	[tilespmem:$0x1E000] =	vst v63  }
0x73: {  	_ =	swait.ge [sflag:s25], $0x2000  }
0x74: {  	[sflag:s25] =	ssyncset.done $0x0  }
0x75: {  	[sflag:s25] =	ssyncadd.s32 $0xFFFFE000  }
0x76: {  	[tilespmem:s21], [sflag:$0x4] =	stream.indirect.gather [spmem:s2], $0x80, s29, s18, $0xb8;
	[tilespmem:$0x1E000] =	vst v63  }
0x77: {  	_ =	swait.ge [sflag:s22], $0x2000  }
0x78: {  	[sflag:s22] =	ssyncset.done $0x0  }
0x79: {  	[sflag:s22] =	ssyncadd.s32 $0xFFFFE000  }
0x7a: {  	[tilespmem:s16], [sflag:$0x1] =	stream.indirect.gather [spmem:s2], $0x80, s30, s18, $0xb8;
	[tilespmem:$0x1E000] =	vst v63  }
0x7b: {  	_ =	swait.ge [sflag:s23], $0x2000  }
0x7c: {  	[sflag:s23] =	ssyncset.done $0x0  }
0x7d: {  	[sflag:s23] =	ssyncadd.s32 $0xFFFFE000  }
0x7e: {  	[tilespmem:s19], [sflag:$0x2] =	stream.indirect.gather [spmem:s2], $0x80, s31, s18, $0xb8;
	[tilespmem:$0x1E000] =	vst v63  }
0x7f: {  	_ =	swait.ge [sflag:s24], $0x2000  }
0x80: {  	[sflag:s24] =	ssyncset.done $0x0  }
0x81: {  	[sflag:s24] =	ssyncadd.s32 $0xFFFFE000  }
0x82: {  	[tilespmem:s20], [sflag:$0x3] =	stream.indirect.gather [spmem:s2], $0x80, s1, s18, $0xb8;
	[tilespmem:$0x1E000] =	vst v63  }
0x83: {  	_ =	swait.ge [sflag:s25], $0x2000  }
0x84: {  	[sflag:s25] =	ssyncset.done $0x0  }
0x85: {  	[sflag:s25] =	ssyncadd.s32 $0xFFFFE000  }
0x86: {  	[tilespmem:s21], [sflag:$0x4] =	stream.indirect.gather [spmem:s2], $0x80, s0, s18, $0xb8;
	[tilespmem:$0x1E000] =	vst v63  }
0x87: {  	_ =	swait.ge [sflag:s22], $0x2000  }
0x88: {  	[sflag:s22] =	ssyncset.done $0x0  }
0x89: {  	[sflag:s22] =	ssyncadd.s32 $0xFFFFE000  }
0x8a: {  	[tilespmem:s16], [sflag:$0x1] =	stream.indirect.gather [spmem:s2], $0x80, s5, s18, $0xb8;
	[tilespmem:$0x1E000] =	vst v63  }
0x8b: {  	_ =	swait.ge [sflag:s23], $0x2000  }
0x8c: {  	[sflag:s23] =	ssyncset.done $0x0  }
0x8d: {  	[sflag:s23] =	ssyncadd.s32 $0xFFFFE000  }
0x8e: {  	[tilespmem:s19], [sflag:$0x2] =	stream.indirect.gather [spmem:s2], $0x80, s6, s18, $0xb8;
	[tilespmem:$0x1E000] =	vst v63  }
0x8f: {  	_ =	swait.ge [sflag:s24], $0x2000  }
0x90: {  	[sflag:s24] =	ssyncset.done $0x0  }
0x91: {  	[sflag:s24] =	ssyncadd.s32 $0xFFFFE000  }
0x92: {  	[tilespmem:s20], [sflag:$0x3] =	stream.indirect.gather [spmem:s2], $0x80, s7, s18, $0xb8;
	[tilespmem:$0x1E000] =	vst v63  }
0x93: {  	_ =	swait.ge [sflag:s25], $0x2000  }
0x94: {  	[sflag:s25] =	ssyncset.done $0x0  }
0x95: {  	[sflag:s25] =	ssyncadd.s32 $0xFFFFE000  }
0x96: {  	[tilespmem:s21], [sflag:$0x4] =	stream.indirect.gather [spmem:s2], $0x80, s8, s18, $0xb8;
	[tilespmem:$0x1E000] =	vst v63  }
0x97: {  	_ =	swait.ge [sflag:s22], $0x2000  }
0x98: {  	[sflag:s22] =	ssyncset.done $0x0  }
0x99: {  	[sflag:s22] =	ssyncadd.s32 $0xFFFFE000  }
0x9a: {  	[tilespmem:s16], [sflag:$0x1] =	stream.indirect.gather [spmem:s2], $0x80, s9, s18, $0xb8;
	[tilespmem:$0x1E000] =	vst v63  }
0x9b: {  	_ =	swait.ge [sflag:s23], $0x2000  }
0x9c: {  	[sflag:s23] =	ssyncset.done $0x0  }
0x9d: {  	[sflag:s23] =	ssyncadd.s32 $0xFFFFE000  }
0x9e: {  	[tilespmem:s19], [sflag:$0x2] =	stream.indirect.gather [spmem:s2], $0x80, s10, s18, $0xb8;
	[tilespmem:$0x1E000] =	vst v63  }
0x9f: {  	_ =	swait.ge [sflag:s24], $0x2000  }
0xa0: {  	[sflag:s24] =	ssyncset.done $0x0  }
0xa1: {  	[sflag:s24] =	ssyncadd.s32 $0xFFFFE000  }
0xa2: {  	[tilespmem:s20], [sflag:$0x3] =	stream.indirect.gather [spmem:s2], $0x80, s11, s18, $0xb8;
	[tilespmem:$0x1E000] =	vst v63  }
0xa3: {  	_ =	swait.ge [sflag:s25], $0x2000  }
0xa4: {  	[sflag:s25] =	ssyncset.done $0x0  }
0xa5: {  	[sflag:s25] =	ssyncadd.s32 $0xFFFFE000  }
0xa6: {  	[tilespmem:s21], [sflag:$0x4] =	stream.indirect.gather [spmem:s2], $0x80, s12, s18, $0xb8;
	[tilespmem:$0x1E000] =	vst v63  }
0xa7: {  	_ =	swait.ge [sflag:s22], $0x2000  }
0xa8: {  	[sflag:s22] =	ssyncset.done $0x0  }
0xa9: {  	[sflag:s22] =	ssyncadd.s32 $0xFFFFE000  }
0xaa: {  	_ =	swait.ge [sflag:s23], $0x2000  }
0xab: {  	[sflag:s23] =	ssyncset.done $0x0  }
0xac: {  	[sflag:s23] =	ssyncadd.s32 $0xFFFFE000  }
0xad: {  	_ =	swait.ge [sflag:s24], $0x2000  }
0xae: {  	[sflag:s24] =	ssyncset.done $0x0  }
0xaf: {  	[sflag:s24] =	ssyncadd.s32 $0xFFFFE000  }
0xb0: {  	_ =	swait.ge [sflag:s25], $0x2000  }
0xb1: {  	[sflag:s25] =	ssyncset.done $0x0  }
0xb2: {  	s26 =	stileid.u32;
	s15 =	sld [smem:$0x7FA];
	[sflag:s25] =	ssyncadd.s32 $0xFFFFE000  }
.LBB2_7:
0xb3: {  	[bflag:$0x0] =	sbarrier.arrive $0xFFFF  }
0xb4: {  	s14 =	sld [smem:$0x7FC]  }
0xb5: {  	s4 =	sshll.u32 s26, $0x6;
	s13 =	rddreg [dreg:$0x17]  }
0xb6: {  	s4 =	sor.u32 $0x1C05, s4;
	s13 =	sshrl.u32 s13, $0x3  }
0xb7: {  	[hbm:s14], [sflag:s4] =	dma.local [spmem:s13], $0x2800  }
0xb8: {  	_ =	swait.ge [sflag:s17], $0x2800  }
0xb9: {  	s13 =	sadd.s32 $0x1, s15;
	s15 =	sld [smem:$0x7FD];
	_ =	sdelay $0x2  }
0xba: {  	p1 =	sne.s32 s13, s15  }
.Ltmp1:
0xbb: {  	_ = 	snop;
	(pc) =	sbr.rel @!p1 .LBB2_8-.Ltmp1, $3  }
0xbc: {  	_ =	sdelay $0x1  }
0xbd: {  	[sflag:s17] =	ssyncset.done $0x0  }
0xbe: {  	[sflag:s17] =	ssyncadd.s32 $0xFFFFD800  }
.LBB2_1:
0xbf: {  	s14 =	simm.s32 $0x0;
	s15 =	simm.s32 $0x200  }
.LBB2_2:
0xc0: {  	p1 =	sne.s32 s15, $0x7E00;
	[tilespmem:s14+$0x2070] =	vst v0  }
0xc1: {  	[tilespmem:s14+$0x2000] =	vst v0  }
0xc2: {  	[tilespmem:s14+$0x2010] =	vst v0  }
.Ltmp2:
0xc3: {  	[tilespmem:s14+$0x2020] =	vst v0;
	(pc) =	sbr.rel @p1 .LBB2_2-.Ltmp2, $4  }
0xc4: {  	[tilespmem:s14+$0x2030] =	vst v0  }
0xc5: {  	[tilespmem:s14+$0x2040] =	vst v0  }
0xc6: {  	[tilespmem:s14+$0x2050] =	vst v0  }
0xc7: {  	[tilespmem:s14+$0x2060] =	vst v0;
	s14 =	sshra.s32 s15, $0x2;
	s15 =	sadd.s32 $0x200, s15  }
0xc8: {  	[tilespmem:s14+$0x2070] =	vst v0  }
0xc9: {  	[tilespmem:s14+$0x2000] =	vst v0  }
0xca: {  	[tilespmem:s14+$0x2010] =	vst v0  }
0xcb: {  	[tilespmem:s14+$0x2020] =	vst v0  }
0xcc: {  	[tilespmem:s14+$0x2030] =	vst v0  }
0xcd: {  	[tilespmem:s14+$0x2040] =	vst v0  }
0xce: {  	[tilespmem:s14+$0x2050] =	vst v0  }
0xcf: {  	[tilespmem:s14+$0x2060] =	vst v0;
	s4 =	rddreg [dreg:$0x17]  }
0xd0: {  	[spmem:s4] =	stream.linear.scatter [tilespmem:s16], [sflag:$0x5], $0x2000, $0x38;
	[tilespmem:$0x1E000] =	vst v63  }
0xd1: {  	_ =	swait.ge [sflag:s17], $0x2000  }
0xd2: {  	[sflag:s17] =	ssyncset.done $0x0  }
0xd3: {  	s15 =	rddreg [dreg:$0x18];
	[sflag:s17] =	ssyncadd.s32 $0xFFFFE000  }
0xd4: {  	[spmem:s15] =	stream.linear.scatter [tilespmem:s16], [sflag:$0x5], $0x2000, $0x38;
	[tilespmem:$0x1E000] =	vst v63  }
0xd5: {  	_ =	swait.ge [sflag:s17], $0x2000  }
0xd6: {  	[sflag:s17] =	ssyncset.done $0x0  }
0xd7: {  	s14 =	rddreg [dreg:$0x19];
	[sflag:s17] =	ssyncadd.s32 $0xFFFFE000  }
0xd8: {  	[spmem:s14] =	stream.linear.scatter [tilespmem:s16], [sflag:$0x5], $0x2000, $0x38;
	[tilespmem:$0x1E000] =	vst v63  }
0xd9: {  	_ =	swait.ge [sflag:s17], $0x2000  }
0xda: {  	[sflag:s17] =	ssyncset.done $0x0  }
0xdb: {  	s15 =	rddreg [dreg:$0x1a];
	[sflag:s17] =	ssyncadd.s32 $0xFFFFE000  }
0xdc: {  	[spmem:s15] =	stream.linear.scatter [tilespmem:s16], [sflag:$0x5], $0x2000, $0x38;
	[tilespmem:$0x1E000] =	vst v63  }
0xdd: {  	_ =	swait.ge [sflag:s17], $0x2000  }
0xde: {  	[sflag:s17] =	ssyncset.done $0x0  }
0xdf: {  	s14 =	rddreg [dreg:$0x1b];
	[sflag:s17] =	ssyncadd.s32 $0xFFFFE000  }
0xe0: {  	[spmem:s14] =	stream.linear.scatter [tilespmem:s16], [sflag:$0x5], $0x2000, $0x38;
	[tilespmem:$0x1E000] =	vst v63  }
0xe1: {  	_ =	swait.ge [sflag:s17], $0x2000  }
0xe2: {  	[sflag:s17] =	ssyncset.done $0x0  }
0xe3: {  	s15 =	rddreg [dreg:$0x1c];
	[sflag:s17] =	ssyncadd.s32 $0xFFFFE000  }
0xe4: {  	[spmem:s15] =	stream.linear.scatter [tilespmem:s16], [sflag:$0x5], $0x2000, $0x38;
	[tilespmem:$0x1E000] =	vst v63  }
0xe5: {  	_ =	swait.ge [sflag:s17], $0x2000  }
0xe6: {  	[sflag:s17] =	ssyncset.done $0x0  }
0xe7: {  	s14 =	rddreg [dreg:$0x1d];
	[sflag:s17] =	ssyncadd.s32 $0xFFFFE000  }
0xe8: {  	[spmem:s14] =	stream.linear.scatter [tilespmem:s16], [sflag:$0x5], $0x2000, $0x38;
	[tilespmem:$0x1E000] =	vst v63  }
0xe9: {  	_ =	swait.ge [sflag:s17], $0x2000  }
0xea: {  	[sflag:s17] =	ssyncset.done $0x0  }
0xeb: {  	s15 =	rddreg [dreg:$0x1e];
	[sflag:s17] =	ssyncadd.s32 $0xFFFFE000  }
0xec: {  	[spmem:s15] =	stream.linear.scatter [tilespmem:s16], [sflag:$0x5], $0x2000, $0x38;
	[tilespmem:$0x1E000] =	vst v63  }
0xed: {  	_ =	swait.ge [sflag:s17], $0x2000  }
0xee: {  	[sflag:s17] =	ssyncset.done $0x0  }
0xef: {  	s14 =	rddreg [dreg:$0x1f];
	[sflag:s17] =	ssyncadd.s32 $0xFFFFE000  }
0xf0: {  	[spmem:s14] =	stream.linear.scatter [tilespmem:s16], [sflag:$0x5], $0x2000, $0x38;
	[tilespmem:$0x1E000] =	vst v63  }
0xf1: {  	_ =	swait.ge [sflag:s17], $0x2000  }
0xf2: {  	s15 =	sld [smem:$0x7FB]  }
0xf3: {  	[sflag:s17] =	ssyncset.done $0x0  }
0xf4: {  	[sflag:s17] =	ssyncadd.s32 $0xFFFFE000  }
0xf5: {  	[spmem:s15] =	stream.linear.scatter [tilespmem:s16], [sflag:$0x5], $0x2000, $0x38;
	[tilespmem:$0x1E000] =	vst v63  }
.Ltmp3:
0xf6: {  	_ =	swait.ge [sflag:s17], $0x2000;
	(pc) =	sbr.rel @p0 .LBB2_7-.Ltmp3, $4  }
0xf7: {  	[sflag:s17] =	ssyncset.done $0x0  }
0xf8: {  	[sflag:s17] =	ssyncadd.s32 $0xFFFFE000  }
0xf9: {  	[bflag:$0x0] =	sbarrier.arrive $0xFFFF  }
0xfa: {  	s15 =	smov.u32 s13  }
0xfb: {  	s4 =	rddreg [dreg:$0x5]  }
0xfc: {  	[smem:$0x7FA] =	sst s15;
	s4 =	sadd.s32 $0x0, s4  }
0xfd: {  	[tilespmem:s3], [sflag:$0x5] =	stream.linear.gather [hbm4b:s4+s3], $0x1000, $0x38;
	[tilespmem:$0x1E000] =	vst v63  }
0xfe: {  	_ =	swait.ge [sflag:s17], $0x1000  }
0xff: {  	s13 =	rddreg [dreg:$0x4];
	[sflag:s17] =	ssyncset.done $0x0  }
0x100: {  	s14 =	rddreg [dreg:$0x6];
	[sflag:s17] =	ssyncadd.s32 $0xFFFFF000;
	s4 =	sadd.s32 $0x0, s13  }
0x101: {  	[tilespmem:s14], [sflag:$0x5] =	stream.linear.gather [hbm4b:s4+s3], $0x1000, $0x38;
	[tilespmem:$0x1E000] =	vst v63  }
0x102: {  	_ =	swait.ge [sflag:s17], $0x1000  }
0x103: {  	[sflag:s17] =	ssyncset.done $0x0  }
0x104: {  	[sflag:s17] =	ssyncadd.s32 $0xFFFFF000  }
0x105: {  	[tilespmem:s16], [sflag:$0x1] =	stream.indirect.gather [spmem:s2], $0x80, s3, s18, $0xb8;
	[tilespmem:$0x1E000] =	vst v63  }
0x106: {  	s15 =	rddreg [dreg:$0x7]  }
0x107: {  	[tilespmem:s19], [sflag:$0x2] =	stream.indirect.gather [spmem:s2], $0x80, s15, s18, $0xb8;
	[tilespmem:$0x1E000] =	vst v63  }
0x108: {  	s26 =	rddreg [dreg:$0x8]  }
0x109: {  	[tilespmem:s20], [sflag:$0x3] =	stream.indirect.gather [spmem:s2], $0x80, s26, s18, $0xb8;
	[tilespmem:$0x1E000] =	vst v63  }
0x10a: {  	s13 =	rddreg [dreg:$0x9]  }
0x10b: {  	[tilespmem:s21], [sflag:$0x4] =	stream.indirect.gather [spmem:s2], $0x80, s13, s18, $0xb8;
	[tilespmem:$0x1E000] =	vst v63  }
0x10c: {  	_ =	swait.ge [sflag:s22], $0x2000  }
0x10d: {  	[sflag:s22] =	ssyncset.done $0x0  }
0x10e: {  	s15 =	rddreg [dreg:$0xa];
	[sflag:s22] =	ssyncadd.s32 $0xFFFFE000  }
0x10f: {  	[tilespmem:s16], [sflag:$0x1] =	stream.indirect.gather [spmem:s2], $0x80, s15, s18, $0xb8;
	[tilespmem:$0x1E000] =	vst v63  }
0x110: {  	_ =	swait.ge [sflag:s23], $0x2000  }
0x111: {  	[sflag:s23] =	ssyncset.done $0x0  }
0x112: {  	s26 =	rddreg [dreg:$0xb];
	[sflag:s23] =	ssyncadd.s32 $0xFFFFE000  }
0x113: {  	[tilespmem:s19], [sflag:$0x2] =	stream.indirect.gather [spmem:s2], $0x80, s26, s18, $0xb8;
	[tilespmem:$0x1E000] =	vst v63  }
0x114: {  	_ =	swait.ge [sflag:s24], $0x2000  }
0x115: {  	[sflag:s24] =	ssyncset.done $0x0  }
0x116: {  	s13 =	rddreg [dreg:$0xc];
	[sflag:s24] =	ssyncadd.s32 $0xFFFFE000  }
0x117: {  	[tilespmem:s20], [sflag:$0x3] =	stream.indirect.gather [spmem:s2], $0x80, s13, s18, $0xb8;
	[tilespmem:$0x1E000] =	vst v63  }
0x118: {  	_ =	swait.ge [sflag:s25], $0x2000  }
0x119: {  	[sflag:s25] =	ssyncset.done $0x0  }
0x11a: {  	s14 =	rddreg [dreg:$0xd];
	[sflag:s25] =	ssyncadd.s32 $0xFFFFE000  }
0x11b: {  	[tilespmem:s21], [sflag:$0x4] =	stream.indirect.gather [spmem:s2], $0x80, s14, s18, $0xb8;
	[tilespmem:$0x1E000] =	vst v63  }
0x11c: {  	_ =	swait.ge [sflag:s22], $0x2000  }
0x11d: {  	[sflag:s22] =	ssyncset.done $0x0  }
0x11e: {  	s15 =	rddreg [dreg:$0xe];
	[sflag:s22] =	ssyncadd.s32 $0xFFFFE000  }
0x11f: {  	[tilespmem:s16], [sflag:$0x1] =	stream.indirect.gather [spmem:s2], $0x80, s15, s18, $0xb8;
	[tilespmem:$0x1E000] =	vst v63  }
0x120: {  	_ =	swait.ge [sflag:s23], $0x2000  }
0x121: {  	[sflag:s23] =	ssyncset.done $0x0  }
0x122: {  	s26 =	rddreg [dreg:$0xf];
	[sflag:s23] =	ssyncadd.s32 $0xFFFFE000  }
0x123: {  	[tilespmem:s19], [sflag:$0x2] =	stream.indirect.gather [spmem:s2], $0x80, s26, s18, $0xb8;
	[tilespmem:$0x1E000] =	vst v63  }
0x124: {  	_ =	swait.ge [sflag:s24], $0x2000  }
0x125: {  	[sflag:s24] =	ssyncset.done $0x0  }
0x126: {  	s13 =	rddreg [dreg:$0x10];
	[sflag:s24] =	ssyncadd.s32 $0xFFFFE000  }
0x127: {  	[tilespmem:s20], [sflag:$0x3] =	stream.indirect.gather [spmem:s2], $0x80, s13, s18, $0xb8;
	[tilespmem:$0x1E000] =	vst v63  }
0x128: {  	_ =	swait.ge [sflag:s25], $0x2000  }
0x129: {  	[sflag:s25] =	ssyncset.done $0x0  }
0x12a: {  	s14 =	rddreg [dreg:$0x11];
	[sflag:s25] =	ssyncadd.s32 $0xFFFFE000  }
0x12b: {  	[tilespmem:s21], [sflag:$0x4] =	stream.indirect.gather [spmem:s2], $0x80, s14, s18, $0xb8;
	[tilespmem:$0x1E000] =	vst v63  }
0x12c: {  	_ =	swait.ge [sflag:s22], $0x2000  }
0x12d: {  	[sflag:s22] =	ssyncset.done $0x0  }
0x12e: {  	s15 =	rddreg [dreg:$0x12];
	[sflag:s22] =	ssyncadd.s32 $0xFFFFE000  }
0x12f: {  	[tilespmem:s16], [sflag:$0x1] =	stream.indirect.gather [spmem:s2], $0x80, s15, s18, $0xb8;
	[tilespmem:$0x1E000] =	vst v63  }
0x130: {  	_ =	swait.ge [sflag:s23], $0x2000  }
0x131: {  	[sflag:s23] =	ssyncset.done $0x0  }
0x132: {  	s26 =	rddreg [dreg:$0x13];
	[sflag:s23] =	ssyncadd.s32 $0xFFFFE000  }
0x133: {  	[tilespmem:s19], [sflag:$0x2] =	stream.indirect.gather [spmem:s2], $0x80, s26, s18, $0xb8;
	[tilespmem:$0x1E000] =	vst v63  }
0x134: {  	_ =	swait.ge [sflag:s24], $0x2000  }
0x135: {  	[sflag:s24] =	ssyncset.done $0x0  }
0x136: {  	s13 =	rddreg [dreg:$0x14];
	[sflag:s24] =	ssyncadd.s32 $0xFFFFE000  }
0x137: {  	[tilespmem:s20], [sflag:$0x3] =	stream.indirect.gather [spmem:s2], $0x80, s13, s18, $0xb8;
	[tilespmem:$0x1E000] =	vst v63  }
0x138: {  	_ =	swait.ge [sflag:s25], $0x2000  }
0x139: {  	[sflag:s25] =	ssyncset.done $0x0  }
0x13a: {  	s14 =	rddreg [dreg:$0x15];
	[sflag:s25] =	ssyncadd.s32 $0xFFFFE000  }
0x13b: {  	[tilespmem:s21], [sflag:$0x4] =	stream.indirect.gather [spmem:s2], $0x80, s14, s18, $0xb8;
	[tilespmem:$0x1E000] =	vst v63  }
0x13c: {  	_ =	swait.ge [sflag:s22], $0x2000  }
0x13d: {  	[sflag:s22] =	ssyncset.done $0x0  }
0x13e: {  	s15 =	rddreg [dreg:$0x16];
	[sflag:s22] =	ssyncadd.s32 $0xFFFFE000  }
0x13f: {  	[tilespmem:s16], [sflag:$0x1] =	stream.indirect.gather [spmem:s2], $0x80, s15, s18, $0xb8;
	[tilespmem:$0x1E000] =	vst v63  }
0x140: {  	_ =	swait.ge [sflag:s23], $0x2000  }
0x141: {  	[sflag:s23] =	ssyncset.done $0x0  }
0x142: {  	s26 =	simm.s32 $0x880;
	[sflag:s23] =	ssyncadd.s32 $0xFFFFE000  }
0x143: {  	[tilespmem:s19], [sflag:$0x2] =	stream.indirect.gather [spmem:s2], $0x80, s26, s18, $0xb8;
	[tilespmem:$0x1E000] =	vst v63  }
0x144: {  	_ =	swait.ge [sflag:s24], $0x2000  }
0x145: {  	[sflag:s24] =	ssyncset.done $0x0  }
0x146: {  	[sflag:s24] =	ssyncadd.s32 $0xFFFFE000  }
0x147: {  	[tilespmem:s20], [sflag:$0x3] =	stream.indirect.gather [spmem:s2], $0x80, s28, s18, $0xb8;
	[tilespmem:$0x1E000] =	vst v63  }
0x148: {  	_ =	swait.ge [sflag:s25], $0x2000  }
0x149: {  	[sflag:s25] =	ssyncset.done $0x0  }
0x14a: {  	[sflag:s25] =	ssyncadd.s32 $0xFFFFE000  }
0x14b: {  	[tilespmem:s21], [sflag:$0x4] =	stream.indirect.gather [spmem:s2], $0x80, s29, s18, $0xb8;
	[tilespmem:$0x1E000] =	vst v63  }
0x14c: {  	_ =	swait.ge [sflag:s22], $0x2000  }
0x14d: {  	[sflag:s22] =	ssyncset.done $0x0  }
0x14e: {  	[sflag:s22] =	ssyncadd.s32 $0xFFFFE000  }
0x14f: {  	[tilespmem:s16], [sflag:$0x1] =	stream.indirect.gather [spmem:s2], $0x80, s30, s18, $0xb8;
	[tilespmem:$0x1E000] =	vst v63  }
0x150: {  	_ =	swait.ge [sflag:s23], $0x2000  }
0x151: {  	[sflag:s23] =	ssyncset.done $0x0  }
0x152: {  	[sflag:s23] =	ssyncadd.s32 $0xFFFFE000  }
0x153: {  	[tilespmem:s19], [sflag:$0x2] =	stream.indirect.gather [spmem:s2], $0x80, s31, s18, $0xb8;
	[tilespmem:$0x1E000] =	vst v63  }
0x154: {  	_ =	swait.ge [sflag:s24], $0x2000  }
0x155: {  	[sflag:s24] =	ssyncset.done $0x0  }
0x156: {  	[sflag:s24] =	ssyncadd.s32 $0xFFFFE000  }
0x157: {  	[tilespmem:s20], [sflag:$0x3] =	stream.indirect.gather [spmem:s2], $0x80, s1, s18, $0xb8;
	[tilespmem:$0x1E000] =	vst v63  }
0x158: {  	_ =	swait.ge [sflag:s25], $0x2000  }
0x159: {  	[sflag:s25] =	ssyncset.done $0x0  }
0x15a: {  	[sflag:s25] =	ssyncadd.s32 $0xFFFFE000  }
0x15b: {  	[tilespmem:s21], [sflag:$0x4] =	stream.indirect.gather [spmem:s2], $0x80, s0, s18, $0xb8;
	[tilespmem:$0x1E000] =	vst v63  }
0x15c: {  	_ =	swait.ge [sflag:s22], $0x2000  }
0x15d: {  	[sflag:s22] =	ssyncset.done $0x0  }
0x15e: {  	[sflag:s22] =	ssyncadd.s32 $0xFFFFE000  }
0x15f: {  	[tilespmem:s16], [sflag:$0x1] =	stream.indirect.gather [spmem:s2], $0x80, s5, s18, $0xb8;
	[tilespmem:$0x1E000] =	vst v63  }
0x160: {  	_ =	swait.ge [sflag:s23], $0x2000  }
0x161: {  	[sflag:s23] =	ssyncset.done $0x0  }
0x162: {  	[sflag:s23] =	ssyncadd.s32 $0xFFFFE000  }
0x163: {  	[tilespmem:s19], [sflag:$0x2] =	stream.indirect.gather [spmem:s2], $0x80, s6, s18, $0xb8;
	[tilespmem:$0x1E000] =	vst v63  }
0x164: {  	_ =	swait.ge [sflag:s24], $0x2000  }
0x165: {  	[sflag:s24] =	ssyncset.done $0x0  }
0x166: {  	[sflag:s24] =	ssyncadd.s32 $0xFFFFE000  }
0x167: {  	[tilespmem:s20], [sflag:$0x3] =	stream.indirect.gather [spmem:s2], $0x80, s7, s18, $0xb8;
	[tilespmem:$0x1E000] =	vst v63  }
0x168: {  	_ =	swait.ge [sflag:s25], $0x2000  }
0x169: {  	[sflag:s25] =	ssyncset.done $0x0  }
0x16a: {  	[sflag:s25] =	ssyncadd.s32 $0xFFFFE000  }
0x16b: {  	[tilespmem:s21], [sflag:$0x4] =	stream.indirect.gather [spmem:s2], $0x80, s8, s18, $0xb8;
	[tilespmem:$0x1E000] =	vst v63  }
0x16c: {  	_ =	swait.ge [sflag:s22], $0x2000  }
0x16d: {  	[sflag:s22] =	ssyncset.done $0x0  }
0x16e: {  	[sflag:s22] =	ssyncadd.s32 $0xFFFFE000  }
0x16f: {  	[tilespmem:s16], [sflag:$0x1] =	stream.indirect.gather [spmem:s2], $0x80, s9, s18, $0xb8;
	[tilespmem:$0x1E000] =	vst v63  }
0x170: {  	_ =	swait.ge [sflag:s23], $0x2000  }
0x171: {  	[sflag:s23] =	ssyncset.done $0x0  }
0x172: {  	[sflag:s23] =	ssyncadd.s32 $0xFFFFE000  }
0x173: {  	[tilespmem:s19], [sflag:$0x2] =	stream.indirect.gather [spmem:s2], $0x80, s10, s18, $0xb8;
	[tilespmem:$0x1E000] =	vst v63  }
0x174: {  	_ =	swait.ge [sflag:s24], $0x2000  }
0x175: {  	[sflag:s24] =	ssyncset.done $0x0  }
0x176: {  	[sflag:s24] =	ssyncadd.s32 $0xFFFFE000  }
0x177: {  	[tilespmem:s20], [sflag:$0x3] =	stream.indirect.gather [spmem:s2], $0x80, s11, s18, $0xb8;
	[tilespmem:$0x1E000] =	vst v63  }
0x178: {  	_ =	swait.ge [sflag:s25], $0x2000  }
0x179: {  	[sflag:s25] =	ssyncset.done $0x0  }
0x17a: {  	[sflag:s25] =	ssyncadd.s32 $0xFFFFE000  }
0x17b: {  	[tilespmem:s21], [sflag:$0x4] =	stream.indirect.gather [spmem:s2], $0x80, s12, s18, $0xb8;
	[tilespmem:$0x1E000] =	vst v63  }
0x17c: {  	_ =	swait.ge [sflag:s22], $0x2000  }
0x17d: {  	[sflag:s22] =	ssyncset.done $0x0  }
0x17e: {  	[sflag:s22] =	ssyncadd.s32 $0xFFFFE000  }
0x17f: {  	_ =	swait.ge [sflag:s23], $0x2000  }
0x180: {  	[sflag:s23] =	ssyncset.done $0x0  }
0x181: {  	[sflag:s23] =	ssyncadd.s32 $0xFFFFE000  }
0x182: {  	_ =	swait.ge [sflag:s24], $0x2000  }
0x183: {  	[sflag:s24] =	ssyncset.done $0x0  }
0x184: {  	[sflag:s24] =	ssyncadd.s32 $0xFFFFE000  }
0x185: {  	s14 =	simm.s32 $0x200;
	_ =	swait.ge [sflag:s25], $0x2000  }
0x186: {  	s15 =	simm.s32 $0x400;
	s4 =	rddreg [dreg:$0x5];
	[sflag:s25] =	ssyncset.done $0x0  }
.LBB2_5:
0x187: {  	[sflag:s25] =	ssyncadd.s32 $0xFFFFE000;
	s4 =	sadd.s32 s14, s4  }
0x188: {  	[tilespmem:s3], [sflag:$0x5] =	stream.linear.gather [hbm4b:s4+s3], $0x1000, $0x38;
	[tilespmem:$0x1E000] =	vst v63  }
0x189: {  	_ =	swait.ge [sflag:s17], $0x1000  }
0x18a: {  	s4 =	rddreg [dreg:$0x4];
	[sflag:s17] =	ssyncset.done $0x0  }
0x18b: {  	s26 =	rddreg [dreg:$0x6];
	[sflag:s17] =	ssyncadd.s32 $0xFFFFF000;
	s4 =	sadd.s32 s14, s4  }
0x18c: {  	[tilespmem:s26], [sflag:$0x5] =	stream.linear.gather [hbm4b:s4+s3], $0x1000, $0x38;
	[tilespmem:$0x1E000] =	vst v63  }
0x18d: {  	_ =	swait.ge [sflag:s17], $0x1000  }
0x18e: {  	[sflag:s17] =	ssyncset.done $0x0  }
0x18f: {  	[sflag:s17] =	ssyncadd.s32 $0xFFFFF000  }
0x190: {  	[tilespmem:s16], [sflag:$0x1] =	stream.indirect.gather [spmem:s2], $0x80, s3, s18, $0xb8;
	[tilespmem:$0x1E000] =	vst v63  }
0x191: {  	s13 =	smov.u32 s15;
	s4 =	rddreg [dreg:$0x7]  }
0x192: {  	[tilespmem:s19], [sflag:$0x2] =	stream.indirect.gather [spmem:s2], $0x80, s4, s18, $0xb8;
	[tilespmem:$0x1E000] =	vst v63  }
0x193: {  	s14 =	smov.u32 s13;
	s13 =	rddreg [dreg:$0x8]  }
0x194: {  	[tilespmem:s20], [sflag:$0x3] =	stream.indirect.gather [spmem:s2], $0x80, s13, s18, $0xb8;
	[tilespmem:$0x1E000] =	vst v63  }
0x195: {  	s4 =	rddreg [dreg:$0x9]  }
0x196: {  	[tilespmem:s21], [sflag:$0x4] =	stream.indirect.gather [spmem:s2], $0x80, s4, s18, $0xb8;
	[tilespmem:$0x1E000] =	vst v63  }
0x197: {  	_ =	swait.ge [sflag:s22], $0x2000  }
0x198: {  	[sflag:s22] =	ssyncset.done $0x0  }
0x199: {  	s13 =	rddreg [dreg:$0xa];
	[sflag:s22] =	ssyncadd.s32 $0xFFFFE000  }
0x19a: {  	[tilespmem:s16], [sflag:$0x1] =	stream.indirect.gather [spmem:s2], $0x80, s13, s18, $0xb8;
	[tilespmem:$0x1E000] =	vst v63  }
0x19b: {  	_ =	swait.ge [sflag:s23], $0x2000  }
0x19c: {  	[sflag:s23] =	ssyncset.done $0x0  }
0x19d: {  	s13 =	rddreg [dreg:$0xb];
	[sflag:s23] =	ssyncadd.s32 $0xFFFFE000  }
0x19e: {  	[tilespmem:s19], [sflag:$0x2] =	stream.indirect.gather [spmem:s2], $0x80, s13, s18, $0xb8;
	[tilespmem:$0x1E000] =	vst v63  }
0x19f: {  	_ =	swait.ge [sflag:s24], $0x2000  }
0x1a0: {  	[sflag:s24] =	ssyncset.done $0x0  }
0x1a1: {  	s13 =	rddreg [dreg:$0xc];
	[sflag:s24] =	ssyncadd.s32 $0xFFFFE000  }
0x1a2: {  	[tilespmem:s20], [sflag:$0x3] =	stream.indirect.gather [spmem:s2], $0x80, s13, s18, $0xb8;
	[tilespmem:$0x1E000] =	vst v63  }
0x1a3: {  	_ =	swait.ge [sflag:s25], $0x2000  }
0x1a4: {  	[sflag:s25] =	ssyncset.done $0x0  }
0x1a5: {  	s13 =	rddreg [dreg:$0xd];
	[sflag:s25] =	ssyncadd.s32 $0xFFFFE000  }
0x1a6: {  	[tilespmem:s21], [sflag:$0x4] =	stream.indirect.gather [spmem:s2], $0x80, s13, s18, $0xb8;
	[tilespmem:$0x1E000] =	vst v63  }
0x1a7: {  	_ =	swait.ge [sflag:s22], $0x2000  }
0x1a8: {  	[sflag:s22] =	ssyncset.done $0x0  }
0x1a9: {  	s13 =	rddreg [dreg:$0xe];
	[sflag:s22] =	ssyncadd.s32 $0xFFFFE000  }
0x1aa: {  	[tilespmem:s16], [sflag:$0x1] =	stream.indirect.gather [spmem:s2], $0x80, s13, s18, $0xb8;
	[tilespmem:$0x1E000] =	vst v63  }
0x1ab: {  	_ =	swait.ge [sflag:s23], $0x2000  }
0x1ac: {  	[sflag:s23] =	ssyncset.done $0x0  }
0x1ad: {  	s13 =	rddreg [dreg:$0xf];
	[sflag:s23] =	ssyncadd.s32 $0xFFFFE000  }
0x1ae: {  	[tilespmem:s19], [sflag:$0x2] =	stream.indirect.gather [spmem:s2], $0x80, s13, s18, $0xb8;
	[tilespmem:$0x1E000] =	vst v63  }
0x1af: {  	_ =	swait.ge [sflag:s24], $0x2000  }
0x1b0: {  	[sflag:s24] =	ssyncset.done $0x0  }
0x1b1: {  	s13 =	rddreg [dreg:$0x10];
	[sflag:s24] =	ssyncadd.s32 $0xFFFFE000  }
0x1b2: {  	[tilespmem:s20], [sflag:$0x3] =	stream.indirect.gather [spmem:s2], $0x80, s13, s18, $0xb8;
	[tilespmem:$0x1E000] =	vst v63  }
0x1b3: {  	_ =	swait.ge [sflag:s25], $0x2000  }
0x1b4: {  	[sflag:s25] =	ssyncset.done $0x0  }
0x1b5: {  	s13 =	rddreg [dreg:$0x11];
	[sflag:s25] =	ssyncadd.s32 $0xFFFFE000  }
0x1b6: {  	[tilespmem:s21], [sflag:$0x4] =	stream.indirect.gather [spmem:s2], $0x80, s13, s18, $0xb8;
	[tilespmem:$0x1E000] =	vst v63  }
0x1b7: {  	_ =	swait.ge [sflag:s22], $0x2000  }
0x1b8: {  	[sflag:s22] =	ssyncset.done $0x0  }
0x1b9: {  	s13 =	rddreg [dreg:$0x12];
	[sflag:s22] =	ssyncadd.s32 $0xFFFFE000  }
0x1ba: {  	[tilespmem:s16], [sflag:$0x1] =	stream.indirect.gather [spmem:s2], $0x80, s13, s18, $0xb8;
	[tilespmem:$0x1E000] =	vst v63  }
0x1bb: {  	_ =	swait.ge [sflag:s23], $0x2000  }
0x1bc: {  	[sflag:s23] =	ssyncset.done $0x0  }
0x1bd: {  	s13 =	rddreg [dreg:$0x13];
	[sflag:s23] =	ssyncadd.s32 $0xFFFFE000  }
0x1be: {  	[tilespmem:s19], [sflag:$0x2] =	stream.indirect.gather [spmem:s2], $0x80, s13, s18, $0xb8;
	[tilespmem:$0x1E000] =	vst v63  }
0x1bf: {  	_ =	swait.ge [sflag:s24], $0x2000  }
0x1c0: {  	[sflag:s24] =	ssyncset.done $0x0  }
0x1c1: {  	s13 =	rddreg [dreg:$0x14];
	[sflag:s24] =	ssyncadd.s32 $0xFFFFE000  }
0x1c2: {  	[tilespmem:s20], [sflag:$0x3] =	stream.indirect.gather [spmem:s2], $0x80, s13, s18, $0xb8;
	[tilespmem:$0x1E000] =	vst v63  }
0x1c3: {  	_ =	swait.ge [sflag:s25], $0x2000  }
0x1c4: {  	[sflag:s25] =	ssyncset.done $0x0  }
0x1c5: {  	s13 =	rddreg [dreg:$0x15];
	[sflag:s25] =	ssyncadd.s32 $0xFFFFE000  }
0x1c6: {  	[tilespmem:s21], [sflag:$0x4] =	stream.indirect.gather [spmem:s2], $0x80, s13, s18, $0xb8;
	[tilespmem:$0x1E000] =	vst v63  }
0x1c7: {  	_ =	swait.ge [sflag:s22], $0x2000  }
0x1c8: {  	[sflag:s22] =	ssyncset.done $0x0  }
0x1c9: {  	s13 =	rddreg [dreg:$0x16];
	[sflag:s22] =	ssyncadd.s32 $0xFFFFE000  }
0x1ca: {  	[tilespmem:s16], [sflag:$0x1] =	stream.indirect.gather [spmem:s2], $0x80, s13, s18, $0xb8;
	[tilespmem:$0x1E000] =	vst v63  }
0x1cb: {  	_ =	swait.ge [sflag:s23], $0x2000  }
0x1cc: {  	[sflag:s23] =	ssyncset.done $0x0  }
0x1cd: {  	s26 =	simm.s32 $0x880;
	[sflag:s23] =	ssyncadd.s32 $0xFFFFE000  }
0x1ce: {  	[tilespmem:s19], [sflag:$0x2] =	stream.indirect.gather [spmem:s2], $0x80, s26, s18, $0xb8;
	[tilespmem:$0x1E000] =	vst v63  }
0x1cf: {  	_ =	swait.ge [sflag:s24], $0x2000  }
0x1d0: {  	[sflag:s24] =	ssyncset.done $0x0  }
0x1d1: {  	[sflag:s24] =	ssyncadd.s32 $0xFFFFE000  }
0x1d2: {  	[tilespmem:s20], [sflag:$0x3] =	stream.indirect.gather [spmem:s2], $0x80, s28, s18, $0xb8;
	[tilespmem:$0x1E000] =	vst v63  }
0x1d3: {  	_ =	swait.ge [sflag:s25], $0x2000  }
0x1d4: {  	[sflag:s25] =	ssyncset.done $0x0  }
0x1d5: {  	[sflag:s25] =	ssyncadd.s32 $0xFFFFE000  }
0x1d6: {  	[tilespmem:s21], [sflag:$0x4] =	stream.indirect.gather [spmem:s2], $0x80, s29, s18, $0xb8;
	[tilespmem:$0x1E000] =	vst v63  }
0x1d7: {  	_ =	swait.ge [sflag:s22], $0x2000  }
0x1d8: {  	[sflag:s22] =	ssyncset.done $0x0  }
0x1d9: {  	[sflag:s22] =	ssyncadd.s32 $0xFFFFE000  }
0x1da: {  	[tilespmem:s16], [sflag:$0x1] =	stream.indirect.gather [spmem:s2], $0x80, s30, s18, $0xb8;
	[tilespmem:$0x1E000] =	vst v63  }
0x1db: {  	_ =	swait.ge [sflag:s23], $0x2000  }
0x1dc: {  	[sflag:s23] =	ssyncset.done $0x0  }
0x1dd: {  	[sflag:s23] =	ssyncadd.s32 $0xFFFFE000  }
0x1de: {  	[tilespmem:s19], [sflag:$0x2] =	stream.indirect.gather [spmem:s2], $0x80, s31, s18, $0xb8;
	[tilespmem:$0x1E000] =	vst v63  }
0x1df: {  	_ =	swait.ge [sflag:s24], $0x2000  }
0x1e0: {  	[sflag:s24] =	ssyncset.done $0x0  }
0x1e1: {  	[sflag:s24] =	ssyncadd.s32 $0xFFFFE000  }
0x1e2: {  	[tilespmem:s20], [sflag:$0x3] =	stream.indirect.gather [spmem:s2], $0x80, s1, s18, $0xb8;
	[tilespmem:$0x1E000] =	vst v63  }
0x1e3: {  	_ =	swait.ge [sflag:s25], $0x2000  }
0x1e4: {  	[sflag:s25] =	ssyncset.done $0x0  }
0x1e5: {  	[sflag:s25] =	ssyncadd.s32 $0xFFFFE000  }
0x1e6: {  	[tilespmem:s21], [sflag:$0x4] =	stream.indirect.gather [spmem:s2], $0x80, s0, s18, $0xb8;
	[tilespmem:$0x1E000] =	vst v63  }
0x1e7: {  	_ =	swait.ge [sflag:s22], $0x2000  }
0x1e8: {  	[sflag:s22] =	ssyncset.done $0x0  }
0x1e9: {  	[sflag:s22] =	ssyncadd.s32 $0xFFFFE000  }
0x1ea: {  	[tilespmem:s16], [sflag:$0x1] =	stream.indirect.gather [spmem:s2], $0x80, s5, s18, $0xb8;
	[tilespmem:$0x1E000] =	vst v63  }
0x1eb: {  	_ =	swait.ge [sflag:s23], $0x2000  }
0x1ec: {  	[sflag:s23] =	ssyncset.done $0x0  }
0x1ed: {  	[sflag:s23] =	ssyncadd.s32 $0xFFFFE000  }
0x1ee: {  	[tilespmem:s19], [sflag:$0x2] =	stream.indirect.gather [spmem:s2], $0x80, s6, s18, $0xb8;
	[tilespmem:$0x1E000] =	vst v63  }
0x1ef: {  	_ =	swait.ge [sflag:s24], $0x2000  }
0x1f0: {  	[sflag:s24] =	ssyncset.done $0x0  }
0x1f1: {  	[sflag:s24] =	ssyncadd.s32 $0xFFFFE000  }
0x1f2: {  	[tilespmem:s20], [sflag:$0x3] =	stream.indirect.gather [spmem:s2], $0x80, s7, s18, $0xb8;
	[tilespmem:$0x1E000] =	vst v63  }
0x1f3: {  	_ =	swait.ge [sflag:s25], $0x2000  }
0x1f4: {  	[sflag:s25] =	ssyncset.done $0x0  }
0x1f5: {  	[sflag:s25] =	ssyncadd.s32 $0xFFFFE000  }
0x1f6: {  	[tilespmem:s21], [sflag:$0x4] =	stream.indirect.gather [spmem:s2], $0x80, s8, s18, $0xb8;
	[tilespmem:$0x1E000] =	vst v63  }
0x1f7: {  	_ =	swait.ge [sflag:s22], $0x2000  }
0x1f8: {  	[sflag:s22] =	ssyncset.done $0x0  }
0x1f9: {  	[sflag:s22] =	ssyncadd.s32 $0xFFFFE000  }
0x1fa: {  	[tilespmem:s16], [sflag:$0x1] =	stream.indirect.gather [spmem:s2], $0x80, s9, s18, $0xb8;
	[tilespmem:$0x1E000] =	vst v63  }
0x1fb: {  	_ =	swait.ge [sflag:s23], $0x2000  }
0x1fc: {  	[sflag:s23] =	ssyncset.done $0x0  }
0x1fd: {  	[sflag:s23] =	ssyncadd.s32 $0xFFFFE000  }
0x1fe: {  	[tilespmem:s19], [sflag:$0x2] =	stream.indirect.gather [spmem:s2], $0x80, s10, s18, $0xb8;
	[tilespmem:$0x1E000] =	vst v63  }
0x1ff: {  	_ =	swait.ge [sflag:s24], $0x2000  }
0x200: {  	[sflag:s24] =	ssyncset.done $0x0  }
0x201: {  	[sflag:s24] =	ssyncadd.s32 $0xFFFFE000  }
0x202: {  	[tilespmem:s20], [sflag:$0x3] =	stream.indirect.gather [spmem:s2], $0x80, s11, s18, $0xb8;
	[tilespmem:$0x1E000] =	vst v63  }
0x203: {  	_ =	swait.ge [sflag:s25], $0x2000  }
0x204: {  	[sflag:s25] =	ssyncset.done $0x0  }
0x205: {  	[sflag:s25] =	ssyncadd.s32 $0xFFFFE000  }
0x206: {  	[tilespmem:s21], [sflag:$0x4] =	stream.indirect.gather [spmem:s2], $0x80, s12, s18, $0xb8;
	[tilespmem:$0x1E000] =	vst v63  }
0x207: {  	_ =	swait.ge [sflag:s22], $0x2000  }
0x208: {  	[sflag:s22] =	ssyncset.done $0x0  }
0x209: {  	[sflag:s22] =	ssyncadd.s32 $0xFFFFE000  }
0x20a: {  	_ =	swait.ge [sflag:s23], $0x2000  }
0x20b: {  	[sflag:s23] =	ssyncset.done $0x0  }
0x20c: {  	p1 =	sne.s32 s15, $0x1200;
	[sflag:s23] =	ssyncadd.s32 $0xFFFFE000  }
.Ltmp4:
0x20d: {  	_ =	swait.ge [sflag:s24], $0x2000;
	(pc) =	sbr.rel @p1 .LBB2_5-.Ltmp4, $4  }
0x20e: {  	[sflag:s24] =	ssyncset.done $0x0  }
0x20f: {  	[sflag:s24] =	ssyncadd.s32 $0xFFFFE000  }
0x210: {  	_ =	swait.ge [sflag:s25], $0x2000  }
0x211: {  	s15 =	sadd.s32 $0x200, s15;
	s4 =	rddreg [dreg:$0x5];
	[sflag:s25] =	ssyncset.done $0x0  }
.Ltmp5:
0x212: {  	_ = 	snop;
	(pc) =	sbr.rel .LBB2_6-.Ltmp5, $1  }
0x213: {  	_ =	sdelay $0x3  }
.LBB2_8:
0x214: {  	_ =	sfence.sel $0x180000  }
0x215: {  	[bflag:$0x0] =	sbarrier.arrive $0xFFFF  }
0x216: {  	_ =	strace $0x9000004A  }
0x217: {  	[bflag:$0x2] =	sbarrier.arrive $0xFFFF  }
0x218: {  	p0 =	sne.s32 s26, $0x0;
	s0 =	rddreg [dreg:$0x3]  }
0x219: {  	s0 =	sadd.s32 @!p0 $0x100000, s0  }
0x21a: {  	[sflag:s0] =	ssyncadd.tile.s32 @!p0 $0x1;
	_ =	shalt  }
.Lfunc_end2:
_tile_overlayer_lowered:
.L_overlay_start_2:
0x21b: {  	(tag) =	ssettag $0x2  }
0x21c: {  	s0 =	rddreg [dreg:$0x0];
	s2 =	stileid.u32  }
0x21d: {  	s1 =	rddreg [dreg:$0x1];
	p0 =	sne.s32 s2, $0x0  }
0x21e: {  	s3 =	rddreg [dreg:$0x2];
	[bflag:$0x3] =	sbarrier.arrive $0xFFFF;
	s2 =	simm.s32 @!p0 $0x1C05  }
0x21f: {  	[timem:s3], [sflag:s2] =	dma.local @!p0 [hbm:s0], s1  }
0x220: {  	s0 =	simm.s32 @!p0 $0x5  }
0x221: {  	_ =	swait.ge @!p0 [sflag:s0], s1  }
0x222: {  	s1 =	ssub.s32 @!p0 $0x0, s1;
	[sflag:s0] =	ssyncset.done @!p0 $0x0  }
0x223: {  	[sflag:s0] =	ssyncadd.s32 @!p0 s1  }
0x224: {  	[bflag:$0x3] =	sbarrier.arrive $0xFFFF  }
0x225: {  	_ =	shalt  }

// kernel: kernel.7.cloned.1.call-start
scs
__scs_entry_jumppad:
0x0: {  	(pc) =	sbr.rel $0x88, $3  }
0x1: {  	(tag) =	ssettag $0x0;
	lr =	simm.s32 $0x1  }
0x2: {  	[smem:$0x3F99] =	sst lr;
	_ =	strace $0xD0000000  }
0x3: {  	_ = 	snop  }
0x4: {  	_ = 	snop  }
0x5: {  	_ = 	snop  }
0x6: {  	_ = 	snop  }
0x7: {  	_ = 	snop  }
__scs_overlays_trampoline_lowered:
0x8: {  	[smem:$0x3FA8] =	sst s0  }
0x9: {  	[smem:$0x3FA9] =	sst s1  }
0xa: {  	[smem:$0x3FAA] =	sst s2  }
0xb: {  	[smem:$0x3FAB] =	sst s3  }
0xc: {  	[smem:$0x3FAC] =	sst s4  }
0xd: {  	[smem:$0x3FAD] =	sst s5  }
0xe: {  	[smem:$0x3FAE] =	sst s6  }
0xf: {  	[smem:$0x3FAF] =	sst s7  }
0x10: {  	[smem:$0x3FB0] =	sst s8  }
0x11: {  	[smem:$0x3FB1] =	sst s9;
	s0 =	simm.s32 @!p0 $0x0  }
0x12: {  	s1 =	sld [smem:$0x3F97];
	s0 =	simm.s32 @p0 $0x1  }
0x13: {  	[smem:$0x3FB2] =	sst s0;
	s0 =	simm.s32 @!p1 $0x0  }
0x14: {  	s2 =	sld [smem:$0x3F96];
	s0 =	simm.s32 @p1 $0x1  }
0x15: {  	[smem:$0x3FB3] =	sst s0;
	s0 =	simm.s32 @!p2 $0x0  }
0x16: {  	s3 =	sld [smem:$0x3FDB];
	s0 =	simm.s32 @p2 $0x1  }
0x17: {  	s4 =	simm.s32 $0x1BF5;
	[smem:$0x3FB5] =	sst s0  }
0x18: {  	s0 =	sld [smem:$0x3F98];
	_ =	swait.ge [sflag:s4], $0x0  }
0x19: {  	s7 =	sld [smem:$0x3F99]  }
0x1a: {  	s8 =	sadd.s32 $0xFFFFE003, lr  }
0x1b: {  	s9 =	sadd.s32 $0xFFFFFEF7, lr;
	s5 =	simm.s32 $0xFFFFFFFF;
	p2 =	slt.u32 s8, $0xFFFFF086  }
0x1c: {  	p1 =	slt.u32 s9, $0xF7A;
	s5 =	simm.s32 @!p2 $0x0  }
0x1d: {  	s5 =	simm.s32 @p1 $0x1;
	p0 =	seq.s32 s7, s2  }
0x1e: {  	s7 =	smul.u32 @!p0 $0xF7A, s2;
	p2 =	seq.s32 @!p0 s5, $0x0  }
0x1f: {  	s9 =	smul.u32 $0xF7A, s1;
	s8 =	simm.s32 @!p0 $0x1BF5;
	p2 =	por !p2, p0  }
0x20: {  	[sflag:s8] =	ssyncset.s32 @!p0 $0xFFFFF086;
	s6 =	sadd.s32 @!p0 s3, s7;
	s7 =	simm.s32 @!p0 $0x108  }
0x21: {  	s3 =	sadd.s32 s3, s9;
	s6 =	sadd.s32 @!p0 $0x88, s6;
	s7 =	simm.s32 @p2 $0x1082  }
0x22: {  	[simem:s7], [sflag:s8] =	dma.local @!p0 [hbm:s6], $0xF7A  }
0x23: {  	s9 =	sor.u32 $0xD0000000, s2;
	s6 =	simm.s32 $0x108;
	_ =	swait.ge @!p0 [sflag:s8], $0x0  }
0x24: {  	s3 =	sadd.s32 $0x88, s3;
	s6 =	simm.s32 @!p1 $0x1082;
	[sflag:s4] =	ssyncset.s32 $0xFFFFF086  }
0x25: {  	[simem:s6], [sflag:s4] =	dma.local [hbm:s3], $0xF7A  }
0x26: {  	[smem:$0x3F99] =	sst s1;
	(tag) =	ssettag s2;
	_ =	strace s9  }
0x27: {  	s1 =	sld [smem:$0x3FA9]  }
0x28: {  	s2 =	sld [smem:$0x3FAA]  }
0x29: {  	s4 =	sld [smem:$0x3FAC]  }
0x2a: {  	p0 =	seq.s32 s5, $0x0;
	s5 =	sld [smem:$0x3FAD]  }
0x2b: {  	s6 =	sld [smem:$0x3FAE]  }
0x2c: {  	s7 =	sld [smem:$0x3FAF]  }
0x2d: {  	s3 =	simm.s32 $0x108;
	s8 =	sld [smem:$0x3FB0]  }
0x2e: {  	s3 =	simm.s32 @!p0 $0x1082;
	s9 =	sld [smem:$0x3FB1]  }
0x2f: {  	lr =	sadd.s32 s0, s3;
	s0 =	sld [smem:$0x3FA8]  }
0x30: {  	s3 =	sld [smem:$0x3FAB]  }
0x31: {  	[smem:$0x3FB4] =	sst s10  }
0x32: {  	s10 =	sld [smem:$0x3FB2];
	_ =	sdelay $0x3  }
0x33: {  	p0 =	seq.s32 s10, $0x1;
	s10 =	sld [smem:$0x3FB4];
	_ =	sdelay $0x3  }
0x34: {  	[smem:$0x3FB4] =	sst s10  }
0x35: {  	s10 =	sld [smem:$0x3FB3];
	_ =	sdelay $0x3  }
0x36: {  	p1 =	seq.s32 s10, $0x1;
	s10 =	sld [smem:$0x3FB4];
	_ =	sdelay $0x3  }
0x37: {  	[smem:$0x3FB4] =	sst s10  }
0x38: {  	s10 =	sld [smem:$0x3FB5]  }
0x39: {  	_ = 	snop;
	(pc) =	sbr.ind lr, $3  }
0x3a: {  	_ = 	snop  }
0x3b: {  	_ = 	snop  }
0x3c: {  	p2 =	seq.s32 s10, $0x1;
	s10 =	sld [smem:$0x3FB4]  }
0x3d: {  	_ =	shalt  }
0x3e: {  	_ =	shalt  }
0x3f: {  	_ =	shalt  }
0x40: {  	_ =	shalt  }
0x41: {  	_ =	shalt  }
0x42: {  	_ =	shalt  }
0x43: {  	_ =	shalt  }
0x44: {  	_ =	shalt  }
0x45: {  	_ =	shalt  }
0x46: {  	_ =	shalt  }
0x47: {  	_ =	shalt  }
0x48: {  	_ =	shalt  }
0x49: {  	_ =	shalt  }
0x4a: {  	_ =	shalt  }
0x4b: {  	_ =	shalt  }
0x4c: {  	_ =	shalt  }
0x4d: {  	_ =	shalt  }
0x4e: {  	_ =	shalt  }
0x4f: {  	_ =	shalt  }
0x50: {  	_ =	shalt  }
0x51: {  	_ =	shalt  }
0x52: {  	_ =	shalt  }
0x53: {  	_ =	shalt  }
0x54: {  	_ =	shalt  }
0x55: {  	_ =	shalt  }
0x56: {  	_ =	shalt  }
0x57: {  	_ =	shalt  }
0x58: {  	_ =	shalt  }
0x59: {  	_ =	shalt  }
0x5a: {  	_ =	shalt  }
0x5b: {  	_ =	shalt  }
0x5c: {  	_ =	shalt  }
0x5d: {  	_ =	shalt  }
0x5e: {  	_ =	shalt  }
0x5f: {  	_ =	shalt  }
0x60: {  	_ =	shalt  }
0x61: {  	_ =	shalt  }
0x62: {  	_ =	shalt  }
0x63: {  	_ =	shalt  }
0x64: {  	_ =	shalt  }
0x65: {  	_ =	shalt  }
0x66: {  	_ =	shalt  }
0x67: {  	_ =	shalt  }
0x68: {  	_ =	shalt  }
0x69: {  	_ =	shalt  }
0x6a: {  	_ =	shalt  }
0x6b: {  	_ =	shalt  }
0x6c: {  	_ =	shalt  }
0x6d: {  	_ =	shalt  }
0x6e: {  	_ =	shalt  }
0x6f: {  	_ =	shalt  }
0x70: {  	_ =	shalt  }
0x71: {  	_ =	shalt  }
0x72: {  	_ =	shalt  }
0x73: {  	_ =	shalt  }
0x74: {  	_ =	shalt  }
0x75: {  	_ =	shalt  }
0x76: {  	_ =	shalt  }
0x77: {  	_ =	shalt  }
0x78: {  	_ =	shalt  }
0x79: {  	_ =	shalt  }
0x7a: {  	_ =	shalt  }
0x7b: {  	_ =	shalt  }
0x7c: {  	_ =	shalt  }
0x7d: {  	_ =	shalt  }
0x7e: {  	_ =	shalt  }
0x7f: {  	_ =	shalt  }
0x80: {  	_ =	shalt  }
0x81: {  	_ =	shalt  }
0x82: {  	_ =	shalt  }
0x83: {  	_ =	shalt  }
0x84: {  	_ =	shalt  }
0x85: {  	_ =	shalt  }
0x86: {  	_ =	shalt  }
0x87: {  	_ =	shalt  }
.Lfunc_end0:
.L_simem_size_0:
called_computation_lowered:
.L_overlay_start_0:
0x88: {  	s2 =	sld [smem:$0x3FD9]  }
0x89: {  	s3 =	sld [smem:$0x3FFE];
	_ =	sdelay $0x1  }
0x8a: {  	s1 =	srdreg.scid  }
0x8b: {  	s0 =	sand.u32 $0x1, s1  }
0x8c: {  	s16 =	sshll.u32 s0, $0xA;
	s2 =	sadd.s32 s3, s2  }
0x8d: {  	s2 =	sadd.s32 s2, s16  }
0x8e: {  	[smem:$0x3FC0] =	sst s2  }
0x8f: {  	_ = 	snop  }
0x90: {  	(tm) =	ssettm $0x1  }
0x91: {  	s17 =	sld [smem:$0x3FFB];
	_ =	sdelay $0x3  }
0x92: {  	_ =	strace s17  }
0x93: {  	s2 =	sld [smem:$0x3FFC];
	_ =	sdelay $0x3  }
0x94: {  	_ =	strace s2  }
0x95: {  	s2 =	sld [smem:$0x3FFD];
	_ =	sdelay $0x3  }
0x96: {  	_ =	strace s2  }
0x97: {  	_ =	strace $0x8FFFFFFF  }
0x98: {  	s18 =	sld [smem:$0x3FDB];
	_ =	sdelay $0x1  }
0x99: {  	s19 =	simm.s32 $_scs_section_size  }
0x9a: {  	s4 =	simm.s32 $_size__tile_overlayer_lowered;
	s5 =	simm.s32 $_tile_overlayer_lowered  }
0x9b: {  	s22 =	simm.s32 $0x1BFF;
	s21 =	sshll.u32 s5, $0x1;
	s2 =	sadd.s32 s19, s18  }
0x9c: {  	s6 =	simm.s32 $0x0;
	s20 =	sshll.u32 s4, $0x1;
	s4 =	sadd.s32 s21, s2  }
0x9d: {  	[timem:s6], [sflag:s22] =	dma.local [hbm:s4], s20  }
0x9e: {  	_ =	swait.ge [sflag:s22], s20  }
0x9f: {  	s3 =	ssub.s32 $0x0, s20;
	[sflag:s22] =	ssyncset.done $0x0  }
0xa0: {  	[sflag:s22] =	ssyncadd.s32 s3;
	_ =	sdelay $0x1  }
0xa1: {  	s23 =	simm.s32 $0x1B8B  }
0xa2: {  	_ =	swait.ge [sflag:s23], $0x1  }
0xa3: {  	[sflag:s23] =	ssyncset.done $0x0  }
0xa4: {  	s25 =	simm.s32 $0x1B8E;
	s24 =	sld [smem:$0x3FFE];
	[sflag:s23] =	ssyncadd.s32 $0xFFFFFFFF  }
0xa5: {  	s26 =	simm.s32 $execute0_lowered;
	[smem:$0x3FD2] =	sst s25  }
0xa6: {  	s4 =	sshll.u32 s26, $0x1;
	_ =	strace $0x80000046;
	[dreg:$0x1] =	wrdreg $0xFFFFFFFF  }
0xa7: {  	s28 =	simm.s32 $_size_execute0_lowered;
	s2 =	sadd.s32 s2, s4;
	[dreg:$0x0] =	wrdreg $0x0  }
0xa8: {  	s4 =	sshll.u32 s28, $0x1;
	[dreg:$0x2] =	wrdreg s2  }
0xa9: {  	[dreg:$0x3] =	wrdreg s4  }
0xaa: {  	[dreg:$0x4] =	wrdreg $0xC0  }
0xab: {  	_ =	task [dreg:s6], $0x5FFFF  }
0xac: {  	[dreg:$0x1] =	wrdreg $0xFFFFFFFF  }
0xad: {  	[dreg:$0x0] =	wrdreg $0x60  }
0xae: {  	[dreg:$0x2] =	wrdreg s24  }
0xaf: {  	[dreg:$0x3] =	wrdreg $0x50000  }
0xb0: {  	[dreg:$0x4] =	wrdreg $0x9  }
0xb1: {  	_ =	task.clear_ibuf [dreg:s6], $0x5FFFF;
	_ =	strace $0x90000046  }
0xb2: {  	s29 =	simm.s32 $0x9;
	_ =	strace $0x80000048  }
0xb3: {  	_ =	swait.ge [sflag:s29], $0x1  }
0xb4: {  	[sflag:s29] =	ssyncadd.s32 $0xFFFFFFFF  }
0xb5: {  	_ =	strace $0x90000048  }
0xb6: {  	_ =	sfence  }
0xb7: {  	s30 =	sld [smem:$0x0];
	_ =	sdelay $0x2  }
0xb8: {  	s31 =	sshll.u32 s1, $0xD;
	s1 =	sshrl.u32 s1, $0x2  }
0xb9: {  	s3 =	sand.u32 $0x4000, s31;
	s1 =	sadd.s32 s1, s30  }
0xba: {  	s0 =	sor.u32 s3, s0;
	s1 =	sshll.u32 s1, $0x11  }
0xbb: {  	s0 =	sor.u32 s1, s0  }
0xbc: {  	s0 =	sadd.s32 $0x8F2B, s0  }
0xbd: {  	[sflag:s0] =	ssyncadd.remote.s32 $0x1  }
0xbe: {  	_ =	sfence.sel $0xFFFF  }
0xbf: {  	[dreg:$0x0] =	wrdreg $0xFFFFFFFF;
	(pc) =	sbr.abs _section_cstart, $3  }
0xc0: {  	[dreg:$0x1] =	wrdreg $0xFFFFFFFF  }
0xc1: {  	_ =	task.clear_ibuf [dreg:s6], $0x2FFFF;
	_ =	strace $0x9FFFFFFF  }
0xc2: {  	(tm) =	ssettm $0x7FFFFFFF  }
0xc3: {  	_ =	shalt  }
tec
execute0_lowered:
.L_overlay_start_1:
0x0: {  	(tag) =	ssettag $0x1  }
0x1: {  	s0 =	rddreg [dreg:$0x0];
	s7 =	stileid.u32  }
0x2: {  	s1 =	srdreg.scid;
	s2 =	rddreg [dreg:$0x1];
	s3 =	simm.s32 $0x0  }
0x3: {  	s15 =	simm.s32 $0x80;
	s17 =	simm.s32 $0x100;
	s19 =	simm.s32 $0x180  }
0x4: {  	s20 =	simm.s32 $0x200;
	s21 =	simm.s32 $0x280;
	[smem:$0x7FF] =	sst s3  }
0x5: {  	s23 =	simm.s32 $0x300;
	_ =	strace $0x80000047;
	[dreg:$0x4] =	wrdreg s15  }
0x6: {  	s24 =	simm.s32 $0x380;
	s25 =	simm.s32 $0x400;
	[dreg:$0x5] =	wrdreg s17  }
0x7: {  	s28 =	simm.s32 $0x880;
	s29 =	simm.s32 $0x900;
	[dreg:$0x6] =	wrdreg s19  }
0x8: {  	s30 =	simm.s32 $0x980;
	s4 =	smul.u32 $0x1400, s7;
	[dreg:$0x7] =	wrdreg s20  }
0x9: {  	s31 =	simm.s32 $0xA00;
	s6 =	smul.u32 $0x14000, s7;
	[dreg:$0x8] =	wrdreg s21  }
0xa: {  	s1 =	sand.u32 $0x1, s1;
	s7 =	smul.u32 $0x50000, s7;
	[dreg:$0x9] =	wrdreg s23  }
0xb: {  	s5 =	smul.u32 $0x140000, s1;
	s26 =	ssub.s32 $0x2, s1;
	[dreg:$0xa] =	wrdreg s24  }
0xc: {  	p0 =	sne.s32 s1, $0x0;
	s17 =	simm.s32 $0x2;
	[dreg:$0xb] =	wrdreg s25  }
0xd: {  	s19 =	simm.s32 $0x1000;
	s21 =	simm.s32 $0x580;
	s4 =	sadd.s32 s4, s0  }
0xe: {  	s23 =	simm.s32 $0x680;
	s7 =	sshrl.u32 s7, $0x2;
	s4 =	sadd.s32 $0x1E00, s4  }
0xf: {  	s8 =	sshrl.u32 s26, $0x1;
	s9 =	sadd.s32 s7, s2;
	[dreg:$0x3] =	wrdreg s4  }
0x10: {  	s8 =	ssub.s32 s26, s8;
	s26 =	simm.s32 $0x480;
	[dreg:$0xd] =	wrdreg s9  }
0x11: {  	s24 =	simm.s32 $0x700;
	s7 =	sadd.s32 $0x2000, s9;
	[dreg:$0xc] =	wrdreg s26  }
0x12: {  	s25 =	simm.s32 $0x780;
	s10 =	sadd.s32 $0x4000, s9;
	[dreg:$0xe] =	wrdreg s7  }
0x13: {  	s1 =	simm.s32 $0xA80;
	s11 =	sadd.s32 $0x6000, s9;
	[dreg:$0xf] =	wrdreg s10  }
0x14: {  	s20 =	simm.s32 $0x0;
	s12 =	sadd.s32 $0x8000, s9;
	[dreg:$0x10] =	wrdreg s11  }
0x15: {  	s5 =	sadd.s32 s6, s5;
	s13 =	sadd.s32 $0xA000, s9;
	[dreg:$0x11] =	wrdreg s12  }
0x16: {  	s5 =	sshrl.u32 s5, $0x3;
	s14 =	sadd.s32 $0xC000, s9;
	[dreg:$0x12] =	wrdreg s13  }
0x17: {  	s16 =	sadd.s32 $0xE000, s9;
	s18 =	sadd.s32 $0x10000, s9;
	[dreg:$0x13] =	wrdreg s14  }
0x18: {  	s6 =	sadd.s32 $0x12000, s9;
	s22 =	smax.u32 s8, $0x1;
	[dreg:$0x14] =	wrdreg s16  }
0x19: {  	s26 =	simm.s32 $0x800;
	s8 =	simm.s32 $0xD00;
	[dreg:$0x15] =	wrdreg s18  }
0x1a: {  	s9 =	simm.s32 $0xD80;
	s0 =	sadd.s32 s5, s0;
	[dreg:$0x16] =	wrdreg s6  }
.Ltmp0:
0x1b: {  	[dreg:$0x18] =	wrdreg s22;
	s18 =	simm.s32 $0x40;
	(pc) =	sbr.rel .LBB2_1-.Ltmp0, $4  }
0x1c: {  	s22 =	simm.s32 $0x600;
	s5 =	simm.s32 $0xB80;
	s6 =	simm.s32 $0xC00  }
0x1d: {  	s7 =	simm.s32 $0xC80;
	s10 =	simm.s32 $0xE00;
	s11 =	simm.s32 $0xE80  }
0x1e: {  	s12 =	simm.s32 $0xF00;
	s13 =	simm.s32 $0xF80;
	s0 =	sadd.s32 $0x15E00, s0  }
0x1f: {  	v0 =	vimm.f32 $1.000000000e+00;
	v1 =	vimm.f32 $0.0e+00;
	s14 =	simm.s32 $0x1;
	[dreg:$0x17] =	wrdreg s0;
	s0 =	simm.s32 $0xB00  }
.LBB2_6:
0x20: {  	[sflag:s14] =	ssyncadd.s32 $0xFFFFFE00;
	s4 =	sadd.s32 s4, s15  }
0x21: {  	[tilespmem:s3], [sflag:$0x2] =	stream.linear.gather [hbm4b:s4+s3], $0x1000, $0x38;
	[tilespmem:$0x6400] =	vst v63  }
0x22: {  	_ =	swait.ge [sflag:s17], $0x1000  }
0x23: {  	[sflag:s17] =	ssyncset.done $0x0  }
0x24: {  	[sflag:s17] =	ssyncadd.s32 $0xFFFFF000  }
0x25: {  	[spmem:s2] =	stream.indirect.scatter.add.f32 [tilespmem:s19], [sflag:$0x1], $0x8, s3, s18, $0xb8;
	[tilespmem:$0x6400] =	vst v63  }
0x26: {  	s16 =	rddreg [dreg:$0x4]  }
0x27: {  	[spmem:s2] =	stream.indirect.scatter.add.f32 [tilespmem:s19], [sflag:$0x1], $0x8, s16, s18, $0xb8;
	[tilespmem:$0x6400] =	vst v63  }
0x28: {  	s15 =	rddreg [dreg:$0x5]  }
0x29: {  	[spmem:s2] =	stream.indirect.scatter.add.f32 [tilespmem:s19], [sflag:$0x1], $0x8, s15, s18, $0xb8;
	[tilespmem:$0x6400] =	vst v63  }
0x2a: {  	s16 =	rddreg [dreg:$0x6]  }
0x2b: {  	[spmem:s2] =	stream.indirect.scatter.add.f32 [tilespmem:s19], [sflag:$0x1], $0x8, s16, s18, $0xb8;
	[tilespmem:$0x6400] =	vst v63  }
0x2c: {  	s15 =	rddreg [dreg:$0x7]  }
0x2d: {  	[spmem:s2] =	stream.indirect.scatter.add.f32 [tilespmem:s19], [sflag:$0x1], $0x8, s15, s18, $0xb8;
	[tilespmem:$0x6400] =	vst v63  }
0x2e: {  	s16 =	rddreg [dreg:$0x8]  }
0x2f: {  	[spmem:s2] =	stream.indirect.scatter.add.f32 [tilespmem:s19], [sflag:$0x1], $0x8, s16, s18, $0xb8;
	[tilespmem:$0x6400] =	vst v63  }
0x30: {  	s15 =	rddreg [dreg:$0x9]  }
0x31: {  	[spmem:s2] =	stream.indirect.scatter.add.f32 [tilespmem:s19], [sflag:$0x1], $0x8, s15, s18, $0xb8;
	[tilespmem:$0x6400] =	vst v63  }
0x32: {  	s16 =	rddreg [dreg:$0xa]  }
0x33: {  	[spmem:s2] =	stream.indirect.scatter.add.f32 [tilespmem:s19], [sflag:$0x1], $0x8, s16, s18, $0xb8;
	[tilespmem:$0x6400] =	vst v63  }
0x34: {  	s15 =	rddreg [dreg:$0xb]  }
0x35: {  	[spmem:s2] =	stream.indirect.scatter.add.f32 [tilespmem:s19], [sflag:$0x1], $0x8, s15, s18, $0xb8;
	[tilespmem:$0x6400] =	vst v63  }
0x36: {  	s16 =	rddreg [dreg:$0xc]  }
0x37: {  	[spmem:s2] =	stream.indirect.scatter.add.f32 [tilespmem:s19], [sflag:$0x1], $0x8, s16, s18, $0xb8;
	[tilespmem:$0x6400] =	vst v63  }
0x38: {  	_ = 	snop  }
0x39: {  	[spmem:s2] =	stream.indirect.scatter.add.f32 [tilespmem:s19], [sflag:$0x1], $0x8, s20, s18, $0xb8;
	[tilespmem:$0x6400] =	vst v63  }
0x3a: {  	_ = 	snop  }
0x3b: {  	[spmem:s2] =	stream.indirect.scatter.add.f32 [tilespmem:s19], [sflag:$0x1], $0x8, s21, s18, $0xb8;
	[tilespmem:$0x6400] =	vst v63  }
0x3c: {  	_ = 	snop  }
0x3d: {  	[spmem:s2] =	stream.indirect.scatter.add.f32 [tilespmem:s19], [sflag:$0x1], $0x8, s22, s18, $0xb8;
	[tilespmem:$0x6400] =	vst v63  }
0x3e: {  	_ = 	snop  }
0x3f: {  	[spmem:s2] =	stream.indirect.scatter.add.f32 [tilespmem:s19], [sflag:$0x1], $0x8, s23, s18, $0xb8;
	[tilespmem:$0x6400] =	vst v63  }
0x40: {  	_ = 	snop  }
0x41: {  	[spmem:s2] =	stream.indirect.scatter.add.f32 [tilespmem:s19], [sflag:$0x1], $0x8, s24, s18, $0xb8;
	[tilespmem:$0x6400] =	vst v63  }
0x42: {  	_ = 	snop  }
0x43: {  	[spmem:s2] =	stream.indirect.scatter.add.f32 [tilespmem:s19], [sflag:$0x1], $0x8, s25, s18, $0xb8;
	[tilespmem:$0x6400] =	vst v63  }
0x44: {  	_ = 	snop  }
0x45: {  	[spmem:s2] =	stream.indirect.scatter.add.f32 [tilespmem:s19], [sflag:$0x1], $0x8, s26, s18, $0xb8;
	[tilespmem:$0x6400] =	vst v63  }
0x46: {  	_ = 	snop  }
0x47: {  	[spmem:s2] =	stream.indirect.scatter.add.f32 [tilespmem:s19], [sflag:$0x1], $0x8, s28, s18, $0xb8;
	[tilespmem:$0x6400] =	vst v63  }
0x48: {  	_ = 	snop  }
0x49: {  	[spmem:s2] =	stream.indirect.scatter.add.f32 [tilespmem:s19], [sflag:$0x1], $0x8, s29, s18, $0xb8;
	[tilespmem:$0x6400] =	vst v63  }
0x4a: {  	_ = 	snop  }
0x4b: {  	[spmem:s2] =	stream.indirect.scatter.add.f32 [tilespmem:s19], [sflag:$0x1], $0x8, s30, s18, $0xb8;
	[tilespmem:$0x6400] =	vst v63  }
0x4c: {  	_ = 	snop  }
0x4d: {  	[spmem:s2] =	stream.indirect.scatter.add.f32 [tilespmem:s19], [sflag:$0x1], $0x8, s31, s18, $0xb8;
	[tilespmem:$0x6400] =	vst v63  }
0x4e: {  	_ = 	snop  }
0x4f: {  	[spmem:s2] =	stream.indirect.scatter.add.f32 [tilespmem:s19], [sflag:$0x1], $0x8, s1, s18, $0xb8;
	[tilespmem:$0x6400] =	vst v63  }
0x50: {  	_ = 	snop  }
0x51: {  	[spmem:s2] =	stream.indirect.scatter.add.f32 [tilespmem:s19], [sflag:$0x1], $0x8, s0, s18, $0xb8;
	[tilespmem:$0x6400] =	vst v63  }
0x52: {  	_ = 	snop  }
0x53: {  	[spmem:s2] =	stream.indirect.scatter.add.f32 [tilespmem:s19], [sflag:$0x1], $0x8, s5, s18, $0xb8;
	[tilespmem:$0x6400] =	vst v63  }
0x54: {  	_ = 	snop  }
0x55: {  	[spmem:s2] =	stream.indirect.scatter.add.f32 [tilespmem:s19], [sflag:$0x1], $0x8, s6, s18, $0xb8;
	[tilespmem:$0x6400] =	vst v63  }
0x56: {  	_ = 	snop  }
0x57: {  	[spmem:s2] =	stream.indirect.scatter.add.f32 [tilespmem:s19], [sflag:$0x1], $0x8, s7, s18, $0xb8;
	[tilespmem:$0x6400] =	vst v63  }
0x58: {  	_ = 	snop  }
0x59: {  	[spmem:s2] =	stream.indirect.scatter.add.f32 [tilespmem:s19], [sflag:$0x1], $0x8, s8, s18, $0xb8;
	[tilespmem:$0x6400] =	vst v63  }
0x5a: {  	_ = 	snop  }
0x5b: {  	[spmem:s2] =	stream.indirect.scatter.add.f32 [tilespmem:s19], [sflag:$0x1], $0x8, s9, s18, $0xb8;
	[tilespmem:$0x6400] =	vst v63  }
0x5c: {  	_ = 	snop  }
0x5d: {  	[spmem:s2] =	stream.indirect.scatter.add.f32 [tilespmem:s19], [sflag:$0x1], $0x8, s10, s18, $0xb8;
	[tilespmem:$0x6400] =	vst v63  }
0x5e: {  	_ = 	snop  }
0x5f: {  	[spmem:s2] =	stream.indirect.scatter.add.f32 [tilespmem:s19], [sflag:$0x1], $0x8, s11, s18, $0xb8;
	[tilespmem:$0x6400] =	vst v63  }
0x60: {  	_ = 	snop  }
0x61: {  	[spmem:s2] =	stream.indirect.scatter.add.f32 [tilespmem:s19], [sflag:$0x1], $0x8, s12, s18, $0xb8;
	[tilespmem:$0x6400] =	vst v63  }
0x62: {  	_ = 	snop  }
0x63: {  	[spmem:s2] =	stream.indirect.scatter.add.f32 [tilespmem:s19], [sflag:$0x1], $0x8, s13, s18, $0xb8;
	[tilespmem:$0x6400] =	vst v63  }
0x64: {  	_ =	swait.ge [sflag:s14], $0x200  }
0x65: {  	[sflag:s14] =	ssyncset.done $0x0  }
0x66: {  	[sflag:s14] =	ssyncadd.s32 $0xFFFFFE00  }
0x67: {  	_ =	swait.ge [sflag:s14], $0x200  }
0x68: {  	[sflag:s14] =	ssyncset.done $0x0  }
0x69: {  	[sflag:s14] =	ssyncadd.s32 $0xFFFFFE00  }
0x6a: {  	_ =	swait.ge [sflag:s14], $0x200  }
0x6b: {  	[sflag:s14] =	ssyncset.done $0x0  }
0x6c: {  	[sflag:s14] =	ssyncadd.s32 $0xFFFFFE00  }
0x6d: {  	_ =	swait.ge [sflag:s14], $0x200  }
0x6e: {  	[sflag:s14] =	ssyncset.done $0x0  }
0x6f: {  	[sflag:s14] =	ssyncadd.s32 $0xFFFFFE00  }
0x70: {  	_ =	swait.ge [sflag:s14], $0x200  }
0x71: {  	[sflag:s14] =	ssyncset.done $0x0  }
0x72: {  	[sflag:s14] =	ssyncadd.s32 $0xFFFFFE00  }
0x73: {  	_ =	swait.ge [sflag:s14], $0x200  }
0x74: {  	[sflag:s14] =	ssyncset.done $0x0  }
0x75: {  	[sflag:s14] =	ssyncadd.s32 $0xFFFFFE00  }
0x76: {  	_ =	swait.ge [sflag:s14], $0x200  }
0x77: {  	[sflag:s14] =	ssyncset.done $0x0  }
0x78: {  	[sflag:s14] =	ssyncadd.s32 $0xFFFFFE00  }
0x79: {  	_ =	swait.ge [sflag:s14], $0x200  }
0x7a: {  	[sflag:s14] =	ssyncset.done $0x0  }
0x7b: {  	[sflag:s14] =	ssyncadd.s32 $0xFFFFFE00  }
0x7c: {  	_ =	swait.ge [sflag:s14], $0x200  }
0x7d: {  	[sflag:s14] =	ssyncset.done $0x0  }
0x7e: {  	[sflag:s14] =	ssyncadd.s32 $0xFFFFFE00  }
0x7f: {  	_ =	swait.ge [sflag:s14], $0x200  }
0x80: {  	[sflag:s14] =	ssyncset.done $0x0  }
0x81: {  	[sflag:s14] =	ssyncadd.s32 $0xFFFFFE00  }
0x82: {  	_ =	swait.ge [sflag:s14], $0x200  }
0x83: {  	[sflag:s14] =	ssyncset.done $0x0  }
0x84: {  	[sflag:s14] =	ssyncadd.s32 $0xFFFFFE00  }
0x85: {  	_ =	swait.ge [sflag:s14], $0x200  }
0x86: {  	[sflag:s14] =	ssyncset.done $0x0  }
0x87: {  	[sflag:s14] =	ssyncadd.s32 $0xFFFFFE00  }
0x88: {  	_ =	swait.ge [sflag:s14], $0x200  }
0x89: {  	[sflag:s14] =	ssyncset.done $0x0  }
0x8a: {  	[sflag:s14] =	ssyncadd.s32 $0xFFFFFE00  }
0x8b: {  	_ =	swait.ge [sflag:s14], $0x200  }
0x8c: {  	[sflag:s14] =	ssyncset.done $0x0  }
0x8d: {  	[sflag:s14] =	ssyncadd.s32 $0xFFFFFE00  }
0x8e: {  	_ =	swait.ge [sflag:s14], $0x200  }
0x8f: {  	[sflag:s14] =	ssyncset.done $0x0  }
0x90: {  	[sflag:s14] =	ssyncadd.s32 $0xFFFFFE00  }
0x91: {  	_ =	swait.ge [sflag:s14], $0x200  }
0x92: {  	[sflag:s14] =	ssyncset.done $0x0  }
0x93: {  	[sflag:s14] =	ssyncadd.s32 $0xFFFFFE00  }
0x94: {  	_ =	swait.ge [sflag:s14], $0x200  }
0x95: {  	[sflag:s14] =	ssyncset.done $0x0  }
0x96: {  	[sflag:s14] =	ssyncadd.s32 $0xFFFFFE00  }
0x97: {  	_ =	swait.ge [sflag:s14], $0x200  }
0x98: {  	[sflag:s14] =	ssyncset.done $0x0  }
0x99: {  	[sflag:s14] =	ssyncadd.s32 $0xFFFFFE00  }
0x9a: {  	_ =	swait.ge [sflag:s14], $0x200  }
0x9b: {  	[sflag:s14] =	ssyncset.done $0x0  }
0x9c: {  	[sflag:s14] =	ssyncadd.s32 $0xFFFFFE00  }
0x9d: {  	_ =	swait.ge [sflag:s14], $0x200  }
0x9e: {  	[sflag:s14] =	ssyncset.done $0x0  }
0x9f: {  	[sflag:s14] =	ssyncadd.s32 $0xFFFFFE00  }
0xa0: {  	_ =	swait.ge [sflag:s14], $0x200  }
0xa1: {  	[sflag:s14] =	ssyncset.done $0x0  }
0xa2: {  	[sflag:s14] =	ssyncadd.s32 $0xFFFFFE00  }
0xa3: {  	_ =	swait.ge [sflag:s14], $0x200  }
0xa4: {  	[sflag:s14] =	ssyncset.done $0x0  }
0xa5: {  	[sflag:s14] =	ssyncadd.s32 $0xFFFFFE00  }
0xa6: {  	_ =	swait.ge [sflag:s14], $0x200  }
0xa7: {  	[sflag:s14] =	ssyncset.done $0x0  }
0xa8: {  	[sflag:s14] =	ssyncadd.s32 $0xFFFFFE00  }
0xa9: {  	_ =	swait.ge [sflag:s14], $0x200  }
0xaa: {  	[sflag:s14] =	ssyncset.done $0x0  }
0xab: {  	[sflag:s14] =	ssyncadd.s32 $0xFFFFFE00  }
0xac: {  	_ =	swait.ge [sflag:s14], $0x200  }
0xad: {  	[sflag:s14] =	ssyncset.done $0x0  }
0xae: {  	[sflag:s14] =	ssyncadd.s32 $0xFFFFFE00  }
0xaf: {  	_ =	swait.ge [sflag:s14], $0x200  }
0xb0: {  	[sflag:s14] =	ssyncset.done $0x0  }
0xb1: {  	[sflag:s14] =	ssyncadd.s32 $0xFFFFFE00  }
0xb2: {  	_ =	swait.ge [sflag:s14], $0x200  }
0xb3: {  	[sflag:s14] =	ssyncset.done $0x0  }
0xb4: {  	[sflag:s14] =	ssyncadd.s32 $0xFFFFFE00  }
0xb5: {  	_ =	swait.ge [sflag:s14], $0x200  }
0xb6: {  	[sflag:s14] =	ssyncset.done $0x0  }
0xb7: {  	[sflag:s14] =	ssyncadd.s32 $0xFFFFFE00  }
0xb8: {  	_ =	swait.ge [sflag:s14], $0x200  }
0xb9: {  	[sflag:s14] =	ssyncset.done $0x0  }
0xba: {  	[sflag:s14] =	ssyncadd.s32 $0xFFFFFE00  }
0xbb: {  	_ =	swait.ge [sflag:s14], $0x200  }
0xbc: {  	[sflag:s14] =	ssyncset.done $0x0  }
0xbd: {  	[sflag:s14] =	ssyncadd.s32 $0xFFFFFE00  }
0xbe: {  	_ =	swait.ge [sflag:s14], $0x200  }
0xbf: {  	[sflag:s14] =	ssyncset.done $0x0  }
0xc0: {  	[sflag:s14] =	ssyncadd.s32 $0xFFFFFE00  }
0xc1: {  	_ =	swait.ge [sflag:s14], $0x200  }
0xc2: {  	[sflag:s14] =	ssyncset.done $0x0  }
0xc3: {  	s20 =	rddreg [dreg:$0x19];
	[sflag:s14] =	ssyncadd.s32 $0xFFFFFE00  }
.LBB2_7:
0xc4: {  	s4 =	stileid.u32;
	[bflag:$0x0] =	sbarrier.arrive $0xFFFF  }
0xc5: {  	s4 =	sshll.u32 s4, $0x6;
	s15 =	rddreg [dreg:$0xd]  }
0xc6: {  	s16 =	rddreg [dreg:$0x17];
	s4 =	sor.u32 $0x1C02, s4;
	s15 =	sshrl.u32 s15, $0x3  }
0xc7: {  	[hbm:s16], [sflag:s4] =	dma.local [spmem:s15], $0x2800  }
0xc8: {  	_ =	swait.ge [sflag:s17], $0x2800  }
0xc9: {  	s20 =	sadd.s32 $0x1, s20;
	s16 =	rddreg [dreg:$0x18]  }
0xca: {  	p1 =	sne.s32 s20, s16  }
.Ltmp1:
0xcb: {  	_ = 	snop;
	(pc) =	sbr.rel @!p1 .LBB2_8-.Ltmp1, $3  }
0xcc: {  	_ =	sdelay $0x1  }
0xcd: {  	[sflag:s17] =	ssyncset.done $0x0  }
0xce: {  	[sflag:s17] =	ssyncadd.s32 $0xFFFFD800  }
.LBB2_1:
0xcf: {  	[dreg:$0x19] =	wrdreg s20;
	s4 =	simm.s32 $0x200;
	s15 =	simm.s32 $0x0  }
.LBB2_2:
0xd0: {  	p1 =	sne.s32 s4, $0x7E00;
	[tilespmem:s15+$0x1000] =	vst.msk $0xff, v0;
	s16 =	smov.u32 s4;
	s4 =	sadd.s32 $0x200, s4  }
.Ltmp2:
0xd1: {  	[tilespmem:s15+$0x3000] =	vst.msk $0xff, v1;
	(pc) =	sbr.rel @p1 .LBB2_2-.Ltmp2, $2  }
0xd2: {  	_ =	sdelay $0x2  }
0xd3: {  	s15 =	sshra.s32 s16, $0x2  }
0xd4: {  	[tilespmem:s15+$0x1000] =	vst.msk $0xff, v0  }
0xd5: {  	[tilespmem:s15+$0x3000] =	vst.msk $0xff, v1;
	s4 =	rddreg [dreg:$0xd];
	s15 =	simm.s32 $0x3000  }
0xd6: {  	[spmem:s4] =	stream.linear.scatter [tilespmem:s15], [sflag:$0x2], $0x2000, $0x38;
	[tilespmem:$0x6400] =	vst v63  }
0xd7: {  	_ =	swait.ge [sflag:s17], $0x2000  }
0xd8: {  	[sflag:s17] =	ssyncset.done $0x0  }
0xd9: {  	s20 =	rddreg [dreg:$0xe];
	[sflag:s17] =	ssyncadd.s32 $0xFFFFE000  }
0xda: {  	[spmem:s20] =	stream.linear.scatter [tilespmem:s15], [sflag:$0x2], $0x2000, $0x38;
	[tilespmem:$0x6400] =	vst v63  }
0xdb: {  	_ =	swait.ge [sflag:s17], $0x2000  }
0xdc: {  	[sflag:s17] =	ssyncset.done $0x0  }
0xdd: {  	s16 =	rddreg [dreg:$0xf];
	[sflag:s17] =	ssyncadd.s32 $0xFFFFE000  }
0xde: {  	[spmem:s16] =	stream.linear.scatter [tilespmem:s15], [sflag:$0x2], $0x2000, $0x38;
	[tilespmem:$0x6400] =	vst v63  }
0xdf: {  	_ =	swait.ge [sflag:s17], $0x2000  }
0xe0: {  	[sflag:s17] =	ssyncset.done $0x0  }
0xe1: {  	s20 =	rddreg [dreg:$0x10];
	[sflag:s17] =	ssyncadd.s32 $0xFFFFE000  }
0xe2: {  	[spmem:s20] =	stream.linear.scatter [tilespmem:s15], [sflag:$0x2], $0x2000, $0x38;
	[tilespmem:$0x6400] =	vst v63  }
0xe3: {  	_ =	swait.ge [sflag:s17], $0x2000  }
0xe4: {  	[sflag:s17] =	ssyncset.done $0x0  }
0xe5: {  	s16 =	rddreg [dreg:$0x11];
	[sflag:s17] =	ssyncadd.s32 $0xFFFFE000  }
0xe6: {  	[spmem:s16] =	stream.linear.scatter [tilespmem:s15], [sflag:$0x2], $0x2000, $0x38;
	[tilespmem:$0x6400] =	vst v63  }
0xe7: {  	_ =	swait.ge [sflag:s17], $0x2000  }
0xe8: {  	[sflag:s17] =	ssyncset.done $0x0  }
0xe9: {  	s20 =	rddreg [dreg:$0x12];
	[sflag:s17] =	ssyncadd.s32 $0xFFFFE000  }
0xea: {  	[spmem:s20] =	stream.linear.scatter [tilespmem:s15], [sflag:$0x2], $0x2000, $0x38;
	[tilespmem:$0x6400] =	vst v63  }
0xeb: {  	_ =	swait.ge [sflag:s17], $0x2000  }
0xec: {  	[sflag:s17] =	ssyncset.done $0x0  }
0xed: {  	s16 =	rddreg [dreg:$0x13];
	[sflag:s17] =	ssyncadd.s32 $0xFFFFE000  }
0xee: {  	[spmem:s16] =	stream.linear.scatter [tilespmem:s15], [sflag:$0x2], $0x2000, $0x38;
	[tilespmem:$0x6400] =	vst v63  }
0xef: {  	_ =	swait.ge [sflag:s17], $0x2000  }
0xf0: {  	[sflag:s17] =	ssyncset.done $0x0  }
0xf1: {  	s20 =	rddreg [dreg:$0x14];
	[sflag:s17] =	ssyncadd.s32 $0xFFFFE000  }
0xf2: {  	[spmem:s20] =	stream.linear.scatter [tilespmem:s15], [sflag:$0x2], $0x2000, $0x38;
	[tilespmem:$0x6400] =	vst v63  }
0xf3: {  	_ =	swait.ge [sflag:s17], $0x2000  }
0xf4: {  	[sflag:s17] =	ssyncset.done $0x0  }
0xf5: {  	s16 =	rddreg [dreg:$0x15];
	[sflag:s17] =	ssyncadd.s32 $0xFFFFE000  }
0xf6: {  	[spmem:s16] =	stream.linear.scatter [tilespmem:s15], [sflag:$0x2], $0x2000, $0x38;
	[tilespmem:$0x6400] =	vst v63  }
0xf7: {  	_ =	swait.ge [sflag:s17], $0x2000  }
0xf8: {  	[sflag:s17] =	ssyncset.done $0x0  }
0xf9: {  	s20 =	rddreg [dreg:$0x16];
	[sflag:s17] =	ssyncadd.s32 $0xFFFFE000  }
0xfa: {  	[spmem:s20] =	stream.linear.scatter [tilespmem:s15], [sflag:$0x2], $0x2000, $0x38;
	[tilespmem:$0x6400] =	vst v63  }
.Ltmp3:
0xfb: {  	_ =	swait.ge [sflag:s17], $0x2000;
	(pc) =	sbr.rel @p0 .LBB2_7-.Ltmp3, $4  }
0xfc: {  	[sflag:s17] =	ssyncset.done $0x0  }
0xfd: {  	[sflag:s17] =	ssyncadd.s32 $0xFFFFE000  }
0xfe: {  	[bflag:$0x0] =	sbarrier.arrive $0xFFFF  }
0xff: {  	s20 =	rddreg [dreg:$0x19]  }
0x100: {  	s4 =	rddreg [dreg:$0x3]  }
0x101: {  	s4 =	sadd.s32 $0x0, s4  }
0x102: {  	[tilespmem:s3], [sflag:$0x2] =	stream.linear.gather [hbm4b:s4+s3], $0x1000, $0x38;
	[tilespmem:$0x6400] =	vst v63  }
0x103: {  	_ =	swait.ge [sflag:s17], $0x1000  }
0x104: {  	[sflag:s17] =	ssyncset.done $0x0  }
0x105: {  	[sflag:s17] =	ssyncadd.s32 $0xFFFFF000  }
0x106: {  	[spmem:s2] =	stream.indirect.scatter.add.f32 [tilespmem:s19], [sflag:$0x1], $0x8, s3, s18, $0xb8;
	[tilespmem:$0x6400] =	vst v63  }
0x107: {  	s20 =	rddreg [dreg:$0x4]  }
0x108: {  	[spmem:s2] =	stream.indirect.scatter.add.f32 [tilespmem:s19], [sflag:$0x1], $0x8, s20, s18, $0xb8;
	[tilespmem:$0x6400] =	vst v63  }
0x109: {  	s15 =	rddreg [dreg:$0x5]  }
0x10a: {  	[spmem:s2] =	stream.indirect.scatter.add.f32 [tilespmem:s19], [sflag:$0x1], $0x8, s15, s18, $0xb8;
	[tilespmem:$0x6400] =	vst v63  }
0x10b: {  	s16 =	rddreg [dreg:$0x6]  }
0x10c: {  	[spmem:s2] =	stream.indirect.scatter.add.f32 [tilespmem:s19], [sflag:$0x1], $0x8, s16, s18, $0xb8;
	[tilespmem:$0x6400] =	vst v63  }
0x10d: {  	s20 =	rddreg [dreg:$0x7]  }
0x10e: {  	[spmem:s2] =	stream.indirect.scatter.add.f32 [tilespmem:s19], [sflag:$0x1], $0x8, s20, s18, $0xb8;
	[tilespmem:$0x6400] =	vst v63  }
0x10f: {  	s16 =	rddreg [dreg:$0x8]  }
0x110: {  	[spmem:s2] =	stream.indirect.scatter.add.f32 [tilespmem:s19], [sflag:$0x1], $0x8, s16, s18, $0xb8;
	[tilespmem:$0x6400] =	vst v63  }
0x111: {  	s20 =	rddreg [dreg:$0x9]  }
0x112: {  	[spmem:s2] =	stream.indirect.scatter.add.f32 [tilespmem:s19], [sflag:$0x1], $0x8, s20, s18, $0xb8;
	[tilespmem:$0x6400] =	vst v63  }
0x113: {  	s16 =	rddreg [dreg:$0xa]  }
0x114: {  	[spmem:s2] =	stream.indirect.scatter.add.f32 [tilespmem:s19], [sflag:$0x1], $0x8, s16, s18, $0xb8;
	[tilespmem:$0x6400] =	vst v63  }
0x115: {  	s20 =	rddreg [dreg:$0xb]  }
0x116: {  	[spmem:s2] =	stream.indirect.scatter.add.f32 [tilespmem:s19], [sflag:$0x1], $0x8, s20, s18, $0xb8;
	[tilespmem:$0x6400] =	vst v63  }
0x117: {  	s16 =	rddreg [dreg:$0xc]  }
0x118: {  	[spmem:s2] =	stream.indirect.scatter.add.f32 [tilespmem:s19], [sflag:$0x1], $0x8, s16, s18, $0xb8;
	[tilespmem:$0x6400] =	vst v63  }
0x119: {  	s20 =	simm.s32 $0x500  }
0x11a: {  	[spmem:s2] =	stream.indirect.scatter.add.f32 [tilespmem:s19], [sflag:$0x1], $0x8, s20, s18, $0xb8;
	[tilespmem:$0x6400] =	vst v63  }
0x11b: {  	_ = 	snop  }
0x11c: {  	[spmem:s2] =	stream.indirect.scatter.add.f32 [tilespmem:s19], [sflag:$0x1], $0x8, s21, s18, $0xb8;
	[tilespmem:$0x6400] =	vst v63  }
0x11d: {  	_ = 	snop  }
0x11e: {  	[spmem:s2] =	stream.indirect.scatter.add.f32 [tilespmem:s19], [sflag:$0x1], $0x8, s22, s18, $0xb8;
	[tilespmem:$0x6400] =	vst v63  }
0x11f: {  	_ = 	snop  }
0x120: {  	[spmem:s2] =	stream.indirect.scatter.add.f32 [tilespmem:s19], [sflag:$0x1], $0x8, s23, s18, $0xb8;
	[tilespmem:$0x6400] =	vst v63  }
0x121: {  	_ = 	snop  }
0x122: {  	[spmem:s2] =	stream.indirect.scatter.add.f32 [tilespmem:s19], [sflag:$0x1], $0x8, s24, s18, $0xb8;
	[tilespmem:$0x6400] =	vst v63  }
0x123: {  	_ = 	snop  }
0x124: {  	[spmem:s2] =	stream.indirect.scatter.add.f32 [tilespmem:s19], [sflag:$0x1], $0x8, s25, s18, $0xb8;
	[tilespmem:$0x6400] =	vst v63  }
0x125: {  	_ = 	snop  }
0x126: {  	[spmem:s2] =	stream.indirect.scatter.add.f32 [tilespmem:s19], [sflag:$0x1], $0x8, s26, s18, $0xb8;
	[tilespmem:$0x6400] =	vst v63  }
0x127: {  	_ = 	snop  }
0x128: {  	[spmem:s2] =	stream.indirect.scatter.add.f32 [tilespmem:s19], [sflag:$0x1], $0x8, s28, s18, $0xb8;
	[tilespmem:$0x6400] =	vst v63  }
0x129: {  	_ = 	snop  }
0x12a: {  	[spmem:s2] =	stream.indirect.scatter.add.f32 [tilespmem:s19], [sflag:$0x1], $0x8, s29, s18, $0xb8;
	[tilespmem:$0x6400] =	vst v63  }
0x12b: {  	_ = 	snop  }
0x12c: {  	[spmem:s2] =	stream.indirect.scatter.add.f32 [tilespmem:s19], [sflag:$0x1], $0x8, s30, s18, $0xb8;
	[tilespmem:$0x6400] =	vst v63  }
0x12d: {  	_ = 	snop  }
0x12e: {  	[spmem:s2] =	stream.indirect.scatter.add.f32 [tilespmem:s19], [sflag:$0x1], $0x8, s31, s18, $0xb8;
	[tilespmem:$0x6400] =	vst v63  }
0x12f: {  	_ = 	snop  }
0x130: {  	[spmem:s2] =	stream.indirect.scatter.add.f32 [tilespmem:s19], [sflag:$0x1], $0x8, s1, s18, $0xb8;
	[tilespmem:$0x6400] =	vst v63  }
0x131: {  	_ = 	snop  }
0x132: {  	[spmem:s2] =	stream.indirect.scatter.add.f32 [tilespmem:s19], [sflag:$0x1], $0x8, s0, s18, $0xb8;
	[tilespmem:$0x6400] =	vst v63  }
0x133: {  	_ = 	snop  }
0x134: {  	[spmem:s2] =	stream.indirect.scatter.add.f32 [tilespmem:s19], [sflag:$0x1], $0x8, s5, s18, $0xb8;
	[tilespmem:$0x6400] =	vst v63  }
0x135: {  	_ = 	snop  }
0x136: {  	[spmem:s2] =	stream.indirect.scatter.add.f32 [tilespmem:s19], [sflag:$0x1], $0x8, s6, s18, $0xb8;
	[tilespmem:$0x6400] =	vst v63  }
0x137: {  	_ = 	snop  }
0x138: {  	[spmem:s2] =	stream.indirect.scatter.add.f32 [tilespmem:s19], [sflag:$0x1], $0x8, s7, s18, $0xb8;
	[tilespmem:$0x6400] =	vst v63  }
0x139: {  	_ = 	snop  }
0x13a: {  	[spmem:s2] =	stream.indirect.scatter.add.f32 [tilespmem:s19], [sflag:$0x1], $0x8, s8, s18, $0xb8;
	[tilespmem:$0x6400] =	vst v63  }
0x13b: {  	_ = 	snop  }
0x13c: {  	[spmem:s2] =	stream.indirect.scatter.add.f32 [tilespmem:s19], [sflag:$0x1], $0x8, s9, s18, $0xb8;
	[tilespmem:$0x6400] =	vst v63  }
0x13d: {  	_ = 	snop  }
0x13e: {  	[spmem:s2] =	stream.indirect.scatter.add.f32 [tilespmem:s19], [sflag:$0x1], $0x8, s10, s18, $0xb8;
	[tilespmem:$0x6400] =	vst v63  }
0x13f: {  	_ = 	snop  }
0x140: {  	[spmem:s2] =	stream.indirect.scatter.add.f32 [tilespmem:s19], [sflag:$0x1], $0x8, s11, s18, $0xb8;
	[tilespmem:$0x6400] =	vst v63  }
0x141: {  	_ = 	snop  }
0x142: {  	[spmem:s2] =	stream.indirect.scatter.add.f32 [tilespmem:s19], [sflag:$0x1], $0x8, s12, s18, $0xb8;
	[tilespmem:$0x6400] =	vst v63  }
0x143: {  	_ = 	snop  }
0x144: {  	[spmem:s2] =	stream.indirect.scatter.add.f32 [tilespmem:s19], [sflag:$0x1], $0x8, s13, s18, $0xb8;
	[tilespmem:$0x6400] =	vst v63  }
0x145: {  	_ =	swait.ge [sflag:s14], $0x200  }
0x146: {  	[sflag:s14] =	ssyncset.done $0x0  }
0x147: {  	[sflag:s14] =	ssyncadd.s32 $0xFFFFFE00  }
0x148: {  	_ =	swait.ge [sflag:s14], $0x200  }
0x149: {  	[sflag:s14] =	ssyncset.done $0x0  }
0x14a: {  	[sflag:s14] =	ssyncadd.s32 $0xFFFFFE00  }
0x14b: {  	_ =	swait.ge [sflag:s14], $0x200  }
0x14c: {  	[sflag:s14] =	ssyncset.done $0x0  }
0x14d: {  	[sflag:s14] =	ssyncadd.s32 $0xFFFFFE00  }
0x14e: {  	_ =	swait.ge [sflag:s14], $0x200  }
0x14f: {  	[sflag:s14] =	ssyncset.done $0x0  }
0x150: {  	[sflag:s14] =	ssyncadd.s32 $0xFFFFFE00  }
0x151: {  	_ =	swait.ge [sflag:s14], $0x200  }
0x152: {  	[sflag:s14] =	ssyncset.done $0x0  }
0x153: {  	[sflag:s14] =	ssyncadd.s32 $0xFFFFFE00  }
0x154: {  	_ =	swait.ge [sflag:s14], $0x200  }
0x155: {  	[sflag:s14] =	ssyncset.done $0x0  }
0x156: {  	[sflag:s14] =	ssyncadd.s32 $0xFFFFFE00  }
0x157: {  	_ =	swait.ge [sflag:s14], $0x200  }
0x158: {  	[sflag:s14] =	ssyncset.done $0x0  }
0x159: {  	[sflag:s14] =	ssyncadd.s32 $0xFFFFFE00  }
0x15a: {  	_ =	swait.ge [sflag:s14], $0x200  }
0x15b: {  	[sflag:s14] =	ssyncset.done $0x0  }
0x15c: {  	[sflag:s14] =	ssyncadd.s32 $0xFFFFFE00  }
0x15d: {  	_ =	swait.ge [sflag:s14], $0x200  }
0x15e: {  	[sflag:s14] =	ssyncset.done $0x0  }
0x15f: {  	[sflag:s14] =	ssyncadd.s32 $0xFFFFFE00  }
0x160: {  	_ =	swait.ge [sflag:s14], $0x200  }
0x161: {  	[sflag:s14] =	ssyncset.done $0x0  }
0x162: {  	[sflag:s14] =	ssyncadd.s32 $0xFFFFFE00  }
0x163: {  	_ =	swait.ge [sflag:s14], $0x200  }
0x164: {  	[sflag:s14] =	ssyncset.done $0x0  }
0x165: {  	[sflag:s14] =	ssyncadd.s32 $0xFFFFFE00  }
0x166: {  	_ =	swait.ge [sflag:s14], $0x200  }
0x167: {  	[sflag:s14] =	ssyncset.done $0x0  }
0x168: {  	[sflag:s14] =	ssyncadd.s32 $0xFFFFFE00  }
0x169: {  	_ =	swait.ge [sflag:s14], $0x200  }
0x16a: {  	[sflag:s14] =	ssyncset.done $0x0  }
0x16b: {  	[sflag:s14] =	ssyncadd.s32 $0xFFFFFE00  }
0x16c: {  	_ =	swait.ge [sflag:s14], $0x200  }
0x16d: {  	[sflag:s14] =	ssyncset.done $0x0  }
0x16e: {  	[sflag:s14] =	ssyncadd.s32 $0xFFFFFE00  }
0x16f: {  	_ =	swait.ge [sflag:s14], $0x200  }
0x170: {  	[sflag:s14] =	ssyncset.done $0x0  }
0x171: {  	[sflag:s14] =	ssyncadd.s32 $0xFFFFFE00  }
0x172: {  	_ =	swait.ge [sflag:s14], $0x200  }
0x173: {  	[sflag:s14] =	ssyncset.done $0x0  }
0x174: {  	[sflag:s14] =	ssyncadd.s32 $0xFFFFFE00  }
0x175: {  	_ =	swait.ge [sflag:s14], $0x200  }
0x176: {  	[sflag:s14] =	ssyncset.done $0x0  }
0x177: {  	[sflag:s14] =	ssyncadd.s32 $0xFFFFFE00  }
0x178: {  	_ =	swait.ge [sflag:s14], $0x200  }
0x179: {  	[sflag:s14] =	ssyncset.done $0x0  }
0x17a: {  	[sflag:s14] =	ssyncadd.s32 $0xFFFFFE00  }
0x17b: {  	_ =	swait.ge [sflag:s14], $0x200  }
0x17c: {  	[sflag:s14] =	ssyncset.done $0x0  }
0x17d: {  	[sflag:s14] =	ssyncadd.s32 $0xFFFFFE00  }
0x17e: {  	_ =	swait.ge [sflag:s14], $0x200  }
0x17f: {  	[sflag:s14] =	ssyncset.done $0x0  }
0x180: {  	[sflag:s14] =	ssyncadd.s32 $0xFFFFFE00  }
0x181: {  	_ =	swait.ge [sflag:s14], $0x200  }
0x182: {  	[sflag:s14] =	ssyncset.done $0x0  }
0x183: {  	[sflag:s14] =	ssyncadd.s32 $0xFFFFFE00  }
0x184: {  	_ =	swait.ge [sflag:s14], $0x200  }
0x185: {  	[sflag:s14] =	ssyncset.done $0x0  }
0x186: {  	[sflag:s14] =	ssyncadd.s32 $0xFFFFFE00  }
0x187: {  	_ =	swait.ge [sflag:s14], $0x200  }
0x188: {  	[sflag:s14] =	ssyncset.done $0x0  }
0x189: {  	[sflag:s14] =	ssyncadd.s32 $0xFFFFFE00  }
0x18a: {  	_ =	swait.ge [sflag:s14], $0x200  }
0x18b: {  	[sflag:s14] =	ssyncset.done $0x0  }
0x18c: {  	[sflag:s14] =	ssyncadd.s32 $0xFFFFFE00  }
0x18d: {  	_ =	swait.ge [sflag:s14], $0x200  }
0x18e: {  	[sflag:s14] =	ssyncset.done $0x0  }
0x18f: {  	[sflag:s14] =	ssyncadd.s32 $0xFFFFFE00  }
0x190: {  	_ =	swait.ge [sflag:s14], $0x200  }
0x191: {  	[sflag:s14] =	ssyncset.done $0x0  }
0x192: {  	[sflag:s14] =	ssyncadd.s32 $0xFFFFFE00  }
0x193: {  	_ =	swait.ge [sflag:s14], $0x200  }
0x194: {  	[sflag:s14] =	ssyncset.done $0x0  }
0x195: {  	[sflag:s14] =	ssyncadd.s32 $0xFFFFFE00  }
0x196: {  	_ =	swait.ge [sflag:s14], $0x200  }
0x197: {  	[sflag:s14] =	ssyncset.done $0x0  }
0x198: {  	[sflag:s14] =	ssyncadd.s32 $0xFFFFFE00  }
0x199: {  	_ =	swait.ge [sflag:s14], $0x200  }
0x19a: {  	[sflag:s14] =	ssyncset.done $0x0  }
0x19b: {  	[sflag:s14] =	ssyncadd.s32 $0xFFFFFE00  }
0x19c: {  	_ =	swait.ge [sflag:s14], $0x200  }
0x19d: {  	[sflag:s14] =	ssyncset.done $0x0  }
0x19e: {  	[sflag:s14] =	ssyncadd.s32 $0xFFFFFE00  }
0x19f: {  	_ =	swait.ge [sflag:s14], $0x200  }
0x1a0: {  	[sflag:s14] =	ssyncset.done $0x0  }
0x1a1: {  	[sflag:s14] =	ssyncadd.s32 $0xFFFFFE00  }
0x1a2: {  	s4 =	simm.s32 $0x200;
	_ =	swait.ge [sflag:s14], $0x200  }
0x1a3: {  	s16 =	simm.s32 $0x400;
	s15 =	rddreg [dreg:$0x3];
	[sflag:s14] =	ssyncset.done $0x0  }
.LBB2_5:
0x1a4: {  	[sflag:s14] =	ssyncadd.s32 $0xFFFFFE00;
	s15 =	sadd.s32 s4, s15  }
0x1a5: {  	[tilespmem:s3], [sflag:$0x2] =	stream.linear.gather [hbm4b:s15+s3], $0x1000, $0x38;
	[tilespmem:$0x6400] =	vst v63  }
0x1a6: {  	_ =	swait.ge [sflag:s17], $0x1000  }
0x1a7: {  	[sflag:s17] =	ssyncset.done $0x0  }
0x1a8: {  	[sflag:s17] =	ssyncadd.s32 $0xFFFFF000  }
0x1a9: {  	[spmem:s2] =	stream.indirect.scatter.add.f32 [tilespmem:s19], [sflag:$0x1], $0x8, s3, s18, $0xb8;
	[tilespmem:$0x6400] =	vst v63  }
0x1aa: {  	s20 =	smov.u32 s16;
	s15 =	rddreg [dreg:$0x4]  }
0x1ab: {  	[spmem:s2] =	stream.indirect.scatter.add.f32 [tilespmem:s19], [sflag:$0x1], $0x8, s15, s18, $0xb8;
	[tilespmem:$0x6400] =	vst v63  }
0x1ac: {  	s4 =	smov.u32 s20;
	s20 =	rddreg [dreg:$0x5]  }
0x1ad: {  	[spmem:s2] =	stream.indirect.scatter.add.f32 [tilespmem:s19], [sflag:$0x1], $0x8, s20, s18, $0xb8;
	[tilespmem:$0x6400] =	vst v63  }
0x1ae: {  	s15 =	rddreg [dreg:$0x6]  }
0x1af: {  	[spmem:s2] =	stream.indirect.scatter.add.f32 [tilespmem:s19], [sflag:$0x1], $0x8, s15, s18, $0xb8;
	[tilespmem:$0x6400] =	vst v63  }
0x1b0: {  	s20 =	rddreg [dreg:$0x7]  }
0x1b1: {  	[spmem:s2] =	stream.indirect.scatter.add.f32 [tilespmem:s19], [sflag:$0x1], $0x8, s20, s18, $0xb8;
	[tilespmem:$0x6400] =	vst v63  }
0x1b2: {  	s15 =	rddreg [dreg:$0x8]  }
0x1b3: {  	[spmem:s2] =	stream.indirect.scatter.add.f32 [tilespmem:s19], [sflag:$0x1], $0x8, s15, s18, $0xb8;
	[tilespmem:$0x6400] =	vst v63  }
0x1b4: {  	s20 =	rddreg [dreg:$0x9]  }
0x1b5: {  	[spmem:s2] =	stream.indirect.scatter.add.f32 [tilespmem:s19], [sflag:$0x1], $0x8, s20, s18, $0xb8;
	[tilespmem:$0x6400] =	vst v63  }
0x1b6: {  	s15 =	rddreg [dreg:$0xa]  }
0x1b7: {  	[spmem:s2] =	stream.indirect.scatter.add.f32 [tilespmem:s19], [sflag:$0x1], $0x8, s15, s18, $0xb8;
	[tilespmem:$0x6400] =	vst v63  }
0x1b8: {  	s20 =	rddreg [dreg:$0xb]  }
0x1b9: {  	[spmem:s2] =	stream.indirect.scatter.add.f32 [tilespmem:s19], [sflag:$0x1], $0x8, s20, s18, $0xb8;
	[tilespmem:$0x6400] =	vst v63  }
0x1ba: {  	s15 =	rddreg [dreg:$0xc]  }
0x1bb: {  	[spmem:s2] =	stream.indirect.scatter.add.f32 [tilespmem:s19], [sflag:$0x1], $0x8, s15, s18, $0xb8;
	[tilespmem:$0x6400] =	vst v63  }
0x1bc: {  	s20 =	simm.s32 $0x500  }
0x1bd: {  	[spmem:s2] =	stream.indirect.scatter.add.f32 [tilespmem:s19], [sflag:$0x1], $0x8, s20, s18, $0xb8;
	[tilespmem:$0x6400] =	vst v63  }
0x1be: {  	_ = 	snop  }
0x1bf: {  	[spmem:s2] =	stream.indirect.scatter.add.f32 [tilespmem:s19], [sflag:$0x1], $0x8, s21, s18, $0xb8;
	[tilespmem:$0x6400] =	vst v63  }
0x1c0: {  	_ = 	snop  }
0x1c1: {  	[spmem:s2] =	stream.indirect.scatter.add.f32 [tilespmem:s19], [sflag:$0x1], $0x8, s22, s18, $0xb8;
	[tilespmem:$0x6400] =	vst v63  }
0x1c2: {  	_ = 	snop  }
0x1c3: {  	[spmem:s2] =	stream.indirect.scatter.add.f32 [tilespmem:s19], [sflag:$0x1], $0x8, s23, s18, $0xb8;
	[tilespmem:$0x6400] =	vst v63  }
0x1c4: {  	_ = 	snop  }
0x1c5: {  	[spmem:s2] =	stream.indirect.scatter.add.f32 [tilespmem:s19], [sflag:$0x1], $0x8, s24, s18, $0xb8;
	[tilespmem:$0x6400] =	vst v63  }
0x1c6: {  	_ = 	snop  }
0x1c7: {  	[spmem:s2] =	stream.indirect.scatter.add.f32 [tilespmem:s19], [sflag:$0x1], $0x8, s25, s18, $0xb8;
	[tilespmem:$0x6400] =	vst v63  }
0x1c8: {  	_ = 	snop  }
0x1c9: {  	[spmem:s2] =	stream.indirect.scatter.add.f32 [tilespmem:s19], [sflag:$0x1], $0x8, s26, s18, $0xb8;
	[tilespmem:$0x6400] =	vst v63  }
0x1ca: {  	_ = 	snop  }
0x1cb: {  	[spmem:s2] =	stream.indirect.scatter.add.f32 [tilespmem:s19], [sflag:$0x1], $0x8, s28, s18, $0xb8;
	[tilespmem:$0x6400] =	vst v63  }
0x1cc: {  	_ = 	snop  }
0x1cd: {  	[spmem:s2] =	stream.indirect.scatter.add.f32 [tilespmem:s19], [sflag:$0x1], $0x8, s29, s18, $0xb8;
	[tilespmem:$0x6400] =	vst v63  }
0x1ce: {  	_ = 	snop  }
0x1cf: {  	[spmem:s2] =	stream.indirect.scatter.add.f32 [tilespmem:s19], [sflag:$0x1], $0x8, s30, s18, $0xb8;
	[tilespmem:$0x6400] =	vst v63  }
0x1d0: {  	_ = 	snop  }
0x1d1: {  	[spmem:s2] =	stream.indirect.scatter.add.f32 [tilespmem:s19], [sflag:$0x1], $0x8, s31, s18, $0xb8;
	[tilespmem:$0x6400] =	vst v63  }
0x1d2: {  	_ = 	snop  }
0x1d3: {  	[spmem:s2] =	stream.indirect.scatter.add.f32 [tilespmem:s19], [sflag:$0x1], $0x8, s1, s18, $0xb8;
	[tilespmem:$0x6400] =	vst v63  }
0x1d4: {  	_ = 	snop  }
0x1d5: {  	[spmem:s2] =	stream.indirect.scatter.add.f32 [tilespmem:s19], [sflag:$0x1], $0x8, s0, s18, $0xb8;
	[tilespmem:$0x6400] =	vst v63  }
0x1d6: {  	_ = 	snop  }
0x1d7: {  	[spmem:s2] =	stream.indirect.scatter.add.f32 [tilespmem:s19], [sflag:$0x1], $0x8, s5, s18, $0xb8;
	[tilespmem:$0x6400] =	vst v63  }
0x1d8: {  	_ = 	snop  }
0x1d9: {  	[spmem:s2] =	stream.indirect.scatter.add.f32 [tilespmem:s19], [sflag:$0x1], $0x8, s6, s18, $0xb8;
	[tilespmem:$0x6400] =	vst v63  }
0x1da: {  	_ = 	snop  }
0x1db: {  	[spmem:s2] =	stream.indirect.scatter.add.f32 [tilespmem:s19], [sflag:$0x1], $0x8, s7, s18, $0xb8;
	[tilespmem:$0x6400] =	vst v63  }
0x1dc: {  	_ = 	snop  }
0x1dd: {  	[spmem:s2] =	stream.indirect.scatter.add.f32 [tilespmem:s19], [sflag:$0x1], $0x8, s8, s18, $0xb8;
	[tilespmem:$0x6400] =	vst v63  }
0x1de: {  	_ = 	snop  }
0x1df: {  	[spmem:s2] =	stream.indirect.scatter.add.f32 [tilespmem:s19], [sflag:$0x1], $0x8, s9, s18, $0xb8;
	[tilespmem:$0x6400] =	vst v63  }
0x1e0: {  	_ = 	snop  }
0x1e1: {  	[spmem:s2] =	stream.indirect.scatter.add.f32 [tilespmem:s19], [sflag:$0x1], $0x8, s10, s18, $0xb8;
	[tilespmem:$0x6400] =	vst v63  }
0x1e2: {  	_ = 	snop  }
0x1e3: {  	[spmem:s2] =	stream.indirect.scatter.add.f32 [tilespmem:s19], [sflag:$0x1], $0x8, s11, s18, $0xb8;
	[tilespmem:$0x6400] =	vst v63  }
0x1e4: {  	_ = 	snop  }
0x1e5: {  	[spmem:s2] =	stream.indirect.scatter.add.f32 [tilespmem:s19], [sflag:$0x1], $0x8, s12, s18, $0xb8;
	[tilespmem:$0x6400] =	vst v63  }
0x1e6: {  	_ = 	snop  }
0x1e7: {  	[spmem:s2] =	stream.indirect.scatter.add.f32 [tilespmem:s19], [sflag:$0x1], $0x8, s13, s18, $0xb8;
	[tilespmem:$0x6400] =	vst v63  }
0x1e8: {  	_ =	swait.ge [sflag:s14], $0x200  }
0x1e9: {  	[sflag:s14] =	ssyncset.done $0x0  }
0x1ea: {  	[sflag:s14] =	ssyncadd.s32 $0xFFFFFE00  }
0x1eb: {  	_ =	swait.ge [sflag:s14], $0x200  }
0x1ec: {  	[sflag:s14] =	ssyncset.done $0x0  }
0x1ed: {  	[sflag:s14] =	ssyncadd.s32 $0xFFFFFE00  }
0x1ee: {  	_ =	swait.ge [sflag:s14], $0x200  }
0x1ef: {  	[sflag:s14] =	ssyncset.done $0x0  }
0x1f0: {  	[sflag:s14] =	ssyncadd.s32 $0xFFFFFE00  }
0x1f1: {  	_ =	swait.ge [sflag:s14], $0x200  }
0x1f2: {  	[sflag:s14] =	ssyncset.done $0x0  }
0x1f3: {  	[sflag:s14] =	ssyncadd.s32 $0xFFFFFE00  }
0x1f4: {  	_ =	swait.ge [sflag:s14], $0x200  }
0x1f5: {  	[sflag:s14] =	ssyncset.done $0x0  }
0x1f6: {  	[sflag:s14] =	ssyncadd.s32 $0xFFFFFE00  }
0x1f7: {  	_ =	swait.ge [sflag:s14], $0x200  }
0x1f8: {  	[sflag:s14] =	ssyncset.done $0x0  }
0x1f9: {  	[sflag:s14] =	ssyncadd.s32 $0xFFFFFE00  }
0x1fa: {  	_ =	swait.ge [sflag:s14], $0x200  }
0x1fb: {  	[sflag:s14] =	ssyncset.done $0x0  }
0x1fc: {  	[sflag:s14] =	ssyncadd.s32 $0xFFFFFE00  }
0x1fd: {  	_ =	swait.ge [sflag:s14], $0x200  }
0x1fe: {  	[sflag:s14] =	ssyncset.done $0x0  }
0x1ff: {  	[sflag:s14] =	ssyncadd.s32 $0xFFFFFE00  }
0x200: {  	_ =	swait.ge [sflag:s14], $0x200  }
0x201: {  	[sflag:s14] =	ssyncset.done $0x0  }
0x202: {  	[sflag:s14] =	ssyncadd.s32 $0xFFFFFE00  }
0x203: {  	_ =	swait.ge [sflag:s14], $0x200  }
0x204: {  	[sflag:s14] =	ssyncset.done $0x0  }
0x205: {  	[sflag:s14] =	ssyncadd.s32 $0xFFFFFE00  }
0x206: {  	_ =	swait.ge [sflag:s14], $0x200  }
0x207: {  	[sflag:s14] =	ssyncset.done $0x0  }
0x208: {  	[sflag:s14] =	ssyncadd.s32 $0xFFFFFE00  }
0x209: {  	_ =	swait.ge [sflag:s14], $0x200  }
0x20a: {  	[sflag:s14] =	ssyncset.done $0x0  }
0x20b: {  	[sflag:s14] =	ssyncadd.s32 $0xFFFFFE00  }
0x20c: {  	_ =	swait.ge [sflag:s14], $0x200  }
0x20d: {  	[sflag:s14] =	ssyncset.done $0x0  }
0x20e: {  	[sflag:s14] =	ssyncadd.s32 $0xFFFFFE00  }
0x20f: {  	_ =	swait.ge [sflag:s14], $0x200  }
0x210: {  	[sflag:s14] =	ssyncset.done $0x0  }
0x211: {  	[sflag:s14] =	ssyncadd.s32 $0xFFFFFE00  }
0x212: {  	_ =	swait.ge [sflag:s14], $0x200  }
0x213: {  	[sflag:s14] =	ssyncset.done $0x0  }
0x214: {  	[sflag:s14] =	ssyncadd.s32 $0xFFFFFE00  }
0x215: {  	_ =	swait.ge [sflag:s14], $0x200  }
0x216: {  	[sflag:s14] =	ssyncset.done $0x0  }
0x217: {  	[sflag:s14] =	ssyncadd.s32 $0xFFFFFE00  }
0x218: {  	_ =	swait.ge [sflag:s14], $0x200  }
0x219: {  	[sflag:s14] =	ssyncset.done $0x0  }
0x21a: {  	[sflag:s14] =	ssyncadd.s32 $0xFFFFFE00  }
0x21b: {  	_ =	swait.ge [sflag:s14], $0x200  }
0x21c: {  	[sflag:s14] =	ssyncset.done $0x0  }
0x21d: {  	[sflag:s14] =	ssyncadd.s32 $0xFFFFFE00  }
0x21e: {  	_ =	swait.ge [sflag:s14], $0x200  }
0x21f: {  	[sflag:s14] =	ssyncset.done $0x0  }
0x220: {  	[sflag:s14] =	ssyncadd.s32 $0xFFFFFE00  }
0x221: {  	_ =	swait.ge [sflag:s14], $0x200  }
0x222: {  	[sflag:s14] =	ssyncset.done $0x0  }
0x223: {  	[sflag:s14] =	ssyncadd.s32 $0xFFFFFE00  }
0x224: {  	_ =	swait.ge [sflag:s14], $0x200  }
0x225: {  	[sflag:s14] =	ssyncset.done $0x0  }
0x226: {  	[sflag:s14] =	ssyncadd.s32 $0xFFFFFE00  }
0x227: {  	_ =	swait.ge [sflag:s14], $0x200  }
0x228: {  	[sflag:s14] =	ssyncset.done $0x0  }
0x229: {  	[sflag:s14] =	ssyncadd.s32 $0xFFFFFE00  }
0x22a: {  	_ =	swait.ge [sflag:s14], $0x200  }
0x22b: {  	[sflag:s14] =	ssyncset.done $0x0  }
0x22c: {  	[sflag:s14] =	ssyncadd.s32 $0xFFFFFE00  }
0x22d: {  	_ =	swait.ge [sflag:s14], $0x200  }
0x22e: {  	[sflag:s14] =	ssyncset.done $0x0  }
0x22f: {  	[sflag:s14] =	ssyncadd.s32 $0xFFFFFE00  }
0x230: {  	_ =	swait.ge [sflag:s14], $0x200  }
0x231: {  	[sflag:s14] =	ssyncset.done $0x0  }
0x232: {  	[sflag:s14] =	ssyncadd.s32 $0xFFFFFE00  }
0x233: {  	_ =	swait.ge [sflag:s14], $0x200  }
0x234: {  	[sflag:s14] =	ssyncset.done $0x0  }
0x235: {  	[sflag:s14] =	ssyncadd.s32 $0xFFFFFE00  }
0x236: {  	_ =	swait.ge [sflag:s14], $0x200  }
0x237: {  	[sflag:s14] =	ssyncset.done $0x0  }
0x238: {  	[sflag:s14] =	ssyncadd.s32 $0xFFFFFE00  }
0x239: {  	_ =	swait.ge [sflag:s14], $0x200  }
0x23a: {  	[sflag:s14] =	ssyncset.done $0x0  }
0x23b: {  	[sflag:s14] =	ssyncadd.s32 $0xFFFFFE00  }
0x23c: {  	_ =	swait.ge [sflag:s14], $0x200  }
0x23d: {  	[sflag:s14] =	ssyncset.done $0x0  }
0x23e: {  	[sflag:s14] =	ssyncadd.s32 $0xFFFFFE00  }
0x23f: {  	_ =	swait.ge [sflag:s14], $0x200  }
0x240: {  	[sflag:s14] =	ssyncset.done $0x0  }
0x241: {  	p1 =	sne.s32 s16, $0x1200;
	[sflag:s14] =	ssyncadd.s32 $0xFFFFFE00  }
.Ltmp4:
0x242: {  	_ =	swait.ge [sflag:s14], $0x200;
	(pc) =	sbr.rel @p1 .LBB2_5-.Ltmp4, $4  }
0x243: {  	[sflag:s14] =	ssyncset.done $0x0  }
0x244: {  	[sflag:s14] =	ssyncadd.s32 $0xFFFFFE00  }
0x245: {  	_ =	swait.ge [sflag:s14], $0x200  }
0x246: {  	s16 =	sadd.s32 $0x200, s16;
	s15 =	rddreg [dreg:$0x3];
	[sflag:s14] =	ssyncset.done $0x0  }
.Ltmp5:
0x247: {  	_ = 	snop;
	(pc) =	sbr.rel .LBB2_6-.Ltmp5, $1  }
0x248: {  	_ =	sdelay $0x3  }
.LBB2_8:
0x249: {  	_ =	sfence.sel $0x180000  }
0x24a: {  	[bflag:$0x0] =	sbarrier.arrive $0xFFFF  }
0x24b: {  	_ =	strace $0x90000047  }
0x24c: {  	s0 =	stileid.u32;
	[bflag:$0x2] =	sbarrier.arrive $0xFFFF  }
0x24d: {  	p0 =	sne.s32 s0, $0x0;
	s0 =	rddreg [dreg:$0x2]  }
0x24e: {  	s0 =	sadd.s32 @!p0 $0x100000, s0  }
0x24f: {  	[sflag:s0] =	ssyncadd.tile.s32 @!p0 $0x1;
	_ =	shalt  }
.Lfunc_end2:
_tile_overlayer_lowered:
.L_overlay_start_2:
0x250: {  	(tag) =	ssettag $0x2  }
0x251: {  	s0 =	rddreg [dreg:$0x0];
	s2 =	stileid.u32  }
0x252: {  	s1 =	rddreg [dreg:$0x1];
	p0 =	sne.s32 s2, $0x0  }
0x253: {  	s3 =	rddreg [dreg:$0x2];
	[bflag:$0x3] =	sbarrier.arrive $0xFFFF;
	s2 =	simm.s32 @!p0 $0x1C02  }
0x254: {  	[timem:s3], [sflag:s2] =	dma.local @!p0 [hbm:s0], s1  }
0x255: {  	s0 =	simm.s32 @!p0 $0x2  }
0x256: {  	_ =	swait.ge @!p0 [sflag:s0], s1  }
0x257: {  	s1 =	ssub.s32 @!p0 $0x0, s1;
	[sflag:s0] =	ssyncset.done @!p0 $0x0  }
0x258: {  	[sflag:s0] =	ssyncadd.s32 @!p0 s1  }
0x259: {  	[bflag:$0x3] =	sbarrier.arrive $0xFFFF  }
0x25a: {  	_ =	shalt  }

</sc_bundles>
